<compile_context>
chip_gen: v7x
topology: tpu7x:2x2x1
jax: 0.10.2.dev20260603
libtpu: 0.0.44.dev20260713+nightly
codegen_flags: <defaults>
</compile_context>

<pallas_src>
import functools

import jax
import jax.numpy as jnp
from jax import lax
from jax.experimental import pallas as pl
from jax.experimental.pallas import tpu as pltpu
from jax.experimental.pallas import tpu_sc as plsc

N = 10000
NP = 10240
E = 320000
EP = 327680
D = 128
NC = 2
NS = 16
NW = NC * NS
C = 128
CH = EP // (NW * C)
RPT = NP // NS

_mesh = plsc.VectorSubcoreMesh(core_axis_name="c", subcore_axis_name="s")


CH2 = EP // (NS * C)


def _deg_kernel_body(idx_hbm, ones_hbm, zrow_hbm, out_hbm,
                     cidx, ones_v, hist):
    c = lax.axis_index("c")
    s = lax.axis_index("s")
    pltpu.sync_copy(zrow_hbm, hist.at[pl.ds(s * RPT, RPT)])
    pltpu.sync_copy(ones_hbm, ones_v)
    pltpu.sync_copy(idx_hbm.at[c, s], cidx)
    plsc.subcore_barrier()

    def body(j, carry):
        pltpu.sync_copy(ones_v, hist.at[cidx.at[j]], add=True)
        return carry

    lax.fori_loop(0, CH2, body, 0)
    plsc.subcore_barrier()
    pltpu.sync_copy(hist.at[pl.ds(s * RPT, RPT)],
                    out_hbm.at[c, pl.ds(s * RPT, RPT)])


CH_A = 128
CH_B = 32
M2 = 16 * CH_A + 16 * CH_B + (CH_A - CH_B)


CB = 16


def _agg_kernel_body(src_hbm, dst_hbm, tab_hbm, zrow_hbm, out_hbm,
                     sidx, didx, rows_a, rows_b, acc, gsem_a, gsem_b):
    c = lax.axis_index("c")
    s = lax.axis_index("s")
    nch = jnp.where(c == 0, CH_A, CH_B)
    start = c * (16 * CH_A) + s * nch
    pltpu.sync_copy(zrow_hbm, acc.at[pl.ds(s * RPT, RPT)])
    plsc.subcore_barrier()

    def blk(b, carry):
        base = start + b * CB
        pltpu.sync_copy(src_hbm.at[pl.ds(base, CB)], sidx)
        pltpu.sync_copy(dst_hbm.at[pl.ds(base, CB)], didx)
        pltpu.async_copy(tab_hbm.at[sidx.at[0]], rows_a, gsem_a)

        def pair(t, carry2):
            j0 = 2 * t
            j1 = j0 + 1
            pltpu.make_async_copy(tab_hbm.at[sidx.at[j0]], rows_a,
                                  gsem_a).wait()
            pltpu.async_copy(tab_hbm.at[sidx.at[j1]], rows_b, gsem_b)
            pltpu.sync_copy(rows_a, acc.at[didx.at[j0]], add=True)
            pltpu.make_async_copy(tab_hbm.at[sidx.at[j1]], rows_b,
                                  gsem_b).wait()

            @pl.when(j0 + 2 < CB)
            def _():
                pltpu.async_copy(tab_hbm.at[sidx.at[j0 + 2]], rows_a,
                                 gsem_a)

            pltpu.sync_copy(rows_b, acc.at[didx.at[j1]], add=True)
            return carry2

        return lax.fori_loop(0, CB // 2, pair, carry)

    lax.fori_loop(0, nch // CB, blk, 0)
    plsc.subcore_barrier()
    pltpu.sync_copy(acc.at[pl.ds(s * RPT, RPT)],
                    out_hbm.at[c, pl.ds(s * RPT, RPT)])


_deg_kernel = functools.partial(
    pl.kernel,
    out_type=jax.ShapeDtypeStruct((NC, NP, D), jnp.float32),
    mesh=_mesh,
    scratch_types=[
        pltpu.VMEM((CH2, C), jnp.int32),
        pltpu.VMEM((C, D), jnp.float32),
        pltpu.VMEM_SHARED((NP, D), jnp.float32),
    ],
)(_deg_kernel_body)

_agg_kernel = functools.partial(
    pl.kernel,
    out_type=jax.ShapeDtypeStruct((NC, NP, D), jnp.float32),
    mesh=_mesh,
    scratch_types=[
        pltpu.VMEM((CB, C), jnp.int32),
        pltpu.VMEM((CB, C), jnp.int32),
        pltpu.VMEM((C, D), jnp.float32),
        pltpu.VMEM((C, D), jnp.float32),
        pltpu.VMEM_SHARED((NP, D), jnp.float32),
        pltpu.SemaphoreType.DMA,
        pltpu.SemaphoreType.DMA,
    ],
)(_agg_kernel_body)


_R = 1024


def _norm_from(deg_blk):
    return lax.rsqrt(jnp.maximum(deg_blk[:, :1], 1.0))


def _mm_scale_body(x_ref, w_ref, h_ref, o_ref):
    ns = _norm_from(h_ref[0])
    o_ref[...] = jnp.dot(x_ref[...], w_ref[...],
                         preferred_element_type=jnp.float32) * ns


def _post1_body(p_ref, h_ref, b_ref, w_ref, o_ref):
    nd = _norm_from(h_ref[1])
    ns = _norm_from(h_ref[0])
    hmid = jnp.maximum((p_ref[0] + p_ref[1]) * nd + b_ref[...], 0.0)
    o_ref[...] = jnp.dot(hmid, w_ref[...],
                         preferred_element_type=jnp.float32) * ns


def _post2_body(p_ref, h_ref, b_ref, o_ref):
    nd = _norm_from(h_ref[1])
    o_ref[...] = (p_ref[0] + p_ref[1]) * nd + b_ref[...]


_hist_spec = pl.BlockSpec((2, _R, D), lambda i: (0, i, 0))
_part_spec = pl.BlockSpec((NC, _R, D), lambda i: (0, i, 0))
_row_spec = pl.BlockSpec((_R, D), lambda i: (i, 0))
_w_spec = pl.BlockSpec((D, D), lambda i: (0, 0))
_b_spec = pl.BlockSpec((1, D), lambda i: (0, 0))
_grid = (NP // _R,)

_mm_scale = pl.pallas_call(
    _mm_scale_body,
    grid=_grid,
    in_specs=[_row_spec, _w_spec, _hist_spec],
    out_specs=_row_spec,
    out_shape=jax.ShapeDtypeStruct((NP, D), jnp.float32),
)

_post1 = pl.pallas_call(
    _post1_body,
    grid=_grid,
    in_specs=[_part_spec, _hist_spec, _b_spec, _w_spec],
    out_specs=_row_spec,
    out_shape=jax.ShapeDtypeStruct((NP, D), jnp.float32),
)

_post2 = pl.pallas_call(
    _post2_body,
    grid=_grid,
    in_specs=[_part_spec, _hist_spec, _b_spec],
    out_specs=_row_spec,
    out_shape=jax.ShapeDtypeStruct((NP, D), jnp.float32),
)


def kernel(x, edge_index, W1, b1, W2, b2):
    epad = jnp.pad(edge_index, ((0, 0), (0, EP - E)), constant_values=N)
    src2 = jnp.pad(epad[0].reshape(EP // C, C), ((0, CH_A - CH_B), (0, 0)),
                   constant_values=N)
    dst2 = jnp.pad(epad[1].reshape(EP // C, C), ((0, CH_A - CH_B), (0, 0)),
                   constant_values=N)
    xp = jnp.pad(x, ((0, NP - N), (0, 0)))
    zrow = jnp.zeros((RPT, D), jnp.float32)
    b1r = b1.reshape(1, D)
    b2r = b2.reshape(1, D)

    e2 = epad.reshape(2, NS, CH2, C)
    ones_rows = jnp.ones((C, D), jnp.float32)
    hist = _deg_kernel(e2, ones_rows, zrow)
    g1 = _mm_scale(xp, W1, hist)
    p1 = _agg_kernel(src2, dst2, g1, zrow)
    g2 = _post1(p1, hist, b1r, W2)
    p2 = _agg_kernel(src2, dst2, g2, zrow)
    return _post2(p2, hist, b2r)[:N]

# --- scband reference (transcript-rebuilt; emitter-appended) ---
"""Pipeline reference for scband-gcnnet-17918603559053 (READ-ONLY COPY).

The authoritative reference and input builder live on the scoring server;
editing this copy changes nothing except your own understanding.
"""

import jax, jax.numpy as jnp
import numpy as np

N = 10000
E = 320000
IN_DIM = 128
HID_DIM = 128
OUT_DIM = 128


def setup_inputs(seed: int = 0) -> dict:
    key = jax.random.key(seed)
    ks = jax.random.split(key, 6)
    x = jax.random.normal(ks[0], (N, IN_DIM), dtype=jnp.float32)
    edge_index = jax.random.randint(ks[1], (2, E), 0, N, dtype=jnp.int32)
    W1 = jax.random.normal(ks[2], (IN_DIM, HID_DIM), dtype=jnp.float32) * (1.0 / np.sqrt(IN_DIM))
    b1 = jnp.zeros((HID_DIM,), dtype=jnp.float32)
    W2 = jax.random.normal(ks[3], (HID_DIM, OUT_DIM), dtype=jnp.float32) * (1.0 / np.sqrt(HID_DIM))
    b2 = jnp.zeros((OUT_DIM,), dtype=jnp.float32)
    return {"x": x, "edge_index": edge_index, "W1": W1, "b1": b1, "W2": W2, "b2": b2}


def _gcn_layer(h, src, dst, W, b, act):
    # DGL GraphConv with norm='both': D_dst^{-1/2} A D_src^{-1/2} X W + b
    deg_out = jnp.bincount(src, length=N).astype(h.dtype)
    deg_in = jnp.bincount(dst, length=N).astype(h.dtype)
    norm_src = jnp.power(jnp.clip(deg_out, 1.0), -0.5)
    norm_dst = jnp.power(jnp.clip(deg_in, 1.0), -0.5)
    h = h * norm_src[:, None]
    h = h @ W
    msg = h[src]
    agg = jax.ops.segment_sum(msg, dst, num_segments=N)
    out = agg * norm_dst[:, None] + b
    if act is not None:
        out = act(out)
    return out


def reference(x, edge_index, W1, b1, W2, b2):
    src = edge_index[0]
    dst = edge_index[1]
    h = _gcn_layer(x, src, dst, W1, b1, jax.nn.relu)
    h = _gcn_layer(h, src, dst, W2, b2, None)
    return h

if __name__ == "__main__":
    import jax
    _d = setup_inputs()
    print(jax.jit(kernel)(*tuple(_d.values())))

</pallas_src>

<mosaic_0001>
#map = affine_map<(d0, d1) -> (0, 0, 0, 0)>
#map1 = affine_map<(d0, d1) -> (0, 0)>
#map2 = affine_map<(d0, d1) -> (0, 0, 0)>
module attributes {stable_mosaic.version = 14 : i64} {
  func.func @_deg_kernel_body(%arg0: i32, %arg1: i32, %arg2: memref<2x16x160x128xi32, #tpu.memory_space<hbm>>, %arg3: memref<128x128xf32, #tpu.memory_space<hbm>>, %arg4: memref<640x128xf32, #tpu.memory_space<hbm>>, %arg5: memref<2x10240x128xf32, #tpu.memory_space<hbm>>, %arg6: memref<160x128xi32, #tpu.memory_space<vmem>>, %arg7: memref<128x128xf32, #tpu.memory_space<vmem>>, %arg8: memref<10240x128xf32, #tpu.memory_space<vmem_shared>>) attributes {dimension_semantics = [#tpu.dimension_semantics<core_parallel>, #tpu.dimension_semantics<subcore_parallel>], iteration_bounds = array<i64: 2, 16>, scalar_prefetch = 0 : i64, scratch_operands = 3 : i64, tpu.core_type = #tpu.core_type<sc_vector_subcore>, window_params = [{transform_indices = #map}, {transform_indices = #map1}, {transform_indices = #map1}, {transform_indices = #map2}]} {
    %mul3A = arith.constant 640 : i32
    %mul3A_0 = arith.muli %arg1, %mul3A : i32
    "tpu.region"() ({
      %run_scoped3A = tpu.sem_alloc : memref<!tpu.dma_semaphore, #tpu.memory_space<semaphore_mem>>
      %dma_start3A = arith.constant 0 : i32
      %dma_start3A_11 = tpu.memref_slice %arg8[%mul3A_0, %dma_start3A] : memref<10240x128xf32, #tpu.memory_space<vmem_shared>> -> memref<640x128xf32, #tpu.memory_space<vmem_shared>>
      tpu.enqueue_dma source(%arg4 : memref<640x128xf32, #tpu.memory_space<hbm>>) target(%dma_start3A_11 : memref<640x128xf32, #tpu.memory_space<vmem_shared>>) target_semaphore(%run_scoped3A : memref<!tpu.dma_semaphore, #tpu.memory_space<semaphore_mem>>)
      %dma_wait3A = arith.constant 0 : i32
      %dma_wait3A_12 = tpu.memref_slice %arg8[%mul3A_0, %dma_wait3A] : memref<10240x128xf32, #tpu.memory_space<vmem_shared>> -> memref<640x128xf32, #tpu.memory_space<vmem_shared>>
      tpu.wait_dma2 semaphore(%run_scoped3A : memref<!tpu.dma_semaphore, #tpu.memory_space<semaphore_mem>>) src(%arg4 : memref<640x128xf32, #tpu.memory_space<hbm>>) dst(%dma_wait3A_12 : memref<640x128xf32, #tpu.memory_space<vmem_shared>>)
      tpu.yield
    }) : () -> ()
    "tpu.region"() ({
      %run_scoped3A = tpu.sem_alloc : memref<!tpu.dma_semaphore, #tpu.memory_space<semaphore_mem>>
      tpu.enqueue_dma source(%arg3 : memref<128x128xf32, #tpu.memory_space<hbm>>) target(%arg7 : memref<128x128xf32, #tpu.memory_space<vmem>>) target_semaphore(%run_scoped3A : memref<!tpu.dma_semaphore, #tpu.memory_space<semaphore_mem>>)
      tpu.wait_dma2 semaphore(%run_scoped3A : memref<!tpu.dma_semaphore, #tpu.memory_space<semaphore_mem>>) src(%arg3 : memref<128x128xf32, #tpu.memory_space<hbm>>) dst(%arg7 : memref<128x128xf32, #tpu.memory_space<vmem>>)
      tpu.yield
    }) : () -> ()
    "tpu.region"() ({
      %run_scoped3A = tpu.sem_alloc : memref<!tpu.dma_semaphore, #tpu.memory_space<semaphore_mem>>
      %dma_start3A = arith.constant 0 : i32
      %dma_start3A_11 = arith.constant 0 : i32
      %dma_start3A_12 = tpu.memref_slice %arg2[%arg0, %arg1, %dma_start3A, %dma_start3A_11] : memref<2x16x160x128xi32, #tpu.memory_space<hbm>> -> memref<1x1x160x128xi32, #tpu.memory_space<hbm>>
      %dma_start3A_13 = tpu.memref_squeeze %dma_start3A_12 : memref<1x1x160x128xi32, #tpu.memory_space<hbm>> -> memref<160x128xi32, #tpu.memory_space<hbm>>
      %dma_start3A_14 = arith.constant 0 : i32
      %dma_start3A_15 = arith.constant 0 : i32
      %dma_start3A_16 = tpu.memref_slice %arg2[%arg0, %arg1, %dma_start3A_14, %dma_start3A_15] : memref<2x16x160x128xi32, #tpu.memory_space<hbm>> -> memref<1x1x160x128xi32, #tpu.memory_space<hbm>>
      %dma_start3A_17 = tpu.memref_squeeze %dma_start3A_16 : memref<1x1x160x128xi32, #tpu.memory_space<hbm>> -> memref<160x128xi32, #tpu.memory_space<hbm>>
      tpu.enqueue_dma source(%dma_start3A_17 : memref<160x128xi32, #tpu.memory_space<hbm>>) target(%arg6 : memref<160x128xi32, #tpu.memory_space<vmem>>) target_semaphore(%run_scoped3A : memref<!tpu.dma_semaphore, #tpu.memory_space<semaphore_mem>>)
      %dma_wait3A = arith.constant 0 : i32
      %dma_wait3A_18 = arith.constant 0 : i32
      %dma_wait3A_19 = tpu.memref_slice %arg2[%arg0, %arg1, %dma_wait3A, %dma_wait3A_18] : memref<2x16x160x128xi32, #tpu.memory_space<hbm>> -> memref<1x1x160x128xi32, #tpu.memory_space<hbm>>
      %dma_wait3A_20 = tpu.memref_squeeze %dma_wait3A_19 : memref<1x1x160x128xi32, #tpu.memory_space<hbm>> -> memref<160x128xi32, #tpu.memory_space<hbm>>
      %dma_wait3A_21 = arith.constant 0 : i32
      %dma_wait3A_22 = arith.constant 0 : i32
      %dma_wait3A_23 = tpu.memref_slice %arg2[%arg0, %arg1, %dma_wait3A_21, %dma_wait3A_22] : memref<2x16x160x128xi32, #tpu.memory_space<hbm>> -> memref<1x1x160x128xi32, #tpu.memory_space<hbm>>
      %dma_wait3A_24 = tpu.memref_squeeze %dma_wait3A_23 : memref<1x1x160x128xi32, #tpu.memory_space<hbm>> -> memref<160x128xi32, #tpu.memory_space<hbm>>
      tpu.wait_dma2 semaphore(%run_scoped3A : memref<!tpu.dma_semaphore, #tpu.memory_space<semaphore_mem>>) src(%dma_wait3A_24 : memref<160x128xi32, #tpu.memory_space<hbm>>) dst(%arg6 : memref<160x128xi32, #tpu.memory_space<vmem>>)
      tpu.yield
    }) : () -> ()
    %barrier3A = arith.constant 0 : index
    tpu.barrier barrier_id(%barrier3A)
    %scan3A = arith.constant 0 : i32
    %scan3A_1 = arith.constant 0 : i32
    %scan3A_2 = arith.constant 160 : i32
    %scan3A_3 = arith.addi %scan3A_1, %scan3A_2 : i32
    %scan3A_4 = arith.constant 1 : i32
    scf.for %scan3A_11 = %scan3A_1 to %scan3A_3 step %scan3A_4  : i32 {
      "tpu.region"() ({
        %run_scoped3A = tpu.sem_alloc : memref<!tpu.dma_semaphore, #tpu.memory_space<semaphore_mem>>
        %dma_start3A = arith.constant 0 : i32
        %dma_start3A_12 = tpu.memref_slice %arg6[%scan3A_11, %dma_start3A] : memref<160x128xi32, #tpu.memory_space<vmem>> -> memref<1x128xi32, #tpu.memory_space<vmem>>
        %dma_start3A_13 = tpu.memref_squeeze %dma_start3A_12 : memref<1x128xi32, #tpu.memory_space<vmem>> -> memref<128xi32, #tpu.memory_space<vmem>>
        %dma_start3A_14 = arith.constant 0 : i32
        %dma_start3A_15 = arith.constant 0 : i32
        %dma_start3A_16 = tpu.memref_slice %arg8[%dma_start3A_14, %dma_start3A_15] : memref<10240x128xf32, #tpu.memory_space<vmem_shared>> -> memref<10240x128xf32, #tpu.memory_space<vmem_shared>>
        tpu.enqueue_indirect_dma source(%arg7 : memref<128x128xf32, #tpu.memory_space<vmem>>) target(%dma_start3A_16 : memref<10240x128xf32, #tpu.memory_space<vmem_shared>>) offsets(%dma_start3A_13 : memref<128xi32, #tpu.memory_space<vmem>>) semaphore(%run_scoped3A : memref<!tpu.dma_semaphore, #tpu.memory_space<semaphore_mem>>) {add = true}
        %dma_wait3A = arith.constant 0 : i32
        %dma_wait3A_17 = tpu.memref_slice %arg6[%scan3A_11, %dma_wait3A] : memref<160x128xi32, #tpu.memory_space<vmem>> -> memref<1x128xi32, #tpu.memory_space<vmem>>
        %dma_wait3A_18 = tpu.memref_squeeze %dma_wait3A_17 : memref<1x128xi32, #tpu.memory_space<vmem>> -> memref<128xi32, #tpu.memory_space<vmem>>
        %dma_wait3A_19 = arith.constant 0 : i32
        %dma_wait3A_20 = arith.constant 0 : i32
        %dma_wait3A_21 = tpu.memref_slice %arg8[%dma_wait3A_19, %dma_wait3A_20] : memref<10240x128xf32, #tpu.memory_space<vmem_shared>> -> memref<10240x128xf32, #tpu.memory_space<vmem_shared>>
        tpu.wait_indirect_dma semaphore(%run_scoped3A : memref<!tpu.dma_semaphore, #tpu.memory_space<semaphore_mem>>) src(%arg7 : memref<128x128xf32, #tpu.memory_space<vmem>>) dst(%dma_wait3A_21 : memref<10240x128xf32, #tpu.memory_space<vmem_shared>>)
        tpu.yield
      }) : () -> ()
    }
    %scan3A_5 = arith.constant 160 : i32
    %barrier3A_6 = arith.constant 0 : index
    tpu.barrier barrier_id(%barrier3A_6)
    %mul3A_7 = arith.constant 640 : i32
    %mul3A_8 = arith.muli %arg1, %mul3A_7 : i32
    %mul3A_9 = arith.constant 640 : i32
    %mul3A_10 = arith.muli %arg1, %mul3A_9 : i32
    "tpu.region"() ({
      %run_scoped3A = tpu.sem_alloc : memref<!tpu.dma_semaphore, #tpu.memory_space<semaphore_mem>>
      %dma_start3A = arith.constant 0 : i32
      %dma_start3A_11 = tpu.memref_slice %arg5[%arg0, %mul3A_10, %dma_start3A] : memref<2x10240x128xf32, #tpu.memory_space<hbm>> -> memref<1x640x128xf32, #tpu.memory_space<hbm>>
      %dma_start3A_12 = tpu.memref_squeeze %dma_start3A_11 : memref<1x640x128xf32, #tpu.memory_space<hbm>> -> memref<640x128xf32, #tpu.memory_space<hbm>>
      %dma_start3A_13 = arith.constant 0 : i32
      %dma_start3A_14 = tpu.memref_slice %arg8[%mul3A_8, %dma_start3A_13] : memref<10240x128xf32, #tpu.memory_space<vmem_shared>> -> memref<640x128xf32, #tpu.memory_space<vmem_shared>>
      tpu.enqueue_dma source(%dma_start3A_14 : memref<640x128xf32, #tpu.memory_space<vmem_shared>>) target(%dma_start3A_12 : memref<640x128xf32, #tpu.memory_space<hbm>>) target_semaphore(%run_scoped3A : memref<!tpu.dma_semaphore, #tpu.memory_space<semaphore_mem>>)
      %dma_wait3A = arith.constant 0 : i32
      %dma_wait3A_15 = tpu.memref_slice %arg5[%arg0, %mul3A_10, %dma_wait3A] : memref<2x10240x128xf32, #tpu.memory_space<hbm>> -> memref<1x640x128xf32, #tpu.memory_space<hbm>>
      %dma_wait3A_16 = tpu.memref_squeeze %dma_wait3A_15 : memref<1x640x128xf32, #tpu.memory_space<hbm>> -> memref<640x128xf32, #tpu.memory_space<hbm>>
      %dma_wait3A_17 = arith.constant 0 : i32
      %dma_wait3A_18 = tpu.memref_slice %arg8[%mul3A_8, %dma_wait3A_17] : memref<10240x128xf32, #tpu.memory_space<vmem_shared>> -> memref<640x128xf32, #tpu.memory_space<vmem_shared>>
      tpu.wait_dma2 semaphore(%run_scoped3A : memref<!tpu.dma_semaphore, #tpu.memory_space<semaphore_mem>>) src(%dma_wait3A_18 : memref<640x128xf32, #tpu.memory_space<vmem_shared>>) dst(%dma_wait3A_16 : memref<640x128xf32, #tpu.memory_space<hbm>>)
      tpu.yield
    }) : () -> ()
    return
  }
}

#map = affine_map<(d0, d1) -> (0, 0)>
#map1 = affine_map<(d0, d1) -> (0, 0, 0)>
module attributes {stable_mosaic.version = 14 : i64} {
  func.func @_agg_kernel_body(%arg0: i32, %arg1: i32, %arg2: memref<2656x128xi32, #tpu.memory_space<hbm>>, %arg3: memref<2656x128xi32, #tpu.memory_space<hbm>>, %arg4: memref<10240x128xf32, #tpu.memory_space<hbm>>, %arg5: memref<640x128xf32, #tpu.memory_space<hbm>>, %arg6: memref<2x10240x128xf32, #tpu.memory_space<hbm>>, %arg7: memref<16x128xi32, #tpu.memory_space<vmem>>, %arg8: memref<16x128xi32, #tpu.memory_space<vmem>>, %arg9: memref<128x128xf32, #tpu.memory_space<vmem>>, %arg10: memref<128x128xf32, #tpu.memory_space<vmem>>, %arg11: memref<10240x128xf32, #tpu.memory_space<vmem_shared>>, %arg12: memref<!tpu.dma_semaphore, #tpu.memory_space<semaphore_mem>>, %arg13: memref<!tpu.dma_semaphore, #tpu.memory_space<semaphore_mem>>) attributes {dimension_semantics = [#tpu.dimension_semantics<core_parallel>, #tpu.dimension_semantics<subcore_parallel>], iteration_bounds = array<i64: 2, 16>, scalar_prefetch = 0 : i64, scratch_operands = 7 : i64, tpu.core_type = #tpu.core_type<sc_vector_subcore>, window_params = [{transform_indices = #map}, {transform_indices = #map}, {transform_indices = #map}, {transform_indices = #map}, {transform_indices = #map1}]} {
    %eq3A = arith.constant 0 : i32
    %eq3A_0 = arith.cmpi eq, %arg0, %eq3A : i32
    %jit3A = arith.constant 128 : i32
    %jit3A_1 = arith.constant 32 : i32
    %select_n3A = arith.select %eq3A_0, %jit3A, %jit3A_1 : i32
    %mul3A = arith.constant 2048 : i32
    %mul3A_2 = arith.muli %arg0, %mul3A : i32
    %mul3A_3 = arith.muli %arg1, %select_n3A : i32
    %add3A = arith.addi %mul3A_2, %mul3A_3 : i32
    %mul3A_4 = arith.constant 640 : i32
    %mul3A_5 = arith.muli %arg1, %mul3A_4 : i32
    "tpu.region"() ({
      %run_scoped3A = tpu.sem_alloc : memref<!tpu.dma_semaphore, #tpu.memory_space<semaphore_mem>>
      %dma_start3A = arith.constant 0 : i32
      %dma_start3A_38 = tpu.memref_slice %arg11[%mul3A_5, %dma_start3A] : memref<10240x128xf32, #tpu.memory_space<vmem_shared>> -> memref<640x128xf32, #tpu.memory_space<vmem_shared>>
      tpu.enqueue_dma source(%arg5 : memref<640x128xf32, #tpu.memory_space<hbm>>) target(%dma_start3A_38 : memref<640x128xf32, #tpu.memory_space<vmem_shared>>) target_semaphore(%run_scoped3A : memref<!tpu.dma_semaphore, #tpu.memory_space<semaphore_mem>>)
      %dma_wait3A = arith.constant 0 : i32
      %dma_wait3A_39 = tpu.memref_slice %arg11[%mul3A_5, %dma_wait3A] : memref<10240x128xf32, #tpu.memory_space<vmem_shared>> -> memref<640x128xf32, #tpu.memory_space<vmem_shared>>
      tpu.wait_dma2 semaphore(%run_scoped3A : memref<!tpu.dma_semaphore, #tpu.memory_space<semaphore_mem>>) src(%arg5 : memref<640x128xf32, #tpu.memory_space<hbm>>) dst(%dma_wait3A_39 : memref<640x128xf32, #tpu.memory_space<vmem_shared>>)
      tpu.yield
    }) : () -> ()
    %barrier3A = arith.constant 0 : index
    tpu.barrier barrier_id(%barrier3A)
    %jit3A_6 = arith.constant 16 : i32
    %div3A = arith.divsi %select_n3A, %jit3A_6 : i32
    %sign3A = arith.constant 0 : i32
    %sign3A_7 = arith.cmpi sgt, %select_n3A, %sign3A : i32
    %sign3A_8 = arith.extui %sign3A_7 : i1 to i32
    %sign3A_9 = arith.constant 0 : i32
    %sign3A_10 = arith.cmpi slt, %select_n3A, %sign3A_9 : i32
    %sign3A_11 = arith.extui %sign3A_10 : i1 to i32
    %sign3A_12 = arith.subi %sign3A_8, %sign3A_11 : i32
    %sign3A_13 = arith.constant 0 : i32
    %sign3A_14 = arith.cmpi sgt, %jit3A_6, %sign3A_13 : i32
    %sign3A_15 = arith.extui %sign3A_14 : i1 to i32
    %sign3A_16 = arith.constant 0 : i32
    %sign3A_17 = arith.cmpi slt, %jit3A_6, %sign3A_16 : i32
    %sign3A_18 = arith.extui %sign3A_17 : i1 to i32
    %sign3A_19 = arith.subi %sign3A_15, %sign3A_18 : i32
    %ne3A = arith.cmpi ne, %sign3A_12, %sign3A_19 : i32
    %rem3A = arith.remsi %select_n3A, %jit3A_6 : i32
    %ne3A_20 = arith.constant 0 : i32
    %ne3A_21 = arith.cmpi ne, %rem3A, %ne3A_20 : i32
    %and3A = arith.andi %ne3A, %ne3A_21 : i1
    %sub3A = arith.constant 1 : i32
    %sub3A_22 = arith.subi %div3A, %sub3A : i32
    %select_n3A_23 = arith.select %and3A, %sub3A_22, %div3A : i32
    %while3A = arith.constant 0 : i32
    %while3A_24 = arith.constant 0 : i32
    %while3A_25 = arith.subi %select_n3A_23, %while3A_24 : i32
    %while3A_26 = arith.addi %while3A_24, %while3A_25 : i32
    %while3A_27 = arith.constant 1 : i32
    %while3A_28 = arith.divsi %while3A_25, %while3A_27 : i32
    %while3A_29 = arith.muli %while3A_28, %while3A_27 : i32
    %while3A_30 = arith.addi %while3A_24, %while3A_29 : i32
    %while3A_31 = arith.constant 1 : i32
    scf.for %while3A_38 = %while3A_24 to %while3A_30 step %while3A_31  : i32 {
      %mul3A_39 = arith.constant 16 : i32
      %mul3A_40 = arith.muli %while3A_38, %mul3A_39 : i32
      %add3A_41 = arith.addi %add3A, %mul3A_40 : i32
      "tpu.region"() ({
        %run_scoped3A = tpu.sem_alloc : memref<!tpu.dma_semaphore, #tpu.memory_space<semaphore_mem>>
        %dma_start3A_52 = arith.constant 0 : i32
        %dma_start3A_53 = tpu.memref_slice %arg2[%add3A_41, %dma_start3A_52] : memref<2656x128xi32, #tpu.memory_space<hbm>> -> memref<16x128xi32, #tpu.memory_space<hbm>>
        %dma_start3A_54 = arith.constant 0 : i32
        %dma_start3A_55 = tpu.memref_slice %arg2[%add3A_41, %dma_start3A_54] : memref<2656x128xi32, #tpu.memory_space<hbm>> -> memref<16x128xi32, #tpu.memory_space<hbm>>
        tpu.enqueue_dma source(%dma_start3A_55 : memref<16x128xi32, #tpu.memory_space<hbm>>) target(%arg7 : memref<16x128xi32, #tpu.memory_space<vmem>>) target_semaphore(%run_scoped3A : memref<!tpu.dma_semaphore, #tpu.memory_space<semaphore_mem>>)
        %dma_wait3A = arith.constant 0 : i32
        %dma_wait3A_56 = tpu.memref_slice %arg2[%add3A_41, %dma_wait3A] : memref<2656x128xi32, #tpu.memory_space<hbm>> -> memref<16x128xi32, #tpu.memory_space<hbm>>
        %dma_wait3A_57 = arith.constant 0 : i32
        %dma_wait3A_58 = tpu.memref_slice %arg2[%add3A_41, %dma_wait3A_57] : memref<2656x128xi32, #tpu.memory_space<hbm>> -> memref<16x128xi32, #tpu.memory_space<hbm>>
        tpu.wait_dma2 semaphore(%run_scoped3A : memref<!tpu.dma_semaphore, #tpu.memory_space<semaphore_mem>>) src(%dma_wait3A_58 : memref<16x128xi32, #tpu.memory_space<hbm>>) dst(%arg7 : memref<16x128xi32, #tpu.memory_space<vmem>>)
        tpu.yield
      }) : () -> ()
      "tpu.region"() ({
        %run_scoped3A = tpu.sem_alloc : memref<!tpu.dma_semaphore, #tpu.memory_space<semaphore_mem>>
        %dma_start3A_52 = arith.constant 0 : i32
        %dma_start3A_53 = tpu.memref_slice %arg3[%add3A_41, %dma_start3A_52] : memref<2656x128xi32, #tpu.memory_space<hbm>> -> memref<16x128xi32, #tpu.memory_space<hbm>>
        %dma_start3A_54 = arith.constant 0 : i32
        %dma_start3A_55 = tpu.memref_slice %arg3[%add3A_41, %dma_start3A_54] : memref<2656x128xi32, #tpu.memory_space<hbm>> -> memref<16x128xi32, #tpu.memory_space<hbm>>
        tpu.enqueue_dma source(%dma_start3A_55 : memref<16x128xi32, #tpu.memory_space<hbm>>) target(%arg8 : memref<16x128xi32, #tpu.memory_space<vmem>>) target_semaphore(%run_scoped3A : memref<!tpu.dma_semaphore, #tpu.memory_space<semaphore_mem>>)
        %dma_wait3A = arith.constant 0 : i32
        %dma_wait3A_56 = tpu.memref_slice %arg3[%add3A_41, %dma_wait3A] : memref<2656x128xi32, #tpu.memory_space<hbm>> -> memref<16x128xi32, #tpu.memory_space<hbm>>
        %dma_wait3A_57 = arith.constant 0 : i32
        %dma_wait3A_58 = tpu.memref_slice %arg3[%add3A_41, %dma_wait3A_57] : memref<2656x128xi32, #tpu.memory_space<hbm>> -> memref<16x128xi32, #tpu.memory_space<hbm>>
        tpu.wait_dma2 semaphore(%run_scoped3A : memref<!tpu.dma_semaphore, #tpu.memory_space<semaphore_mem>>) src(%dma_wait3A_58 : memref<16x128xi32, #tpu.memory_space<hbm>>) dst(%arg8 : memref<16x128xi32, #tpu.memory_space<vmem>>)
        tpu.yield
      }) : () -> ()
      %dma_start3A = arith.constant 0 : i32
      %dma_start3A_42 = arith.constant 0 : i32
      %dma_start3A_43 = tpu.memref_slice %arg7[%dma_start3A, %dma_start3A_42] : memref<16x128xi32, #tpu.memory_space<vmem>> -> memref<1x128xi32, #tpu.memory_space<vmem>>
      %dma_start3A_44 = tpu.memref_squeeze %dma_start3A_43 : memref<1x128xi32, #tpu.memory_space<vmem>> -> memref<128xi32, #tpu.memory_space<vmem>>
      %dma_start3A_45 = arith.constant 0 : i32
      %dma_start3A_46 = arith.constant 0 : i32
      %dma_start3A_47 = tpu.memref_slice %arg4[%dma_start3A_45, %dma_start3A_46] : memref<10240x128xf32, #tpu.memory_space<hbm>> -> memref<10240x128xf32, #tpu.memory_space<hbm>>
      tpu.enqueue_indirect_dma source(%dma_start3A_47 : memref<10240x128xf32, #tpu.memory_space<hbm>>) target(%arg9 : memref<128x128xf32, #tpu.memory_space<vmem>>) offsets(%dma_start3A_44 : memref<128xi32, #tpu.memory_space<vmem>>) semaphore(%arg12 : memref<!tpu.dma_semaphore, #tpu.memory_space<semaphore_mem>>)
      %scan3A = arith.constant 0 : i32
      %scan3A_48 = arith.constant 8 : i32
      %scan3A_49 = arith.addi %scan3A, %scan3A_48 : i32
      %scan3A_50 = arith.constant 1 : i32
      scf.for %scan3A_52 = %scan3A to %scan3A_49 step %scan3A_50  : i32 {
        %mul3A_53 = arith.constant 2 : i32
        %mul3A_54 = arith.muli %mul3A_53, %scan3A_52 : i32
        %add3A_55 = arith.constant 1 : i32
        %add3A_56 = arith.addi %mul3A_54, %add3A_55 : i32
        %dma_wait3A = arith.constant 0 : i32
        %dma_wait3A_57 = tpu.memref_slice %arg7[%mul3A_54, %dma_wait3A] : memref<16x128xi32, #tpu.memory_space<vmem>> -> memref<1x128xi32, #tpu.memory_space<vmem>>
        %dma_wait3A_58 = tpu.memref_squeeze %dma_wait3A_57 : memref<1x128xi32, #tpu.memory_space<vmem>> -> memref<128xi32, #tpu.memory_space<vmem>>
        %dma_wait3A_59 = arith.constant 0 : i32
        %dma_wait3A_60 = arith.constant 0 : i32
        %dma_wait3A_61 = tpu.memref_slice %arg4[%dma_wait3A_59, %dma_wait3A_60] : memref<10240x128xf32, #tpu.memory_space<hbm>> -> memref<10240x128xf32, #tpu.memory_space<hbm>>
        tpu.wait_indirect_dma semaphore(%arg12 : memref<!tpu.dma_semaphore, #tpu.memory_space<semaphore_mem>>) src(%dma_wait3A_61 : memref<10240x128xf32, #tpu.memory_space<hbm>>) dst(%arg9 : memref<128x128xf32, #tpu.memory_space<vmem>>)
        %dma_start3A_62 = arith.constant 0 : i32
        %dma_start3A_63 = tpu.memref_slice %arg7[%add3A_56, %dma_start3A_62] : memref<16x128xi32, #tpu.memory_space<vmem>> -> memref<1x128xi32, #tpu.memory_space<vmem>>
        %dma_start3A_64 = tpu.memref_squeeze %dma_start3A_63 : memref<1x128xi32, #tpu.memory_space<vmem>> -> memref<128xi32, #tpu.memory_space<vmem>>
        %dma_start3A_65 = arith.constant 0 : i32
        %dma_start3A_66 = arith.constant 0 : i32
        %dma_start3A_67 = tpu.memref_slice %arg4[%dma_start3A_65, %dma_start3A_66] : memref<10240x128xf32, #tpu.memory_space<hbm>> -> memref<10240x128xf32, #tpu.memory_space<hbm>>
        tpu.enqueue_indirect_dma source(%dma_start3A_67 : memref<10240x128xf32, #tpu.memory_space<hbm>>) target(%arg10 : memref<128x128xf32, #tpu.memory_space<vmem>>) offsets(%dma_start3A_64 : memref<128xi32, #tpu.memory_space<vmem>>) semaphore(%arg13 : memref<!tpu.dma_semaphore, #tpu.memory_space<semaphore_mem>>)
        "tpu.region"() ({
          %run_scoped3A = tpu.sem_alloc : memref<!tpu.dma_semaphore, #tpu.memory_space<semaphore_mem>>
          %dma_start3A_78 = arith.constant 0 : i32
          %dma_start3A_79 = tpu.memref_slice %arg8[%mul3A_54, %dma_start3A_78] : memref<16x128xi32, #tpu.memory_space<vmem>> -> memref<1x128xi32, #tpu.memory_space<vmem>>
          %dma_start3A_80 = tpu.memref_squeeze %dma_start3A_79 : memref<1x128xi32, #tpu.memory_space<vmem>> -> memref<128xi32, #tpu.memory_space<vmem>>
          %dma_start3A_81 = arith.constant 0 : i32
          %dma_start3A_82 = arith.constant 0 : i32
          %dma_start3A_83 = tpu.memref_slice %arg11[%dma_start3A_81, %dma_start3A_82] : memref<10240x128xf32, #tpu.memory_space<vmem_shared>> -> memref<10240x128xf32, #tpu.memory_space<vmem_shared>>
          tpu.enqueue_indirect_dma source(%arg9 : memref<128x128xf32, #tpu.memory_space<vmem>>) target(%dma_start3A_83 : memref<10240x128xf32, #tpu.memory_space<vmem_shared>>) offsets(%dma_start3A_80 : memref<128xi32, #tpu.memory_space<vmem>>) semaphore(%run_scoped3A : memref<!tpu.dma_semaphore, #tpu.memory_space<semaphore_mem>>) {add = true}
          %dma_wait3A_84 = arith.constant 0 : i32
          %dma_wait3A_85 = tpu.memref_slice %arg8[%mul3A_54, %dma_wait3A_84] : memref<16x128xi32, #tpu.memory_space<vmem>> -> memref<1x128xi32, #tpu.memory_space<vmem>>
          %dma_wait3A_86 = tpu.memref_squeeze %dma_wait3A_85 : memref<1x128xi32, #tpu.memory_space<vmem>> -> memref<128xi32, #tpu.memory_space<vmem>>
          %dma_wait3A_87 = arith.constant 0 : i32
          %dma_wait3A_88 = arith.constant 0 : i32
          %dma_wait3A_89 = tpu.memref_slice %arg11[%dma_wait3A_87, %dma_wait3A_88] : memref<10240x128xf32, #tpu.memory_space<vmem_shared>> -> memref<10240x128xf32, #tpu.memory_space<vmem_shared>>
          tpu.wait_indirect_dma semaphore(%run_scoped3A : memref<!tpu.dma_semaphore, #tpu.memory_space<semaphore_mem>>) src(%arg9 : memref<128x128xf32, #tpu.memory_space<vmem>>) dst(%dma_wait3A_89 : memref<10240x128xf32, #tpu.memory_space<vmem_shared>>)
          tpu.yield
        }) : () -> ()
        %dma_wait3A_68 = arith.constant 0 : i32
        %dma_wait3A_69 = tpu.memref_slice %arg7[%add3A_56, %dma_wait3A_68] : memref<16x128xi32, #tpu.memory_space<vmem>> -> memref<1x128xi32, #tpu.memory_space<vmem>>
        %dma_wait3A_70 = tpu.memref_squeeze %dma_wait3A_69 : memref<1x128xi32, #tpu.memory_space<vmem>> -> memref<128xi32, #tpu.memory_space<vmem>>
        %dma_wait3A_71 = arith.constant 0 : i32
        %dma_wait3A_72 = arith.constant 0 : i32
        %dma_wait3A_73 = tpu.memref_slice %arg4[%dma_wait3A_71, %dma_wait3A_72] : memref<10240x128xf32, #tpu.memory_space<hbm>> -> memref<10240x128xf32, #tpu.memory_space<hbm>>
        tpu.wait_indirect_dma semaphore(%arg13 : memref<!tpu.dma_semaphore, #tpu.memory_space<semaphore_mem>>) src(%dma_wait3A_73 : memref<10240x128xf32, #tpu.memory_space<hbm>>) dst(%arg10 : memref<128x128xf32, #tpu.memory_space<vmem>>)
        %add3A_74 = arith.constant 2 : i32
        %add3A_75 = arith.addi %mul3A_54, %add3A_74 : i32
        %lt3A = arith.constant 16 : i32
        %lt3A_76 = arith.cmpi slt, %add3A_75, %lt3A : i32
        %convert_element_type3A = arith.extui %lt3A_76 : i1 to i32
        %cond3A = arith.constant 0 : i32
        %cond3A_77 = arith.cmpi ne, %convert_element_type3A, %cond3A : i32
        scf.if %cond3A_77 {
          %add3A_78 = arith.constant 2 : i32
          %add3A_79 = arith.addi %mul3A_54, %add3A_78 : i32
          %dma_start3A_80 = arith.constant 0 : i32
          %dma_start3A_81 = tpu.memref_slice %arg7[%add3A_79, %dma_start3A_80] : memref<16x128xi32, #tpu.memory_space<vmem>> -> memref<1x128xi32, #tpu.memory_space<vmem>>
          %dma_start3A_82 = tpu.memref_squeeze %dma_start3A_81 : memref<1x128xi32, #tpu.memory_space<vmem>> -> memref<128xi32, #tpu.memory_space<vmem>>
          %dma_start3A_83 = arith.constant 0 : i32
          %dma_start3A_84 = arith.constant 0 : i32
          %dma_start3A_85 = tpu.memref_slice %arg4[%dma_start3A_83, %dma_start3A_84] : memref<10240x128xf32, #tpu.memory_space<hbm>> -> memref<10240x128xf32, #tpu.memory_space<hbm>>
          tpu.enqueue_indirect_dma source(%dma_start3A_85 : memref<10240x128xf32, #tpu.memory_space<hbm>>) target(%arg9 : memref<128x128xf32, #tpu.memory_space<vmem>>) offsets(%dma_start3A_82 : memref<128xi32, #tpu.memory_space<vmem>>) semaphore(%arg12 : memref<!tpu.dma_semaphore, #tpu.memory_space<semaphore_mem>>)
        } else {
        }
        "tpu.region"() ({
          %run_scoped3A = tpu.sem_alloc : memref<!tpu.dma_semaphore, #tpu.memory_space<semaphore_mem>>
          %dma_start3A_78 = arith.constant 0 : i32
          %dma_start3A_79 = tpu.memref_slice %arg8[%add3A_56, %dma_start3A_78] : memref<16x128xi32, #tpu.memory_space<vmem>> -> memref<1x128xi32, #tpu.memory_space<vmem>>
          %dma_start3A_80 = tpu.memref_squeeze %dma_start3A_79 : memref<1x128xi32, #tpu.memory_space<vmem>> -> memref<128xi32, #tpu.memory_space<vmem>>
          %dma_start3A_81 = arith.constant 0 : i32
          %dma_start3A_82 = arith.constant 0 : i32
          %dma_start3A_83 = tpu.memref_slice %arg11[%dma_start3A_81, %dma_start3A_82] : memref<10240x128xf32, #tpu.memory_space<vmem_shared>> -> memref<10240x128xf32, #tpu.memory_space<vmem_shared>>
          tpu.enqueue_indirect_dma source(%arg10 : memref<128x128xf32, #tpu.memory_space<vmem>>) target(%dma_start3A_83 : memref<10240x128xf32, #tpu.memory_space<vmem_shared>>) offsets(%dma_start3A_80 : memref<128xi32, #tpu.memory_space<vmem>>) semaphore(%run_scoped3A : memref<!tpu.dma_semaphore, #tpu.memory_space<semaphore_mem>>) {add = true}
          %dma_wait3A_84 = arith.constant 0 : i32
          %dma_wait3A_85 = tpu.memref_slice %arg8[%add3A_56, %dma_wait3A_84] : memref<16x128xi32, #tpu.memory_space<vmem>> -> memref<1x128xi32, #tpu.memory_space<vmem>>
          %dma_wait3A_86 = tpu.memref_squeeze %dma_wait3A_85 : memref<1x128xi32, #tpu.memory_space<vmem>> -> memref<128xi32, #tpu.memory_space<vmem>>
          %dma_wait3A_87 = arith.constant 0 : i32
          %dma_wait3A_88 = arith.constant 0 : i32
          %dma_wait3A_89 = tpu.memref_slice %arg11[%dma_wait3A_87, %dma_wait3A_88] : memref<10240x128xf32, #tpu.memory_space<vmem_shared>> -> memref<10240x128xf32, #tpu.memory_space<vmem_shared>>
          tpu.wait_indirect_dma semaphore(%run_scoped3A : memref<!tpu.dma_semaphore, #tpu.memory_space<semaphore_mem>>) src(%arg10 : memref<128x128xf32, #tpu.memory_space<vmem>>) dst(%dma_wait3A_89 : memref<10240x128xf32, #tpu.memory_space<vmem_shared>>)
          tpu.yield
        }) : () -> ()
      }
      %scan3A_51 = arith.constant 8 : i32
    }
    %while3A_32 = arith.constant 1 : i32
    scf.for %while3A_38 = %while3A_30 to %while3A_26 step %while3A_32  : i32 {
      %mul3A_39 = arith.constant 16 : i32
      %mul3A_40 = arith.muli %while3A_38, %mul3A_39 : i32
      %add3A_41 = arith.addi %add3A, %mul3A_40 : i32
      "tpu.region"() ({
        %run_scoped3A = tpu.sem_alloc : memref<!tpu.dma_semaphore, #tpu.memory_space<semaphore_mem>>
        %dma_start3A_52 = arith.constant 0 : i32
        %dma_start3A_53 = tpu.memref_slice %arg2[%add3A_41, %dma_start3A_52] : memref<2656x128xi32, #tpu.memory_space<hbm>> -> memref<16x128xi32, #tpu.memory_space<hbm>>
        %dma_start3A_54 = arith.constant 0 : i32
        %dma_start3A_55 = tpu.memref_slice %arg2[%add3A_41, %dma_start3A_54] : memref<2656x128xi32, #tpu.memory_space<hbm>> -> memref<16x128xi32, #tpu.memory_space<hbm>>
        tpu.enqueue_dma source(%dma_start3A_55 : memref<16x128xi32, #tpu.memory_space<hbm>>) target(%arg7 : memref<16x128xi32, #tpu.memory_space<vmem>>) target_semaphore(%run_scoped3A : memref<!tpu.dma_semaphore, #tpu.memory_space<semaphore_mem>>)
        %dma_wait3A = arith.constant 0 : i32
        %dma_wait3A_56 = tpu.memref_slice %arg2[%add3A_41, %dma_wait3A] : memref<2656x128xi32, #tpu.memory_space<hbm>> -> memref<16x128xi32, #tpu.memory_space<hbm>>
        %dma_wait3A_57 = arith.constant 0 : i32
        %dma_wait3A_58 = tpu.memref_slice %arg2[%add3A_41, %dma_wait3A_57] : memref<2656x128xi32, #tpu.memory_space<hbm>> -> memref<16x128xi32, #tpu.memory_space<hbm>>
        tpu.wait_dma2 semaphore(%run_scoped3A : memref<!tpu.dma_semaphore, #tpu.memory_space<semaphore_mem>>) src(%dma_wait3A_58 : memref<16x128xi32, #tpu.memory_space<hbm>>) dst(%arg7 : memref<16x128xi32, #tpu.memory_space<vmem>>)
        tpu.yield
      }) : () -> ()
      "tpu.region"() ({
        %run_scoped3A = tpu.sem_alloc : memref<!tpu.dma_semaphore, #tpu.memory_space<semaphore_mem>>
        %dma_start3A_52 = arith.constant 0 : i32
        %dma_start3A_53 = tpu.memref_slice %arg3[%add3A_41, %dma_start3A_52] : memref<2656x128xi32, #tpu.memory_space<hbm>> -> memref<16x128xi32, #tpu.memory_space<hbm>>
        %dma_start3A_54 = arith.constant 0 : i32
        %dma_start3A_55 = tpu.memref_slice %arg3[%add3A_41, %dma_start3A_54] : memref<2656x128xi32, #tpu.memory_space<hbm>> -> memref<16x128xi32, #tpu.memory_space<hbm>>
        tpu.enqueue_dma source(%dma_start3A_55 : memref<16x128xi32, #tpu.memory_space<hbm>>) target(%arg8 : memref<16x128xi32, #tpu.memory_space<vmem>>) target_semaphore(%run_scoped3A : memref<!tpu.dma_semaphore, #tpu.memory_space<semaphore_mem>>)
        %dma_wait3A = arith.constant 0 : i32
        %dma_wait3A_56 = tpu.memref_slice %arg3[%add3A_41, %dma_wait3A] : memref<2656x128xi32, #tpu.memory_space<hbm>> -> memref<16x128xi32, #tpu.memory_space<hbm>>
        %dma_wait3A_57 = arith.constant 0 : i32
        %dma_wait3A_58 = tpu.memref_slice %arg3[%add3A_41, %dma_wait3A_57] : memref<2656x128xi32, #tpu.memory_space<hbm>> -> memref<16x128xi32, #tpu.memory_space<hbm>>
        tpu.wait_dma2 semaphore(%run_scoped3A : memref<!tpu.dma_semaphore, #tpu.memory_space<semaphore_mem>>) src(%dma_wait3A_58 : memref<16x128xi32, #tpu.memory_space<hbm>>) dst(%arg8 : memref<16x128xi32, #tpu.memory_space<vmem>>)
        tpu.yield
      }) : () -> ()
      %dma_start3A = arith.constant 0 : i32
      %dma_start3A_42 = arith.constant 0 : i32
      %dma_start3A_43 = tpu.memref_slice %arg7[%dma_start3A, %dma_start3A_42] : memref<16x128xi32, #tpu.memory_space<vmem>> -> memref<1x128xi32, #tpu.memory_space<vmem>>
      %dma_start3A_44 = tpu.memref_squeeze %dma_start3A_43 : memref<1x128xi32, #tpu.memory_space<vmem>> -> memref<128xi32, #tpu.memory_space<vmem>>
      %dma_start3A_45 = arith.constant 0 : i32
      %dma_start3A_46 = arith.constant 0 : i32
      %dma_start3A_47 = tpu.memref_slice %arg4[%dma_start3A_45, %dma_start3A_46] : memref<10240x128xf32, #tpu.memory_space<hbm>> -> memref<10240x128xf32, #tpu.memory_space<hbm>>
      tpu.enqueue_indirect_dma source(%dma_start3A_47 : memref<10240x128xf32, #tpu.memory_space<hbm>>) target(%arg9 : memref<128x128xf32, #tpu.memory_space<vmem>>) offsets(%dma_start3A_44 : memref<128xi32, #tpu.memory_space<vmem>>) semaphore(%arg12 : memref<!tpu.dma_semaphore, #tpu.memory_space<semaphore_mem>>)
      %scan3A = arith.constant 0 : i32
      %scan3A_48 = arith.constant 8 : i32
      %scan3A_49 = arith.addi %scan3A, %scan3A_48 : i32
      %scan3A_50 = arith.constant 1 : i32
      scf.for %scan3A_52 = %scan3A to %scan3A_49 step %scan3A_50  : i32 {
        %mul3A_53 = arith.constant 2 : i32
        %mul3A_54 = arith.muli %mul3A_53, %scan3A_52 : i32
        %add3A_55 = arith.constant 1 : i32
        %add3A_56 = arith.addi %mul3A_54, %add3A_55 : i32
        %dma_wait3A = arith.constant 0 : i32
        %dma_wait3A_57 = tpu.memref_slice %arg7[%mul3A_54, %dma_wait3A] : memref<16x128xi32, #tpu.memory_space<vmem>> -> memref<1x128xi32, #tpu.memory_space<vmem>>
        %dma_wait3A_58 = tpu.memref_squeeze %dma_wait3A_57 : memref<1x128xi32, #tpu.memory_space<vmem>> -> memref<128xi32, #tpu.memory_space<vmem>>
        %dma_wait3A_59 = arith.constant 0 : i32
        %dma_wait3A_60 = arith.constant 0 : i32
        %dma_wait3A_61 = tpu.memref_slice %arg4[%dma_wait3A_59, %dma_wait3A_60] : memref<10240x128xf32, #tpu.memory_space<hbm>> -> memref<10240x128xf32, #tpu.memory_space<hbm>>
        tpu.wait_indirect_dma semaphore(%arg12 : memref<!tpu.dma_semaphore, #tpu.memory_space<semaphore_mem>>) src(%dma_wait3A_61 : memref<10240x128xf32, #tpu.memory_space<hbm>>) dst(%arg9 : memref<128x128xf32, #tpu.memory_space<vmem>>)
        %dma_start3A_62 = arith.constant 0 : i32
        %dma_start3A_63 = tpu.memref_slice %arg7[%add3A_56, %dma_start3A_62] : memref<16x128xi32, #tpu.memory_space<vmem>> -> memref<1x128xi32, #tpu.memory_space<vmem>>
        %dma_start3A_64 = tpu.memref_squeeze %dma_start3A_63 : memref<1x128xi32, #tpu.memory_space<vmem>> -> memref<128xi32, #tpu.memory_space<vmem>>
        %dma_start3A_65 = arith.constant 0 : i32
        %dma_start3A_66 = arith.constant 0 : i32
        %dma_start3A_67 = tpu.memref_slice %arg4[%dma_start3A_65, %dma_start3A_66] : memref<10240x128xf32, #tpu.memory_space<hbm>> -> memref<10240x128xf32, #tpu.memory_space<hbm>>
        tpu.enqueue_indirect_dma source(%dma_start3A_67 : memref<10240x128xf32, #tpu.memory_space<hbm>>) target(%arg10 : memref<128x128xf32, #tpu.memory_space<vmem>>) offsets(%dma_start3A_64 : memref<128xi32, #tpu.memory_space<vmem>>) semaphore(%arg13 : memref<!tpu.dma_semaphore, #tpu.memory_space<semaphore_mem>>)
        "tpu.region"() ({
          %run_scoped3A = tpu.sem_alloc : memref<!tpu.dma_semaphore, #tpu.memory_space<semaphore_mem>>
          %dma_start3A_78 = arith.constant 0 : i32
          %dma_start3A_79 = tpu.memref_slice %arg8[%mul3A_54, %dma_start3A_78] : memref<16x128xi32, #tpu.memory_space<vmem>> -> memref<1x128xi32, #tpu.memory_space<vmem>>
          %dma_start3A_80 = tpu.memref_squeeze %dma_start3A_79 : memref<1x128xi32, #tpu.memory_space<vmem>> -> memref<128xi32, #tpu.memory_space<vmem>>
          %dma_start3A_81 = arith.constant 0 : i32
          %dma_start3A_82 = arith.constant 0 : i32
          %dma_start3A_83 = tpu.memref_slice %arg11[%dma_start3A_81, %dma_start3A_82] : memref<10240x128xf32, #tpu.memory_space<vmem_shared>> -> memref<10240x128xf32, #tpu.memory_space<vmem_shared>>
          tpu.enqueue_indirect_dma source(%arg9 : memref<128x128xf32, #tpu.memory_space<vmem>>) target(%dma_start3A_83 : memref<10240x128xf32, #tpu.memory_space<vmem_shared>>) offsets(%dma_start3A_80 : memref<128xi32, #tpu.memory_space<vmem>>) semaphore(%run_scoped3A : memref<!tpu.dma_semaphore, #tpu.memory_space<semaphore_mem>>) {add = true}
          %dma_wait3A_84 = arith.constant 0 : i32
          %dma_wait3A_85 = tpu.memref_slice %arg8[%mul3A_54, %dma_wait3A_84] : memref<16x128xi32, #tpu.memory_space<vmem>> -> memref<1x128xi32, #tpu.memory_space<vmem>>
          %dma_wait3A_86 = tpu.memref_squeeze %dma_wait3A_85 : memref<1x128xi32, #tpu.memory_space<vmem>> -> memref<128xi32, #tpu.memory_space<vmem>>
          %dma_wait3A_87 = arith.constant 0 : i32
          %dma_wait3A_88 = arith.constant 0 : i32
          %dma_wait3A_89 = tpu.memref_slice %arg11[%dma_wait3A_87, %dma_wait3A_88] : memref<10240x128xf32, #tpu.memory_space<vmem_shared>> -> memref<10240x128xf32, #tpu.memory_space<vmem_shared>>
          tpu.wait_indirect_dma semaphore(%run_scoped3A : memref<!tpu.dma_semaphore, #tpu.memory_space<semaphore_mem>>) src(%arg9 : memref<128x128xf32, #tpu.memory_space<vmem>>) dst(%dma_wait3A_89 : memref<10240x128xf32, #tpu.memory_space<vmem_shared>>)
          tpu.yield
        }) : () -> ()
        %dma_wait3A_68 = arith.constant 0 : i32
        %dma_wait3A_69 = tpu.memref_slice %arg7[%add3A_56, %dma_wait3A_68] : memref<16x128xi32, #tpu.memory_space<vmem>> -> memref<1x128xi32, #tpu.memory_space<vmem>>
        %dma_wait3A_70 = tpu.memref_squeeze %dma_wait3A_69 : memref<1x128xi32, #tpu.memory_space<vmem>> -> memref<128xi32, #tpu.memory_space<vmem>>
        %dma_wait3A_71 = arith.constant 0 : i32
        %dma_wait3A_72 = arith.constant 0 : i32
        %dma_wait3A_73 = tpu.memref_slice %arg4[%dma_wait3A_71, %dma_wait3A_72] : memref<10240x128xf32, #tpu.memory_space<hbm>> -> memref<10240x128xf32, #tpu.memory_space<hbm>>
        tpu.wait_indirect_dma semaphore(%arg13 : memref<!tpu.dma_semaphore, #tpu.memory_space<semaphore_mem>>) src(%dma_wait3A_73 : memref<10240x128xf32, #tpu.memory_space<hbm>>) dst(%arg10 : memref<128x128xf32, #tpu.memory_space<vmem>>)
        %add3A_74 = arith.constant 2 : i32
        %add3A_75 = arith.addi %mul3A_54, %add3A_74 : i32
        %lt3A = arith.constant 16 : i32
        %lt3A_76 = arith.cmpi slt, %add3A_75, %lt3A : i32
        %convert_element_type3A = arith.extui %lt3A_76 : i1 to i32
        %cond3A = arith.constant 0 : i32
        %cond3A_77 = arith.cmpi ne, %convert_element_type3A, %cond3A : i32
        scf.if %cond3A_77 {
          %add3A_78 = arith.constant 2 : i32
          %add3A_79 = arith.addi %mul3A_54, %add3A_78 : i32
          %dma_start3A_80 = arith.constant 0 : i32
          %dma_start3A_81 = tpu.memref_slice %arg7[%add3A_79, %dma_start3A_80] : memref<16x128xi32, #tpu.memory_space<vmem>> -> memref<1x128xi32, #tpu.memory_space<vmem>>
          %dma_start3A_82 = tpu.memref_squeeze %dma_start3A_81 : memref<1x128xi32, #tpu.memory_space<vmem>> -> memref<128xi32, #tpu.memory_space<vmem>>
          %dma_start3A_83 = arith.constant 0 : i32
          %dma_start3A_84 = arith.constant 0 : i32
          %dma_start3A_85 = tpu.memref_slice %arg4[%dma_start3A_83, %dma_start3A_84] : memref<10240x128xf32, #tpu.memory_space<hbm>> -> memref<10240x128xf32, #tpu.memory_space<hbm>>
          tpu.enqueue_indirect_dma source(%dma_start3A_85 : memref<10240x128xf32, #tpu.memory_space<hbm>>) target(%arg9 : memref<128x128xf32, #tpu.memory_space<vmem>>) offsets(%dma_start3A_82 : memref<128xi32, #tpu.memory_space<vmem>>) semaphore(%arg12 : memref<!tpu.dma_semaphore, #tpu.memory_space<semaphore_mem>>)
        } else {
        }
        "tpu.region"() ({
          %run_scoped3A = tpu.sem_alloc : memref<!tpu.dma_semaphore, #tpu.memory_space<semaphore_mem>>
          %dma_start3A_78 = arith.constant 0 : i32
          %dma_start3A_79 = tpu.memref_slice %arg8[%add3A_56, %dma_start3A_78] : memref<16x128xi32, #tpu.memory_space<vmem>> -> memref<1x128xi32, #tpu.memory_space<vmem>>
          %dma_start3A_80 = tpu.memref_squeeze %dma_start3A_79 : memref<1x128xi32, #tpu.memory_space<vmem>> -> memref<128xi32, #tpu.memory_space<vmem>>
          %dma_start3A_81 = arith.constant 0 : i32
          %dma_start3A_82 = arith.constant 0 : i32
          %dma_start3A_83 = tpu.memref_slice %arg11[%dma_start3A_81, %dma_start3A_82] : memref<10240x128xf32, #tpu.memory_space<vmem_shared>> -> memref<10240x128xf32, #tpu.memory_space<vmem_shared>>
          tpu.enqueue_indirect_dma source(%arg10 : memref<128x128xf32, #tpu.memory_space<vmem>>) target(%dma_start3A_83 : memref<10240x128xf32, #tpu.memory_space<vmem_shared>>) offsets(%dma_start3A_80 : memref<128xi32, #tpu.memory_space<vmem>>) semaphore(%run_scoped3A : memref<!tpu.dma_semaphore, #tpu.memory_space<semaphore_mem>>) {add = true}
          %dma_wait3A_84 = arith.constant 0 : i32
          %dma_wait3A_85 = tpu.memref_slice %arg8[%add3A_56, %dma_wait3A_84] : memref<16x128xi32, #tpu.memory_space<vmem>> -> memref<1x128xi32, #tpu.memory_space<vmem>>
          %dma_wait3A_86 = tpu.memref_squeeze %dma_wait3A_85 : memref<1x128xi32, #tpu.memory_space<vmem>> -> memref<128xi32, #tpu.memory_space<vmem>>
          %dma_wait3A_87 = arith.constant 0 : i32
          %dma_wait3A_88 = arith.constant 0 : i32
          %dma_wait3A_89 = tpu.memref_slice %arg11[%dma_wait3A_87, %dma_wait3A_88] : memref<10240x128xf32, #tpu.memory_space<vmem_shared>> -> memref<10240x128xf32, #tpu.memory_space<vmem_shared>>
          tpu.wait_indirect_dma semaphore(%run_scoped3A : memref<!tpu.dma_semaphore, #tpu.memory_space<semaphore_mem>>) src(%arg10 : memref<128x128xf32, #tpu.memory_space<vmem>>) dst(%dma_wait3A_89 : memref<10240x128xf32, #tpu.memory_space<vmem_shared>>)
          tpu.yield
        }) : () -> ()
      }
      %scan3A_51 = arith.constant 8 : i32
    }
    %barrier3A_33 = arith.constant 0 : index
    tpu.barrier barrier_id(%barrier3A_33)
    %mul3A_34 = arith.constant 640 : i32
    %mul3A_35 = arith.muli %arg1, %mul3A_34 : i32
    %mul3A_36 = arith.constant 640 : i32
    %mul3A_37 = arith.muli %arg1, %mul3A_36 : i32
    "tpu.region"() ({
      %run_scoped3A = tpu.sem_alloc : memref<!tpu.dma_semaphore, #tpu.memory_space<semaphore_mem>>
      %dma_start3A = arith.constant 0 : i32
      %dma_start3A_38 = tpu.memref_slice %arg6[%arg0, %mul3A_37, %dma_start3A] : memref<2x10240x128xf32, #tpu.memory_space<hbm>> -> memref<1x640x128xf32, #tpu.memory_space<hbm>>
      %dma_start3A_39 = tpu.memref_squeeze %dma_start3A_38 : memref<1x640x128xf32, #tpu.memory_space<hbm>> -> memref<640x128xf32, #tpu.memory_space<hbm>>
      %dma_start3A_40 = arith.constant 0 : i32
      %dma_start3A_41 = tpu.memref_slice %arg11[%mul3A_35, %dma_start3A_40] : memref<10240x128xf32, #tpu.memory_space<vmem_shared>> -> memref<640x128xf32, #tpu.memory_space<vmem_shared>>
      tpu.enqueue_dma source(%dma_start3A_41 : memref<640x128xf32, #tpu.memory_space<vmem_shared>>) target(%dma_start3A_39 : memref<640x128xf32, #tpu.memory_space<hbm>>) target_semaphore(%run_scoped3A : memref<!tpu.dma_semaphore, #tpu.memory_space<semaphore_mem>>)
      %dma_wait3A = arith.constant 0 : i32
      %dma_wait3A_42 = tpu.memref_slice %arg6[%arg0, %mul3A_37, %dma_wait3A] : memref<2x10240x128xf32, #tpu.memory_space<hbm>> -> memref<1x640x128xf32, #tpu.memory_space<hbm>>
      %dma_wait3A_43 = tpu.memref_squeeze %dma_wait3A_42 : memref<1x640x128xf32, #tpu.memory_space<hbm>> -> memref<640x128xf32, #tpu.memory_space<hbm>>
      %dma_wait3A_44 = arith.constant 0 : i32
      %dma_wait3A_45 = tpu.memref_slice %arg11[%mul3A_35, %dma_wait3A_44] : memref<10240x128xf32, #tpu.memory_space<vmem_shared>> -> memref<640x128xf32, #tpu.memory_space<vmem_shared>>
      tpu.wait_dma2 semaphore(%run_scoped3A : memref<!tpu.dma_semaphore, #tpu.memory_space<semaphore_mem>>) src(%dma_wait3A_45 : memref<640x128xf32, #tpu.memory_space<vmem_shared>>) dst(%dma_wait3A_43 : memref<640x128xf32, #tpu.memory_space<hbm>>)
      tpu.yield
    }) : () -> ()
    return
  }
}

#map = affine_map<(d0, d1) -> (0, 0)>
#map1 = affine_map<(d0, d1) -> (0, 0, 0)>
module attributes {stable_mosaic.version = 14 : i64} {
  func.func @_agg_kernel_body(%arg0: i32, %arg1: i32, %arg2: memref<2656x128xi32, #tpu.memory_space<hbm>>, %arg3: memref<2656x128xi32, #tpu.memory_space<hbm>>, %arg4: memref<10240x128xf32, #tpu.memory_space<hbm>>, %arg5: memref<640x128xf32, #tpu.memory_space<hbm>>, %arg6: memref<2x10240x128xf32, #tpu.memory_space<hbm>>, %arg7: memref<16x128xi32, #tpu.memory_space<vmem>>, %arg8: memref<16x128xi32, #tpu.memory_space<vmem>>, %arg9: memref<128x128xf32, #tpu.memory_space<vmem>>, %arg10: memref<128x128xf32, #tpu.memory_space<vmem>>, %arg11: memref<10240x128xf32, #tpu.memory_space<vmem_shared>>, %arg12: memref<!tpu.dma_semaphore, #tpu.memory_space<semaphore_mem>>, %arg13: memref<!tpu.dma_semaphore, #tpu.memory_space<semaphore_mem>>) attributes {dimension_semantics = [#tpu.dimension_semantics<core_parallel>, #tpu.dimension_semantics<subcore_parallel>], iteration_bounds = array<i64: 2, 16>, scalar_prefetch = 0 : i64, scratch_operands = 7 : i64, tpu.core_type = #tpu.core_type<sc_vector_subcore>, window_params = [{transform_indices = #map}, {transform_indices = #map}, {transform_indices = #map}, {transform_indices = #map}, {transform_indices = #map1}]} {
    %eq3A = arith.constant 0 : i32
    %eq3A_0 = arith.cmpi eq, %arg0, %eq3A : i32
    %jit3A = arith.constant 128 : i32
    %jit3A_1 = arith.constant 32 : i32
    %select_n3A = arith.select %eq3A_0, %jit3A, %jit3A_1 : i32
    %mul3A = arith.constant 2048 : i32
    %mul3A_2 = arith.muli %arg0, %mul3A : i32
    %mul3A_3 = arith.muli %arg1, %select_n3A : i32
    %add3A = arith.addi %mul3A_2, %mul3A_3 : i32
    %mul3A_4 = arith.constant 640 : i32
    %mul3A_5 = arith.muli %arg1, %mul3A_4 : i32
    "tpu.region"() ({
      %run_scoped3A = tpu.sem_alloc : memref<!tpu.dma_semaphore, #tpu.memory_space<semaphore_mem>>
      %dma_start3A = arith.constant 0 : i32
      %dma_start3A_38 = tpu.memref_slice %arg11[%mul3A_5, %dma_start3A] : memref<10240x128xf32, #tpu.memory_space<vmem_shared>> -> memref<640x128xf32, #tpu.memory_space<vmem_shared>>
      tpu.enqueue_dma source(%arg5 : memref<640x128xf32, #tpu.memory_space<hbm>>) target(%dma_start3A_38 : memref<640x128xf32, #tpu.memory_space<vmem_shared>>) target_semaphore(%run_scoped3A : memref<!tpu.dma_semaphore, #tpu.memory_space<semaphore_mem>>)
      %dma_wait3A = arith.constant 0 : i32
      %dma_wait3A_39 = tpu.memref_slice %arg11[%mul3A_5, %dma_wait3A] : memref<10240x128xf32, #tpu.memory_space<vmem_shared>> -> memref<640x128xf32, #tpu.memory_space<vmem_shared>>
      tpu.wait_dma2 semaphore(%run_scoped3A : memref<!tpu.dma_semaphore, #tpu.memory_space<semaphore_mem>>) src(%arg5 : memref<640x128xf32, #tpu.memory_space<hbm>>) dst(%dma_wait3A_39 : memref<640x128xf32, #tpu.memory_space<vmem_shared>>)
      tpu.yield
    }) : () -> ()
    %barrier3A = arith.constant 0 : index
    tpu.barrier barrier_id(%barrier3A)
    %jit3A_6 = arith.constant 16 : i32
    %div3A = arith.divsi %select_n3A, %jit3A_6 : i32
    %sign3A = arith.constant 0 : i32
    %sign3A_7 = arith.cmpi sgt, %select_n3A, %sign3A : i32
    %sign3A_8 = arith.extui %sign3A_7 : i1 to i32
    %sign3A_9 = arith.constant 0 : i32
    %sign3A_10 = arith.cmpi slt, %select_n3A, %sign3A_9 : i32
    %sign3A_11 = arith.extui %sign3A_10 : i1 to i32
    %sign3A_12 = arith.subi %sign3A_8, %sign3A_11 : i32
    %sign3A_13 = arith.constant 0 : i32
    %sign3A_14 = arith.cmpi sgt, %jit3A_6, %sign3A_13 : i32
    %sign3A_15 = arith.extui %sign3A_14 : i1 to i32
    %sign3A_16 = arith.constant 0 : i32
    %sign3A_17 = arith.cmpi slt, %jit3A_6, %sign3A_16 : i32
    %sign3A_18 = arith.extui %sign3A_17 : i1 to i32
    %sign3A_19 = arith.subi %sign3A_15, %sign3A_18 : i32
    %ne3A = arith.cmpi ne, %sign3A_12, %sign3A_19 : i32
    %rem3A = arith.remsi %select_n3A, %jit3A_6 : i32
    %ne3A_20 = arith.constant 0 : i32
    %ne3A_21 = arith.cmpi ne, %rem3A, %ne3A_20 : i32
    %and3A = arith.andi %ne3A, %ne3A_21 : i1
    %sub3A = arith.constant 1 : i32
    %sub3A_22 = arith.subi %div3A, %sub3A : i32
    %select_n3A_23 = arith.select %and3A, %sub3A_22, %div3A : i32
    %while3A = arith.constant 0 : i32
    %while3A_24 = arith.constant 0 : i32
    %while3A_25 = arith.subi %select_n3A_23, %while3A_24 : i32
    %while3A_26 = arith.addi %while3A_24, %while3A_25 : i32
    %while3A_27 = arith.constant 1 : i32
    %while3A_28 = arith.divsi %while3A_25, %while3A_27 : i32
    %while3A_29 = arith.muli %while3A_28, %while3A_27 : i32
    %while3A_30 = arith.addi %while3A_24, %while3A_29 : i32
    %while3A_31 = arith.constant 1 : i32
    scf.for %while3A_38 = %while3A_24 to %while3A_30 step %while3A_31  : i32 {
      %mul3A_39 = arith.constant 16 : i32
      %mul3A_40 = arith.muli %while3A_38, %mul3A_39 : i32
      %add3A_41 = arith.addi %add3A, %mul3A_40 : i32
      "tpu.region"() ({
        %run_scoped3A = tpu.sem_alloc : memref<!tpu.dma_semaphore, #tpu.memory_space<semaphore_mem>>
        %dma_start3A_52 = arith.constant 0 : i32
        %dma_start3A_53 = tpu.memref_slice %arg2[%add3A_41, %dma_start3A_52] : memref<2656x128xi32, #tpu.memory_space<hbm>> -> memref<16x128xi32, #tpu.memory_space<hbm>>
        %dma_start3A_54 = arith.constant 0 : i32
        %dma_start3A_55 = tpu.memref_slice %arg2[%add3A_41, %dma_start3A_54] : memref<2656x128xi32, #tpu.memory_space<hbm>> -> memref<16x128xi32, #tpu.memory_space<hbm>>
        tpu.enqueue_dma source(%dma_start3A_55 : memref<16x128xi32, #tpu.memory_space<hbm>>) target(%arg7 : memref<16x128xi32, #tpu.memory_space<vmem>>) target_semaphore(%run_scoped3A : memref<!tpu.dma_semaphore, #tpu.memory_space<semaphore_mem>>)
        %dma_wait3A = arith.constant 0 : i32
        %dma_wait3A_56 = tpu.memref_slice %arg2[%add3A_41, %dma_wait3A] : memref<2656x128xi32, #tpu.memory_space<hbm>> -> memref<16x128xi32, #tpu.memory_space<hbm>>
        %dma_wait3A_57 = arith.constant 0 : i32
        %dma_wait3A_58 = tpu.memref_slice %arg2[%add3A_41, %dma_wait3A_57] : memref<2656x128xi32, #tpu.memory_space<hbm>> -> memref<16x128xi32, #tpu.memory_space<hbm>>
        tpu.wait_dma2 semaphore(%run_scoped3A : memref<!tpu.dma_semaphore, #tpu.memory_space<semaphore_mem>>) src(%dma_wait3A_58 : memref<16x128xi32, #tpu.memory_space<hbm>>) dst(%arg7 : memref<16x128xi32, #tpu.memory_space<vmem>>)
        tpu.yield
      }) : () -> ()
      "tpu.region"() ({
        %run_scoped3A = tpu.sem_alloc : memref<!tpu.dma_semaphore, #tpu.memory_space<semaphore_mem>>
        %dma_start3A_52 = arith.constant 0 : i32
        %dma_start3A_53 = tpu.memref_slice %arg3[%add3A_41, %dma_start3A_52] : memref<2656x128xi32, #tpu.memory_space<hbm>> -> memref<16x128xi32, #tpu.memory_space<hbm>>
        %dma_start3A_54 = arith.constant 0 : i32
        %dma_start3A_55 = tpu.memref_slice %arg3[%add3A_41, %dma_start3A_54] : memref<2656x128xi32, #tpu.memory_space<hbm>> -> memref<16x128xi32, #tpu.memory_space<hbm>>
        tpu.enqueue_dma source(%dma_start3A_55 : memref<16x128xi32, #tpu.memory_space<hbm>>) target(%arg8 : memref<16x128xi32, #tpu.memory_space<vmem>>) target_semaphore(%run_scoped3A : memref<!tpu.dma_semaphore, #tpu.memory_space<semaphore_mem>>)
        %dma_wait3A = arith.constant 0 : i32
        %dma_wait3A_56 = tpu.memref_slice %arg3[%add3A_41, %dma_wait3A] : memref<2656x128xi32, #tpu.memory_space<hbm>> -> memref<16x128xi32, #tpu.memory_space<hbm>>
        %dma_wait3A_57 = arith.constant 0 : i32
        %dma_wait3A_58 = tpu.memref_slice %arg3[%add3A_41, %dma_wait3A_57] : memref<2656x128xi32, #tpu.memory_space<hbm>> -> memref<16x128xi32, #tpu.memory_space<hbm>>
        tpu.wait_dma2 semaphore(%run_scoped3A : memref<!tpu.dma_semaphore, #tpu.memory_space<semaphore_mem>>) src(%dma_wait3A_58 : memref<16x128xi32, #tpu.memory_space<hbm>>) dst(%arg8 : memref<16x128xi32, #tpu.memory_space<vmem>>)
        tpu.yield
      }) : () -> ()
      %dma_start3A = arith.constant 0 : i32
      %dma_start3A_42 = arith.constant 0 : i32
      %dma_start3A_43 = tpu.memref_slice %arg7[%dma_start3A, %dma_start3A_42] : memref<16x128xi32, #tpu.memory_space<vmem>> -> memref<1x128xi32, #tpu.memory_space<vmem>>
      %dma_start3A_44 = tpu.memref_squeeze %dma_start3A_43 : memref<1x128xi32, #tpu.memory_space<vmem>> -> memref<128xi32, #tpu.memory_space<vmem>>
      %dma_start3A_45 = arith.constant 0 : i32
      %dma_start3A_46 = arith.constant 0 : i32
      %dma_start3A_47 = tpu.memref_slice %arg4[%dma_start3A_45, %dma_start3A_46] : memref<10240x128xf32, #tpu.memory_space<hbm>> -> memref<10240x128xf32, #tpu.memory_space<hbm>>
      tpu.enqueue_indirect_dma source(%dma_start3A_47 : memref<10240x128xf32, #tpu.memory_space<hbm>>) target(%arg9 : memref<128x128xf32, #tpu.memory_space<vmem>>) offsets(%dma_start3A_44 : memref<128xi32, #tpu.memory_space<vmem>>) semaphore(%arg12 : memref<!tpu.dma_semaphore, #tpu.memory_space<semaphore_mem>>)
      %scan3A = arith.constant 0 : i32
      %scan3A_48 = arith.constant 8 : i32
      %scan3A_49 = arith.addi %scan3A, %scan3A_48 : i32
      %scan3A_50 = arith.constant 1 : i32
      scf.for %scan3A_52 = %scan3A to %scan3A_49 step %scan3A_50  : i32 {
        %mul3A_53 = arith.constant 2 : i32
        %mul3A_54 = arith.muli %mul3A_53, %scan3A_52 : i32
        %add3A_55 = arith.constant 1 : i32
        %add3A_56 = arith.addi %mul3A_54, %add3A_55 : i32
        %dma_wait3A = arith.constant 0 : i32
        %dma_wait3A_57 = tpu.memref_slice %arg7[%mul3A_54, %dma_wait3A] : memref<16x128xi32, #tpu.memory_space<vmem>> -> memref<1x128xi32, #tpu.memory_space<vmem>>
        %dma_wait3A_58 = tpu.memref_squeeze %dma_wait3A_57 : memref<1x128xi32, #tpu.memory_space<vmem>> -> memref<128xi32, #tpu.memory_space<vmem>>
        %dma_wait3A_59 = arith.constant 0 : i32
        %dma_wait3A_60 = arith.constant 0 : i32
        %dma_wait3A_61 = tpu.memref_slice %arg4[%dma_wait3A_59, %dma_wait3A_60] : memref<10240x128xf32, #tpu.memory_space<hbm>> -> memref<10240x128xf32, #tpu.memory_space<hbm>>
        tpu.wait_indirect_dma semaphore(%arg12 : memref<!tpu.dma_semaphore, #tpu.memory_space<semaphore_mem>>) src(%dma_wait3A_61 : memref<10240x128xf32, #tpu.memory_space<hbm>>) dst(%arg9 : memref<128x128xf32, #tpu.memory_space<vmem>>)
        %dma_start3A_62 = arith.constant 0 : i32
        %dma_start3A_63 = tpu.memref_slice %arg7[%add3A_56, %dma_start3A_62] : memref<16x128xi32, #tpu.memory_space<vmem>> -> memref<1x128xi32, #tpu.memory_space<vmem>>
        %dma_start3A_64 = tpu.memref_squeeze %dma_start3A_63 : memref<1x128xi32, #tpu.memory_space<vmem>> -> memref<128xi32, #tpu.memory_space<vmem>>
        %dma_start3A_65 = arith.constant 0 : i32
        %dma_start3A_66 = arith.constant 0 : i32
        %dma_start3A_67 = tpu.memref_slice %arg4[%dma_start3A_65, %dma_start3A_66] : memref<10240x128xf32, #tpu.memory_space<hbm>> -> memref<10240x128xf32, #tpu.memory_space<hbm>>
        tpu.enqueue_indirect_dma source(%dma_start3A_67 : memref<10240x128xf32, #tpu.memory_space<hbm>>) target(%arg10 : memref<128x128xf32, #tpu.memory_space<vmem>>) offsets(%dma_start3A_64 : memref<128xi32, #tpu.memory_space<vmem>>) semaphore(%arg13 : memref<!tpu.dma_semaphore, #tpu.memory_space<semaphore_mem>>)
        "tpu.region"() ({
          %run_scoped3A = tpu.sem_alloc : memref<!tpu.dma_semaphore, #tpu.memory_space<semaphore_mem>>
          %dma_start3A_78 = arith.constant 0 : i32
          %dma_start3A_79 = tpu.memref_slice %arg8[%mul3A_54, %dma_start3A_78] : memref<16x128xi32, #tpu.memory_space<vmem>> -> memref<1x128xi32, #tpu.memory_space<vmem>>
          %dma_start3A_80 = tpu.memref_squeeze %dma_start3A_79 : memref<1x128xi32, #tpu.memory_space<vmem>> -> memref<128xi32, #tpu.memory_space<vmem>>
          %dma_start3A_81 = arith.constant 0 : i32
          %dma_start3A_82 = arith.constant 0 : i32
          %dma_start3A_83 = tpu.memref_slice %arg11[%dma_start3A_81, %dma_start3A_82] : memref<10240x128xf32, #tpu.memory_space<vmem_shared>> -> memref<10240x128xf32, #tpu.memory_space<vmem_shared>>
          tpu.enqueue_indirect_dma source(%arg9 : memref<128x128xf32, #tpu.memory_space<vmem>>) target(%dma_start3A_83 : memref<10240x128xf32, #tpu.memory_space<vmem_shared>>) offsets(%dma_start3A_80 : memref<128xi32, #tpu.memory_space<vmem>>) semaphore(%run_scoped3A : memref<!tpu.dma_semaphore, #tpu.memory_space<semaphore_mem>>) {add = true}
          %dma_wait3A_84 = arith.constant 0 : i32
          %dma_wait3A_85 = tpu.memref_slice %arg8[%mul3A_54, %dma_wait3A_84] : memref<16x128xi32, #tpu.memory_space<vmem>> -> memref<1x128xi32, #tpu.memory_space<vmem>>
          %dma_wait3A_86 = tpu.memref_squeeze %dma_wait3A_85 : memref<1x128xi32, #tpu.memory_space<vmem>> -> memref<128xi32, #tpu.memory_space<vmem>>
          %dma_wait3A_87 = arith.constant 0 : i32
          %dma_wait3A_88 = arith.constant 0 : i32
          %dma_wait3A_89 = tpu.memref_slice %arg11[%dma_wait3A_87, %dma_wait3A_88] : memref<10240x128xf32, #tpu.memory_space<vmem_shared>> -> memref<10240x128xf32, #tpu.memory_space<vmem_shared>>
          tpu.wait_indirect_dma semaphore(%run_scoped3A : memref<!tpu.dma_semaphore, #tpu.memory_space<semaphore_mem>>) src(%arg9 : memref<128x128xf32, #tpu.memory_space<vmem>>) dst(%dma_wait3A_89 : memref<10240x128xf32, #tpu.memory_space<vmem_shared>>)
          tpu.yield
        }) : () -> ()
        %dma_wait3A_68 = arith.constant 0 : i32
        %dma_wait3A_69 = tpu.memref_slice %arg7[%add3A_56, %dma_wait3A_68] : memref<16x128xi32, #tpu.memory_space<vmem>> -> memref<1x128xi32, #tpu.memory_space<vmem>>
        %dma_wait3A_70 = tpu.memref_squeeze %dma_wait3A_69 : memref<1x128xi32, #tpu.memory_space<vmem>> -> memref<128xi32, #tpu.memory_space<vmem>>
        %dma_wait3A_71 = arith.constant 0 : i32
        %dma_wait3A_72 = arith.constant 0 : i32
        %dma_wait3A_73 = tpu.memref_slice %arg4[%dma_wait3A_71, %dma_wait3A_72] : memref<10240x128xf32, #tpu.memory_space<hbm>> -> memref<10240x128xf32, #tpu.memory_space<hbm>>
        tpu.wait_indirect_dma semaphore(%arg13 : memref<!tpu.dma_semaphore, #tpu.memory_space<semaphore_mem>>) src(%dma_wait3A_73 : memref<10240x128xf32, #tpu.memory_space<hbm>>) dst(%arg10 : memref<128x128xf32, #tpu.memory_space<vmem>>)
        %add3A_74 = arith.constant 2 : i32
        %add3A_75 = arith.addi %mul3A_54, %add3A_74 : i32
        %lt3A = arith.constant 16 : i32
        %lt3A_76 = arith.cmpi slt, %add3A_75, %lt3A : i32
        %convert_element_type3A = arith.extui %lt3A_76 : i1 to i32
        %cond3A = arith.constant 0 : i32
        %cond3A_77 = arith.cmpi ne, %convert_element_type3A, %cond3A : i32
        scf.if %cond3A_77 {
          %add3A_78 = arith.constant 2 : i32
          %add3A_79 = arith.addi %mul3A_54, %add3A_78 : i32
          %dma_start3A_80 = arith.constant 0 : i32
          %dma_start3A_81 = tpu.memref_slice %arg7[%add3A_79, %dma_start3A_80] : memref<16x128xi32, #tpu.memory_space<vmem>> -> memref<1x128xi32, #tpu.memory_space<vmem>>
          %dma_start3A_82 = tpu.memref_squeeze %dma_start3A_81 : memref<1x128xi32, #tpu.memory_space<vmem>> -> memref<128xi32, #tpu.memory_space<vmem>>
          %dma_start3A_83 = arith.constant 0 : i32
          %dma_start3A_84 = arith.constant 0 : i32
          %dma_start3A_85 = tpu.memref_slice %arg4[%dma_start3A_83, %dma_start3A_84] : memref<10240x128xf32, #tpu.memory_space<hbm>> -> memref<10240x128xf32, #tpu.memory_space<hbm>>
          tpu.enqueue_indirect_dma source(%dma_start3A_85 : memref<10240x128xf32, #tpu.memory_space<hbm>>) target(%arg9 : memref<128x128xf32, #tpu.memory_space<vmem>>) offsets(%dma_start3A_82 : memref<128xi32, #tpu.memory_space<vmem>>) semaphore(%arg12 : memref<!tpu.dma_semaphore, #tpu.memory_space<semaphore_mem>>)
        } else {
        }
        "tpu.region"() ({
          %run_scoped3A = tpu.sem_alloc : memref<!tpu.dma_semaphore, #tpu.memory_space<semaphore_mem>>
          %dma_start3A_78 = arith.constant 0 : i32
          %dma_start3A_79 = tpu.memref_slice %arg8[%add3A_56, %dma_start3A_78] : memref<16x128xi32, #tpu.memory_space<vmem>> -> memref<1x128xi32, #tpu.memory_space<vmem>>
          %dma_start3A_80 = tpu.memref_squeeze %dma_start3A_79 : memref<1x128xi32, #tpu.memory_space<vmem>> -> memref<128xi32, #tpu.memory_space<vmem>>
          %dma_start3A_81 = arith.constant 0 : i32
          %dma_start3A_82 = arith.constant 0 : i32
          %dma_start3A_83 = tpu.memref_slice %arg11[%dma_start3A_81, %dma_start3A_82] : memref<10240x128xf32, #tpu.memory_space<vmem_shared>> -> memref<10240x128xf32, #tpu.memory_space<vmem_shared>>
          tpu.enqueue_indirect_dma source(%arg10 : memref<128x128xf32, #tpu.memory_space<vmem>>) target(%dma_start3A_83 : memref<10240x128xf32, #tpu.memory_space<vmem_shared>>) offsets(%dma_start3A_80 : memref<128xi32, #tpu.memory_space<vmem>>) semaphore(%run_scoped3A : memref<!tpu.dma_semaphore, #tpu.memory_space<semaphore_mem>>) {add = true}
          %dma_wait3A_84 = arith.constant 0 : i32
          %dma_wait3A_85 = tpu.memref_slice %arg8[%add3A_56, %dma_wait3A_84] : memref<16x128xi32, #tpu.memory_space<vmem>> -> memref<1x128xi32, #tpu.memory_space<vmem>>
          %dma_wait3A_86 = tpu.memref_squeeze %dma_wait3A_85 : memref<1x128xi32, #tpu.memory_space<vmem>> -> memref<128xi32, #tpu.memory_space<vmem>>
          %dma_wait3A_87 = arith.constant 0 : i32
          %dma_wait3A_88 = arith.constant 0 : i32
          %dma_wait3A_89 = tpu.memref_slice %arg11[%dma_wait3A_87, %dma_wait3A_88] : memref<10240x128xf32, #tpu.memory_space<vmem_shared>> -> memref<10240x128xf32, #tpu.memory_space<vmem_shared>>
          tpu.wait_indirect_dma semaphore(%run_scoped3A : memref<!tpu.dma_semaphore, #tpu.memory_space<semaphore_mem>>) src(%arg10 : memref<128x128xf32, #tpu.memory_space<vmem>>) dst(%dma_wait3A_89 : memref<10240x128xf32, #tpu.memory_space<vmem_shared>>)
          tpu.yield
        }) : () -> ()
      }
      %scan3A_51 = arith.constant 8 : i32
    }
    %while3A_32 = arith.constant 1 : i32
    scf.for %while3A_38 = %while3A_30 to %while3A_26 step %while3A_32  : i32 {
      %mul3A_39 = arith.constant 16 : i32
      %mul3A_40 = arith.muli %while3A_38, %mul3A_39 : i32
      %add3A_41 = arith.addi %add3A, %mul3A_40 : i32
      "tpu.region"() ({
        %run_scoped3A = tpu.sem_alloc : memref<!tpu.dma_semaphore, #tpu.memory_space<semaphore_mem>>
        %dma_start3A_52 = arith.constant 0 : i32
        %dma_start3A_53 = tpu.memref_slice %arg2[%add3A_41, %dma_start3A_52] : memref<2656x128xi32, #tpu.memory_space<hbm>> -> memref<16x128xi32, #tpu.memory_space<hbm>>
        %dma_start3A_54 = arith.constant 0 : i32
        %dma_start3A_55 = tpu.memref_slice %arg2[%add3A_41, %dma_start3A_54] : memref<2656x128xi32, #tpu.memory_space<hbm>> -> memref<16x128xi32, #tpu.memory_space<hbm>>
        tpu.enqueue_dma source(%dma_start3A_55 : memref<16x128xi32, #tpu.memory_space<hbm>>) target(%arg7 : memref<16x128xi32, #tpu.memory_space<vmem>>) target_semaphore(%run_scoped3A : memref<!tpu.dma_semaphore, #tpu.memory_space<semaphore_mem>>)
        %dma_wait3A = arith.constant 0 : i32
        %dma_wait3A_56 = tpu.memref_slice %arg2[%add3A_41, %dma_wait3A] : memref<2656x128xi32, #tpu.memory_space<hbm>> -> memref<16x128xi32, #tpu.memory_space<hbm>>
        %dma_wait3A_57 = arith.constant 0 : i32
        %dma_wait3A_58 = tpu.memref_slice %arg2[%add3A_41, %dma_wait3A_57] : memref<2656x128xi32, #tpu.memory_space<hbm>> -> memref<16x128xi32, #tpu.memory_space<hbm>>
        tpu.wait_dma2 semaphore(%run_scoped3A : memref<!tpu.dma_semaphore, #tpu.memory_space<semaphore_mem>>) src(%dma_wait3A_58 : memref<16x128xi32, #tpu.memory_space<hbm>>) dst(%arg7 : memref<16x128xi32, #tpu.memory_space<vmem>>)
        tpu.yield
      }) : () -> ()
      "tpu.region"() ({
        %run_scoped3A = tpu.sem_alloc : memref<!tpu.dma_semaphore, #tpu.memory_space<semaphore_mem>>
        %dma_start3A_52 = arith.constant 0 : i32
        %dma_start3A_53 = tpu.memref_slice %arg3[%add3A_41, %dma_start3A_52] : memref<2656x128xi32, #tpu.memory_space<hbm>> -> memref<16x128xi32, #tpu.memory_space<hbm>>
        %dma_start3A_54 = arith.constant 0 : i32
        %dma_start3A_55 = tpu.memref_slice %arg3[%add3A_41, %dma_start3A_54] : memref<2656x128xi32, #tpu.memory_space<hbm>> -> memref<16x128xi32, #tpu.memory_space<hbm>>
        tpu.enqueue_dma source(%dma_start3A_55 : memref<16x128xi32, #tpu.memory_space<hbm>>) target(%arg8 : memref<16x128xi32, #tpu.memory_space<vmem>>) target_semaphore(%run_scoped3A : memref<!tpu.dma_semaphore, #tpu.memory_space<semaphore_mem>>)
        %dma_wait3A = arith.constant 0 : i32
        %dma_wait3A_56 = tpu.memref_slice %arg3[%add3A_41, %dma_wait3A] : memref<2656x128xi32, #tpu.memory_space<hbm>> -> memref<16x128xi32, #tpu.memory_space<hbm>>
        %dma_wait3A_57 = arith.constant 0 : i32
        %dma_wait3A_58 = tpu.memref_slice %arg3[%add3A_41, %dma_wait3A_57] : memref<2656x128xi32, #tpu.memory_space<hbm>> -> memref<16x128xi32, #tpu.memory_space<hbm>>
        tpu.wait_dma2 semaphore(%run_scoped3A : memref<!tpu.dma_semaphore, #tpu.memory_space<semaphore_mem>>) src(%dma_wait3A_58 : memref<16x128xi32, #tpu.memory_space<hbm>>) dst(%arg8 : memref<16x128xi32, #tpu.memory_space<vmem>>)
        tpu.yield
      }) : () -> ()
      %dma_start3A = arith.constant 0 : i32
      %dma_start3A_42 = arith.constant 0 : i32
      %dma_start3A_43 = tpu.memref_slice %arg7[%dma_start3A, %dma_start3A_42] : memref<16x128xi32, #tpu.memory_space<vmem>> -> memref<1x128xi32, #tpu.memory_space<vmem>>
      %dma_start3A_44 = tpu.memref_squeeze %dma_start3A_43 : memref<1x128xi32, #tpu.memory_space<vmem>> -> memref<128xi32, #tpu.memory_space<vmem>>
      %dma_start3A_45 = arith.constant 0 : i32
      %dma_start3A_46 = arith.constant 0 : i32
      %dma_start3A_47 = tpu.memref_slice %arg4[%dma_start3A_45, %dma_start3A_46] : memref<10240x128xf32, #tpu.memory_space<hbm>> -> memref<10240x128xf32, #tpu.memory_space<hbm>>
      tpu.enqueue_indirect_dma source(%dma_start3A_47 : memref<10240x128xf32, #tpu.memory_space<hbm>>) target(%arg9 : memref<128x128xf32, #tpu.memory_space<vmem>>) offsets(%dma_start3A_44 : memref<128xi32, #tpu.memory_space<vmem>>) semaphore(%arg12 : memref<!tpu.dma_semaphore, #tpu.memory_space<semaphore_mem>>)
      %scan3A = arith.constant 0 : i32
      %scan3A_48 = arith.constant 8 : i32
      %scan3A_49 = arith.addi %scan3A, %scan3A_48 : i32
      %scan3A_50 = arith.constant 1 : i32
      scf.for %scan3A_52 = %scan3A to %scan3A_49 step %scan3A_50  : i32 {
        %mul3A_53 = arith.constant 2 : i32
        %mul3A_54 = arith.muli %mul3A_53, %scan3A_52 : i32
        %add3A_55 = arith.constant 1 : i32
        %add3A_56 = arith.addi %mul3A_54, %add3A_55 : i32
        %dma_wait3A = arith.constant 0 : i32
        %dma_wait3A_57 = tpu.memref_slice %arg7[%mul3A_54, %dma_wait3A] : memref<16x128xi32, #tpu.memory_space<vmem>> -> memref<1x128xi32, #tpu.memory_space<vmem>>
        %dma_wait3A_58 = tpu.memref_squeeze %dma_wait3A_57 : memref<1x128xi32, #tpu.memory_space<vmem>> -> memref<128xi32, #tpu.memory_space<vmem>>
        %dma_wait3A_59 = arith.constant 0 : i32
        %dma_wait3A_60 = arith.constant 0 : i32
        %dma_wait3A_61 = tpu.memref_slice %arg4[%dma_wait3A_59, %dma_wait3A_60] : memref<10240x128xf32, #tpu.memory_space<hbm>> -> memref<10240x128xf32, #tpu.memory_space<hbm>>
        tpu.wait_indirect_dma semaphore(%arg12 : memref<!tpu.dma_semaphore, #tpu.memory_space<semaphore_mem>>) src(%dma_wait3A_61 : memref<10240x128xf32, #tpu.memory_space<hbm>>) dst(%arg9 : memref<128x128xf32, #tpu.memory_space<vmem>>)
        %dma_start3A_62 = arith.constant 0 : i32
        %dma_start3A_63 = tpu.memref_slice %arg7[%add3A_56, %dma_start3A_62] : memref<16x128xi32, #tpu.memory_space<vmem>> -> memref<1x128xi32, #tpu.memory_space<vmem>>
        %dma_start3A_64 = tpu.memref_squeeze %dma_start3A_63 : memref<1x128xi32, #tpu.memory_space<vmem>> -> memref<128xi32, #tpu.memory_space<vmem>>
        %dma_start3A_65 = arith.constant 0 : i32
        %dma_start3A_66 = arith.constant 0 : i32
        %dma_start3A_67 = tpu.memref_slice %arg4[%dma_start3A_65, %dma_start3A_66] : memref<10240x128xf32, #tpu.memory_space<hbm>> -> memref<10240x128xf32, #tpu.memory_space<hbm>>
        tpu.enqueue_indirect_dma source(%dma_start3A_67 : memref<10240x128xf32, #tpu.memory_space<hbm>>) target(%arg10 : memref<128x128xf32, #tpu.memory_space<vmem>>) offsets(%dma_start3A_64 : memref<128xi32, #tpu.memory_space<vmem>>) semaphore(%arg13 : memref<!tpu.dma_semaphore, #tpu.memory_space<semaphore_mem>>)
        "tpu.region"() ({
          %run_scoped3A = tpu.sem_alloc : memref<!tpu.dma_semaphore, #tpu.memory_space<semaphore_mem>>
          %dma_start3A_78 = arith.constant 0 : i32
          %dma_start3A_79 = tpu.memref_slice %arg8[%mul3A_54, %dma_start3A_78] : memref<16x128xi32, #tpu.memory_space<vmem>> -> memref<1x128xi32, #tpu.memory_space<vmem>>
          %dma_start3A_80 = tpu.memref_squeeze %dma_start3A_79 : memref<1x128xi32, #tpu.memory_space<vmem>> -> memref<128xi32, #tpu.memory_space<vmem>>
          %dma_start3A_81 = arith.constant 0 : i32
          %dma_start3A_82 = arith.constant 0 : i32
          %dma_start3A_83 = tpu.memref_slice %arg11[%dma_start3A_81, %dma_start3A_82] : memref<10240x128xf32, #tpu.memory_space<vmem_shared>> -> memref<10240x128xf32, #tpu.memory_space<vmem_shared>>
          tpu.enqueue_indirect_dma source(%arg9 : memref<128x128xf32, #tpu.memory_space<vmem>>) target(%dma_start3A_83 : memref<10240x128xf32, #tpu.memory_space<vmem_shared>>) offsets(%dma_start3A_80 : memref<128xi32, #tpu.memory_space<vmem>>) semaphore(%run_scoped3A : memref<!tpu.dma_semaphore, #tpu.memory_space<semaphore_mem>>) {add = true}
          %dma_wait3A_84 = arith.constant 0 : i32
          %dma_wait3A_85 = tpu.memref_slice %arg8[%mul3A_54, %dma_wait3A_84] : memref<16x128xi32, #tpu.memory_space<vmem>> -> memref<1x128xi32, #tpu.memory_space<vmem>>
          %dma_wait3A_86 = tpu.memref_squeeze %dma_wait3A_85 : memref<1x128xi32, #tpu.memory_space<vmem>> -> memref<128xi32, #tpu.memory_space<vmem>>
          %dma_wait3A_87 = arith.constant 0 : i32
          %dma_wait3A_88 = arith.constant 0 : i32
          %dma_wait3A_89 = tpu.memref_slice %arg11[%dma_wait3A_87, %dma_wait3A_88] : memref<10240x128xf32, #tpu.memory_space<vmem_shared>> -> memref<10240x128xf32, #tpu.memory_space<vmem_shared>>
          tpu.wait_indirect_dma semaphore(%run_scoped3A : memref<!tpu.dma_semaphore, #tpu.memory_space<semaphore_mem>>) src(%arg9 : memref<128x128xf32, #tpu.memory_space<vmem>>) dst(%dma_wait3A_89 : memref<10240x128xf32, #tpu.memory_space<vmem_shared>>)
          tpu.yield
        }) : () -> ()
        %dma_wait3A_68 = arith.constant 0 : i32
        %dma_wait3A_69 = tpu.memref_slice %arg7[%add3A_56, %dma_wait3A_68] : memref<16x128xi32, #tpu.memory_space<vmem>> -> memref<1x128xi32, #tpu.memory_space<vmem>>
        %dma_wait3A_70 = tpu.memref_squeeze %dma_wait3A_69 : memref<1x128xi32, #tpu.memory_space<vmem>> -> memref<128xi32, #tpu.memory_space<vmem>>
        %dma_wait3A_71 = arith.constant 0 : i32
        %dma_wait3A_72 = arith.constant 0 : i32
        %dma_wait3A_73 = tpu.memref_slice %arg4[%dma_wait3A_71, %dma_wait3A_72] : memref<10240x128xf32, #tpu.memory_space<hbm>> -> memref<10240x128xf32, #tpu.memory_space<hbm>>
        tpu.wait_indirect_dma semaphore(%arg13 : memref<!tpu.dma_semaphore, #tpu.memory_space<semaphore_mem>>) src(%dma_wait3A_73 : memref<10240x128xf32, #tpu.memory_space<hbm>>) dst(%arg10 : memref<128x128xf32, #tpu.memory_space<vmem>>)
        %add3A_74 = arith.constant 2 : i32
        %add3A_75 = arith.addi %mul3A_54, %add3A_74 : i32
        %lt3A = arith.constant 16 : i32
        %lt3A_76 = arith.cmpi slt, %add3A_75, %lt3A : i32
        %convert_element_type3A = arith.extui %lt3A_76 : i1 to i32
        %cond3A = arith.constant 0 : i32
        %cond3A_77 = arith.cmpi ne, %convert_element_type3A, %cond3A : i32
        scf.if %cond3A_77 {
          %add3A_78 = arith.constant 2 : i32
          %add3A_79 = arith.addi %mul3A_54, %add3A_78 : i32
          %dma_start3A_80 = arith.constant 0 : i32
          %dma_start3A_81 = tpu.memref_slice %arg7[%add3A_79, %dma_start3A_80] : memref<16x128xi32, #tpu.memory_space<vmem>> -> memref<1x128xi32, #tpu.memory_space<vmem>>
          %dma_start3A_82 = tpu.memref_squeeze %dma_start3A_81 : memref<1x128xi32, #tpu.memory_space<vmem>> -> memref<128xi32, #tpu.memory_space<vmem>>
          %dma_start3A_83 = arith.constant 0 : i32
          %dma_start3A_84 = arith.constant 0 : i32
          %dma_start3A_85 = tpu.memref_slice %arg4[%dma_start3A_83, %dma_start3A_84] : memref<10240x128xf32, #tpu.memory_space<hbm>> -> memref<10240x128xf32, #tpu.memory_space<hbm>>
          tpu.enqueue_indirect_dma source(%dma_start3A_85 : memref<10240x128xf32, #tpu.memory_space<hbm>>) target(%arg9 : memref<128x128xf32, #tpu.memory_space<vmem>>) offsets(%dma_start3A_82 : memref<128xi32, #tpu.memory_space<vmem>>) semaphore(%arg12 : memref<!tpu.dma_semaphore, #tpu.memory_space<semaphore_mem>>)
        } else {
        }
        "tpu.region"() ({
          %run_scoped3A = tpu.sem_alloc : memref<!tpu.dma_semaphore, #tpu.memory_space<semaphore_mem>>
          %dma_start3A_78 = arith.constant 0 : i32
          %dma_start3A_79 = tpu.memref_slice %arg8[%add3A_56, %dma_start3A_78] : memref<16x128xi32, #tpu.memory_space<vmem>> -> memref<1x128xi32, #tpu.memory_space<vmem>>
          %dma_start3A_80 = tpu.memref_squeeze %dma_start3A_79 : memref<1x128xi32, #tpu.memory_space<vmem>> -> memref<128xi32, #tpu.memory_space<vmem>>
          %dma_start3A_81 = arith.constant 0 : i32
          %dma_start3A_82 = arith.constant 0 : i32
          %dma_start3A_83 = tpu.memref_slice %arg11[%dma_start3A_81, %dma_start3A_82] : memref<10240x128xf32, #tpu.memory_space<vmem_shared>> -> memref<10240x128xf32, #tpu.memory_space<vmem_shared>>
          tpu.enqueue_indirect_dma source(%arg10 : memref<128x128xf32, #tpu.memory_space<vmem>>) target(%dma_start3A_83 : memref<10240x128xf32, #tpu.memory_space<vmem_shared>>) offsets(%dma_start3A_80 : memref<128xi32, #tpu.memory_space<vmem>>) semaphore(%run_scoped3A : memref<!tpu.dma_semaphore, #tpu.memory_space<semaphore_mem>>) {add = true}
          %dma_wait3A_84 = arith.constant 0 : i32
          %dma_wait3A_85 = tpu.memref_slice %arg8[%add3A_56, %dma_wait3A_84] : memref<16x128xi32, #tpu.memory_space<vmem>> -> memref<1x128xi32, #tpu.memory_space<vmem>>
          %dma_wait3A_86 = tpu.memref_squeeze %dma_wait3A_85 : memref<1x128xi32, #tpu.memory_space<vmem>> -> memref<128xi32, #tpu.memory_space<vmem>>
          %dma_wait3A_87 = arith.constant 0 : i32
          %dma_wait3A_88 = arith.constant 0 : i32
          %dma_wait3A_89 = tpu.memref_slice %arg11[%dma_wait3A_87, %dma_wait3A_88] : memref<10240x128xf32, #tpu.memory_space<vmem_shared>> -> memref<10240x128xf32, #tpu.memory_space<vmem_shared>>
          tpu.wait_indirect_dma semaphore(%run_scoped3A : memref<!tpu.dma_semaphore, #tpu.memory_space<semaphore_mem>>) src(%arg10 : memref<128x128xf32, #tpu.memory_space<vmem>>) dst(%dma_wait3A_89 : memref<10240x128xf32, #tpu.memory_space<vmem_shared>>)
          tpu.yield
        }) : () -> ()
      }
      %scan3A_51 = arith.constant 8 : i32
    }
    %barrier3A_33 = arith.constant 0 : index
    tpu.barrier barrier_id(%barrier3A_33)
    %mul3A_34 = arith.constant 640 : i32
    %mul3A_35 = arith.muli %arg1, %mul3A_34 : i32
    %mul3A_36 = arith.constant 640 : i32
    %mul3A_37 = arith.muli %arg1, %mul3A_36 : i32
    "tpu.region"() ({
      %run_scoped3A = tpu.sem_alloc : memref<!tpu.dma_semaphore, #tpu.memory_space<semaphore_mem>>
      %dma_start3A = arith.constant 0 : i32
      %dma_start3A_38 = tpu.memref_slice %arg6[%arg0, %mul3A_37, %dma_start3A] : memref<2x10240x128xf32, #tpu.memory_space<hbm>> -> memref<1x640x128xf32, #tpu.memory_space<hbm>>
      %dma_start3A_39 = tpu.memref_squeeze %dma_start3A_38 : memref<1x640x128xf32, #tpu.memory_space<hbm>> -> memref<640x128xf32, #tpu.memory_space<hbm>>
      %dma_start3A_40 = arith.constant 0 : i32
      %dma_start3A_41 = tpu.memref_slice %arg11[%mul3A_35, %dma_start3A_40] : memref<10240x128xf32, #tpu.memory_space<vmem_shared>> -> memref<640x128xf32, #tpu.memory_space<vmem_shared>>
      tpu.enqueue_dma source(%dma_start3A_41 : memref<640x128xf32, #tpu.memory_space<vmem_shared>>) target(%dma_start3A_39 : memref<640x128xf32, #tpu.memory_space<hbm>>) target_semaphore(%run_scoped3A : memref<!tpu.dma_semaphore, #tpu.memory_space<semaphore_mem>>)
      %dma_wait3A = arith.constant 0 : i32
      %dma_wait3A_42 = tpu.memref_slice %arg6[%arg0, %mul3A_37, %dma_wait3A] : memref<2x10240x128xf32, #tpu.memory_space<hbm>> -> memref<1x640x128xf32, #tpu.memory_space<hbm>>
      %dma_wait3A_43 = tpu.memref_squeeze %dma_wait3A_42 : memref<1x640x128xf32, #tpu.memory_space<hbm>> -> memref<640x128xf32, #tpu.memory_space<hbm>>
      %dma_wait3A_44 = arith.constant 0 : i32
      %dma_wait3A_45 = tpu.memref_slice %arg11[%mul3A_35, %dma_wait3A_44] : memref<10240x128xf32, #tpu.memory_space<vmem_shared>> -> memref<640x128xf32, #tpu.memory_space<vmem_shared>>
      tpu.wait_dma2 semaphore(%run_scoped3A : memref<!tpu.dma_semaphore, #tpu.memory_space<semaphore_mem>>) src(%dma_wait3A_45 : memref<640x128xf32, #tpu.memory_space<vmem_shared>>) dst(%dma_wait3A_43 : memref<640x128xf32, #tpu.memory_space<hbm>>)
      tpu.yield
    }) : () -> ()
    return
  }
}

module attributes {stable_mosaic.version = 14 : i64} {
  func.func @_mm_scale_body(%arg0: i32, %arg1: memref<1024x128xf32, #tpu.memory_space<vmem>>, %arg2: memref<128x128xf32, #tpu.memory_space<vmem>>, %arg3: memref<2x1024x128xf32, #tpu.memory_space<vmem>>, %arg4: memref<1024x128xf32, #tpu.memory_space<vmem>>) attributes {dimension_semantics = [#tpu.dimension_semantics<arbitrary>], iteration_bounds = array<i64: 10>, scalar_prefetch = 0 : i64, scratch_operands = 0 : i64, tpu.core_type = #tpu.core_type<tc>, window_params = [{transform_indices = @transform_0, window_bounds = array<i64: 1024, 128>}, {pipeline_mode = #tpu.pipeline_mode<synchronous>, transform_indices = @transform_1, window_bounds = array<i64: 128, 128>}, {transform_indices = @transform_2, window_bounds = array<i64: 2, 1024, 128>}, {transform_indices = @transform_3, window_bounds = array<i64: 1024, 128>}]} {
    %get3A = arith.constant 0 : index
    %get3A_0 = arith.constant 0 : index
    %get3A_1 = arith.constant 0 : index
    %get3A_2 = vector.load %arg3[%get3A, %get3A_0, %get3A_1] : memref<2x1024x128xf32, #tpu.memory_space<vmem>>, vector<1x1024x128xf32>
    %get3A_3 = vector.shape_cast %get3A_2 : vector<1x1024x128xf32> to vector<1024x128xf32>
    %slice3A = vector.extract_strided_slice %get3A_3 {offsets = [0, 0], sizes = [1024, 1], strides = [1, 1]} : vector<1024x128xf32> to vector<1024x1xf32>
    %max3A = arith.constant 1.000000e+00 : f32
    %max3A_4 = vector.broadcast %max3A : f32 to vector<1024x1xf32>
    %max3A_5 = arith.maximumf %slice3A, %max3A_4 : vector<1024x1xf32>
    %rsqrt3A = math.rsqrt %max3A_5 : vector<1024x1xf32>
    %get3A_6 = arith.constant 0 : index
    %get3A_7 = arith.constant 0 : index
    %get3A_8 = vector.load %arg1[%get3A_6, %get3A_7] : memref<1024x128xf32, #tpu.memory_space<vmem>>, vector<1024x128xf32>
    %get3A_9 = arith.constant 0 : index
    %get3A_10 = arith.constant 0 : index
    %get3A_11 = vector.load %arg2[%get3A_9, %get3A_10] : memref<128x128xf32, #tpu.memory_space<vmem>>, vector<128x128xf32>
    %dot_general3A = arith.constant dense<0.000000e+00> : vector<1024x128xf32>
    %dot_general3A_12 = tpu.matmul %get3A_8, %get3A_11, %dot_general3A {dimension_numbers = #tpu.dot_dimension_numbers<[1], [0], [0], [1], [0, 0, 1, 1], [], []>, transpose_lhs_hint = false} : vector<1024x128xf32>, vector<128x128xf32>, vector<1024x128xf32> -> vector<1024x128xf32>
    %mul3A = vector.broadcast %rsqrt3A : vector<1024x1xf32> to vector<1024x128xf32>
    %mul3A_13 = arith.mulf %dot_general3A_12, %mul3A : vector<1024x128xf32>
    %swap3A = arith.constant 0 : index
    %swap3A_14 = arith.constant 0 : index
    %swap3A_15 = vector.load %arg4[%swap3A, %swap3A_14] : memref<1024x128xf32, #tpu.memory_space<vmem>>, vector<1024x128xf32>
    tpu.vector_store %arg4[%swap3A, %swap3A_14], %mul3A_13 {strides = array<i32>} : memref<1024x128xf32, #tpu.memory_space<vmem>>, vector<1024x128xf32>,
    return
  }
  func.func @transform_0(%arg0: i32) -> (i32, i32) {
    %c0_i32 = arith.constant 0 : i32
    %c0_i32_0 = arith.constant 0 : i32
    return %arg0, %c0_i32 : i32, i32
  }
  func.func @transform_1(%arg0: i32) -> (i32, i32) {
    %c0_i32 = arith.constant 0 : i32
    %c0_i32_0 = arith.constant 0 : i32
    %c0_i32_1 = arith.constant 0 : i32
    return %c0_i32, %c0_i32_0 : i32, i32
  }
  func.func @transform_2(%arg0: i32) -> (i32, i32, i32) {
    %c0_i32 = arith.constant 0 : i32
    %c0_i32_0 = arith.constant 0 : i32
    %c0_i32_1 = arith.constant 0 : i32
    return %c0_i32, %arg0, %c0_i32_0 : i32, i32, i32
  }
  func.func @transform_3(%arg0: i32) -> (i32, i32) {
    %c0_i32 = arith.constant 0 : i32
    %c0_i32_0 = arith.constant 0 : i32
    return %arg0, %c0_i32 : i32, i32
  }
}

module attributes {stable_mosaic.version = 14 : i64} {
  func.func @_post1_body(%arg0: i32, %arg1: memref<2x1024x128xf32, #tpu.memory_space<vmem>>, %arg2: memref<2x1024x128xf32, #tpu.memory_space<vmem>>, %arg3: memref<1x128xf32, #tpu.memory_space<vmem>>, %arg4: memref<128x128xf32, #tpu.memory_space<vmem>>, %arg5: memref<1024x128xf32, #tpu.memory_space<vmem>>) attributes {dimension_semantics = [#tpu.dimension_semantics<arbitrary>], iteration_bounds = array<i64: 10>, scalar_prefetch = 0 : i64, scratch_operands = 0 : i64, tpu.core_type = #tpu.core_type<tc>, window_params = [{transform_indices = @transform_0, window_bounds = array<i64: 2, 1024, 128>}, {transform_indices = @transform_1, window_bounds = array<i64: 2, 1024, 128>}, {pipeline_mode = #tpu.pipeline_mode<synchronous>, transform_indices = @transform_2, window_bounds = array<i64: 1, 128>}, {pipeline_mode = #tpu.pipeline_mode<synchronous>, transform_indices = @transform_3, window_bounds = array<i64: 128, 128>}, {transform_indices = @transform_4, window_bounds = array<i64: 1024, 128>}]} {
    %get3A = arith.constant 1 : index
    %get3A_0 = arith.constant 0 : index
    %get3A_1 = arith.constant 0 : index
    %get3A_2 = vector.load %arg2[%get3A, %get3A_0, %get3A_1] : memref<2x1024x128xf32, #tpu.memory_space<vmem>>, vector<1x1024x128xf32>
    %get3A_3 = vector.shape_cast %get3A_2 : vector<1x1024x128xf32> to vector<1024x128xf32>
    %slice3A = vector.extract_strided_slice %get3A_3 {offsets = [0, 0], sizes = [1024, 1], strides = [1, 1]} : vector<1024x128xf32> to vector<1024x1xf32>
    %max3A = arith.constant 1.000000e+00 : f32
    %max3A_4 = vector.broadcast %max3A : f32 to vector<1024x1xf32>
    %max3A_5 = arith.maximumf %slice3A, %max3A_4 : vector<1024x1xf32>
    %rsqrt3A = math.rsqrt %max3A_5 : vector<1024x1xf32>
    %get3A_6 = arith.constant 0 : index
    %get3A_7 = arith.constant 0 : index
    %get3A_8 = arith.constant 0 : index
    %get3A_9 = vector.load %arg2[%get3A_6, %get3A_7, %get3A_8] : memref<2x1024x128xf32, #tpu.memory_space<vmem>>, vector<1x1024x128xf32>
    %get3A_10 = vector.shape_cast %get3A_9 : vector<1x1024x128xf32> to vector<1024x128xf32>
    %slice3A_11 = vector.extract_strided_slice %get3A_10 {offsets = [0, 0], sizes = [1024, 1], strides = [1, 1]} : vector<1024x128xf32> to vector<1024x1xf32>
    %max3A_12 = arith.constant 1.000000e+00 : f32
    %max3A_13 = vector.broadcast %max3A_12 : f32 to vector<1024x1xf32>
    %max3A_14 = arith.maximumf %slice3A_11, %max3A_13 : vector<1024x1xf32>
    %rsqrt3A_15 = math.rsqrt %max3A_14 : vector<1024x1xf32>
    %get3A_16 = arith.constant 0 : index
    %get3A_17 = arith.constant 0 : index
    %get3A_18 = arith.constant 0 : index
    %get3A_19 = vector.load %arg1[%get3A_16, %get3A_17, %get3A_18] : memref<2x1024x128xf32, #tpu.memory_space<vmem>>, vector<1x1024x128xf32>
    %get3A_20 = vector.shape_cast %get3A_19 : vector<1x1024x128xf32> to vector<1024x128xf32>
    %get3A_21 = arith.constant 1 : index
    %get3A_22 = arith.constant 0 : index
    %get3A_23 = arith.constant 0 : index
    %get3A_24 = vector.load %arg1[%get3A_21, %get3A_22, %get3A_23] : memref<2x1024x128xf32, #tpu.memory_space<vmem>>, vector<1x1024x128xf32>
    %get3A_25 = vector.shape_cast %get3A_24 : vector<1x1024x128xf32> to vector<1024x128xf32>
    %add3A = arith.addf %get3A_20, %get3A_25 : vector<1024x128xf32>
    %mul3A = vector.broadcast %rsqrt3A : vector<1024x1xf32> to vector<1024x128xf32>
    %mul3A_26 = arith.mulf %add3A, %mul3A : vector<1024x128xf32>
    %get3A_27 = arith.constant 0 : index
    %get3A_28 = arith.constant 0 : index
    %get3A_29 = vector.load %arg3[%get3A_27, %get3A_28] : memref<1x128xf32, #tpu.memory_space<vmem>>, vector<1x128xf32>
    %add3A_30 = vector.broadcast %get3A_29 : vector<1x128xf32> to vector<1024x128xf32>
    %add3A_31 = arith.addf %mul3A_26, %add3A_30 : vector<1024x128xf32>
    %max3A_32 = arith.constant 0.000000e+00 : f32
    %max3A_33 = vector.broadcast %max3A_32 : f32 to vector<1024x128xf32>
    %max3A_34 = arith.maximumf %add3A_31, %max3A_33 : vector<1024x128xf32>
    %get3A_35 = arith.constant 0 : index
    %get3A_36 = arith.constant 0 : index
    %get3A_37 = vector.load %arg4[%get3A_35, %get3A_36] : memref<128x128xf32, #tpu.memory_space<vmem>>, vector<128x128xf32>
    %dot_general3A = arith.constant dense<0.000000e+00> : vector<1024x128xf32>
    %dot_general3A_38 = tpu.matmul %max3A_34, %get3A_37, %dot_general3A {dimension_numbers = #tpu.dot_dimension_numbers<[1], [0], [0], [1], [0, 0, 1, 1], [], []>, transpose_lhs_hint = false} : vector<1024x128xf32>, vector<128x128xf32>, vector<1024x128xf32> -> vector<1024x128xf32>
    %mul3A_39 = vector.broadcast %rsqrt3A_15 : vector<1024x1xf32> to vector<1024x128xf32>
    %mul3A_40 = arith.mulf %dot_general3A_38, %mul3A_39 : vector<1024x128xf32>
    %swap3A = arith.constant 0 : index
    %swap3A_41 = arith.constant 0 : index
    %swap3A_42 = vector.load %arg5[%swap3A, %swap3A_41] : memref<1024x128xf32, #tpu.memory_space<vmem>>, vector<1024x128xf32>
    tpu.vector_store %arg5[%swap3A, %swap3A_41], %mul3A_40 {strides = array<i32>} : memref<1024x128xf32, #tpu.memory_space<vmem>>, vector<1024x128xf32>,
    return
  }
  func.func @transform_0(%arg0: i32) -> (i32, i32, i32) {
    %c0_i32 = arith.constant 0 : i32
    %c0_i32_0 = arith.constant 0 : i32
    %c0_i32_1 = arith.constant 0 : i32
    return %c0_i32, %arg0, %c0_i32_0 : i32, i32, i32
  }
  func.func @transform_1(%arg0: i32) -> (i32, i32, i32) {
    %c0_i32 = arith.constant 0 : i32
    %c0_i32_0 = arith.constant 0 : i32
    %c0_i32_1 = arith.constant 0 : i32
    return %c0_i32, %arg0, %c0_i32_0 : i32, i32, i32
  }
  func.func @transform_2(%arg0: i32) -> (i32, i32) {
    %c0_i32 = arith.constant 0 : i32
    %c0_i32_0 = arith.constant 0 : i32
    %c0_i32_1 = arith.constant 0 : i32
    return %c0_i32, %c0_i32_0 : i32, i32
  }
  func.func @transform_3(%arg0: i32) -> (i32, i32) {
    %c0_i32 = arith.constant 0 : i32
    %c0_i32_0 = arith.constant 0 : i32
    %c0_i32_1 = arith.constant 0 : i32
    return %c0_i32, %c0_i32_0 : i32, i32
  }
  func.func @transform_4(%arg0: i32) -> (i32, i32) {
    %c0_i32 = arith.constant 0 : i32
    %c0_i32_0 = arith.constant 0 : i32
    return %arg0, %c0_i32 : i32, i32
  }
}

module attributes {stable_mosaic.version = 14 : i64} {
  func.func @_post2_body(%arg0: i32, %arg1: memref<2x1024x128xf32, #tpu.memory_space<vmem>>, %arg2: memref<2x1024x128xf32, #tpu.memory_space<vmem>>, %arg3: memref<1x128xf32, #tpu.memory_space<vmem>>, %arg4: memref<1024x128xf32, #tpu.memory_space<vmem>>) attributes {dimension_semantics = [#tpu.dimension_semantics<arbitrary>], iteration_bounds = array<i64: 10>, scalar_prefetch = 0 : i64, scratch_operands = 0 : i64, tpu.core_type = #tpu.core_type<tc>, window_params = [{transform_indices = @transform_0, window_bounds = array<i64: 2, 1024, 128>}, {transform_indices = @transform_1, window_bounds = array<i64: 2, 1024, 128>}, {pipeline_mode = #tpu.pipeline_mode<synchronous>, transform_indices = @transform_2, window_bounds = array<i64: 1, 128>}, {transform_indices = @transform_3, window_bounds = array<i64: 1024, 128>}]} {
    %get3A = arith.constant 1 : index
    %get3A_0 = arith.constant 0 : index
    %get3A_1 = arith.constant 0 : index
    %get3A_2 = vector.load %arg2[%get3A, %get3A_0, %get3A_1] : memref<2x1024x128xf32, #tpu.memory_space<vmem>>, vector<1x1024x128xf32>
    %get3A_3 = vector.shape_cast %get3A_2 : vector<1x1024x128xf32> to vector<1024x128xf32>
    %slice3A = vector.extract_strided_slice %get3A_3 {offsets = [0, 0], sizes = [1024, 1], strides = [1, 1]} : vector<1024x128xf32> to vector<1024x1xf32>
    %max3A = arith.constant 1.000000e+00 : f32
    %max3A_4 = vector.broadcast %max3A : f32 to vector<1024x1xf32>
    %max3A_5 = arith.maximumf %slice3A, %max3A_4 : vector<1024x1xf32>
    %rsqrt3A = math.rsqrt %max3A_5 : vector<1024x1xf32>
    %get3A_6 = arith.constant 0 : index
    %get3A_7 = arith.constant 0 : index
    %get3A_8 = arith.constant 0 : index
    %get3A_9 = vector.load %arg1[%get3A_6, %get3A_7, %get3A_8] : memref<2x1024x128xf32, #tpu.memory_space<vmem>>, vector<1x1024x128xf32>
    %get3A_10 = vector.shape_cast %get3A_9 : vector<1x1024x128xf32> to vector<1024x128xf32>
    %get3A_11 = arith.constant 1 : index
    %get3A_12 = arith.constant 0 : index
    %get3A_13 = arith.constant 0 : index
    %get3A_14 = vector.load %arg1[%get3A_11, %get3A_12, %get3A_13] : memref<2x1024x128xf32, #tpu.memory_space<vmem>>, vector<1x1024x128xf32>
    %get3A_15 = vector.shape_cast %get3A_14 : vector<1x1024x128xf32> to vector<1024x128xf32>
    %add3A = arith.addf %get3A_10, %get3A_15 : vector<1024x128xf32>
    %mul3A = vector.broadcast %rsqrt3A : vector<1024x1xf32> to vector<1024x128xf32>
    %mul3A_16 = arith.mulf %add3A, %mul3A : vector<1024x128xf32>
    %get3A_17 = arith.constant 0 : index
    %get3A_18 = arith.constant 0 : index
    %get3A_19 = vector.load %arg3[%get3A_17, %get3A_18] : memref<1x128xf32, #tpu.memory_space<vmem>>, vector<1x128xf32>
    %add3A_20 = vector.broadcast %get3A_19 : vector<1x128xf32> to vector<1024x128xf32>
    %add3A_21 = arith.addf %mul3A_16, %add3A_20 : vector<1024x128xf32>
    %swap3A = arith.constant 0 : index
    %swap3A_22 = arith.constant 0 : index
    %swap3A_23 = vector.load %arg4[%swap3A, %swap3A_22] : memref<1024x128xf32, #tpu.memory_space<vmem>>, vector<1024x128xf32>
    tpu.vector_store %arg4[%swap3A, %swap3A_22], %add3A_21 {strides = array<i32>} : memref<1024x128xf32, #tpu.memory_space<vmem>>, vector<1024x128xf32>,
    return
  }
  func.func @transform_0(%arg0: i32) -> (i32, i32, i32) {
    %c0_i32 = arith.constant 0 : i32
    %c0_i32_0 = arith.constant 0 : i32
    %c0_i32_1 = arith.constant 0 : i32
    return %c0_i32, %arg0, %c0_i32_0 : i32, i32, i32
  }
  func.func @transform_1(%arg0: i32) -> (i32, i32, i32) {
    %c0_i32 = arith.constant 0 : i32
    %c0_i32_0 = arith.constant 0 : i32
    %c0_i32_1 = arith.constant 0 : i32
    return %c0_i32, %arg0, %c0_i32_0 : i32, i32, i32
  }
  func.func @transform_2(%arg0: i32) -> (i32, i32) {
    %c0_i32 = arith.constant 0 : i32
    %c0_i32_0 = arith.constant 0 : i32
    %c0_i32_1 = arith.constant 0 : i32
    return %c0_i32, %c0_i32_0 : i32, i32
  }
  func.func @transform_3(%arg0: i32) -> (i32, i32) {
    %c0_i32 = arith.constant 0 : i32
    %c0_i32_0 = arith.constant 0 : i32
    return %arg0, %c0_i32 : i32, i32
  }
}

</mosaic_0001>

<sc_bundles>
// kernel: kernel.11.cloned.1.call-start
scs
__scs_entry_jumppad:
0x0: {  	(pc) =	sbr.rel $0x88, $3  }
0x1: {  	(tag) =	ssettag $0x0;
	lr =	simm.s32 $0x1  }
0x2: {  	[smem:$0x3F9B] =	sst lr;
	_ =	strace $0xD0000000  }
0x3: {  	_ = 	snop  }
0x4: {  	_ = 	snop  }
0x5: {  	_ = 	snop  }
0x6: {  	_ = 	snop  }
0x7: {  	_ = 	snop  }
__scs_overlays_trampoline_lowered:
0x8: {  	[smem:$0x3FAA] =	sst s0  }
0x9: {  	[smem:$0x3FAB] =	sst s1  }
0xa: {  	[smem:$0x3FAC] =	sst s2  }
0xb: {  	[smem:$0x3FAD] =	sst s3  }
0xc: {  	[smem:$0x3FAE] =	sst s4  }
0xd: {  	[smem:$0x3FAF] =	sst s5  }
0xe: {  	[smem:$0x3FB0] =	sst s6  }
0xf: {  	[smem:$0x3FB1] =	sst s7  }
0x10: {  	[smem:$0x3FB2] =	sst s8  }
0x11: {  	[smem:$0x3FB3] =	sst s9;
	s0 =	simm.s32 @!p0 $0x0  }
0x12: {  	s1 =	sld [smem:$0x3F99];
	s0 =	simm.s32 @p0 $0x1  }
0x13: {  	[smem:$0x3FB4] =	sst s0;
	s0 =	simm.s32 @!p1 $0x0  }
0x14: {  	s2 =	sld [smem:$0x3F98];
	s0 =	simm.s32 @p1 $0x1  }
0x15: {  	[smem:$0x3FB5] =	sst s0;
	s0 =	simm.s32 @!p2 $0x0  }
0x16: {  	s3 =	sld [smem:$0x3FDB];
	s0 =	simm.s32 @p2 $0x1  }
0x17: {  	s4 =	simm.s32 $0x1BF5;
	[smem:$0x3FB7] =	sst s0  }
0x18: {  	s0 =	sld [smem:$0x3F9A];
	_ =	swait.ge [sflag:s4], $0x0  }
0x19: {  	s7 =	sld [smem:$0x3F9B]  }
0x1a: {  	s8 =	sadd.s32 $0xFFFFE003, lr  }
0x1b: {  	s9 =	sadd.s32 $0xFFFFFEF7, lr;
	s5 =	simm.s32 $0xFFFFFFFF;
	p2 =	slt.u32 s8, $0xFFFFF086  }
0x1c: {  	p1 =	slt.u32 s9, $0xF7A;
	s5 =	simm.s32 @!p2 $0x0  }
0x1d: {  	s5 =	simm.s32 @p1 $0x1;
	p0 =	seq.s32 s7, s2  }
0x1e: {  	s7 =	smul.u32 @!p0 $0xF7A, s2;
	p2 =	seq.s32 @!p0 s5, $0x0  }
0x1f: {  	s9 =	smul.u32 $0xF7A, s1;
	s8 =	simm.s32 @!p0 $0x1BF5;
	p2 =	por !p2, p0  }
0x20: {  	[sflag:s8] =	ssyncset.s32 @!p0 $0xFFFFF086;
	s6 =	sadd.s32 @!p0 s3, s7;
	s7 =	simm.s32 @!p0 $0x108  }
0x21: {  	s3 =	sadd.s32 s3, s9;
	s6 =	sadd.s32 @!p0 $0x88, s6;
	s7 =	simm.s32 @p2 $0x1082  }
0x22: {  	[simem:s7], [sflag:s8] =	dma.local @!p0 [hbm:s6], $0xF7A  }
0x23: {  	s9 =	sor.u32 $0xD0000000, s2;
	s6 =	simm.s32 $0x108;
	_ =	swait.ge @!p0 [sflag:s8], $0x0  }
0x24: {  	s3 =	sadd.s32 $0x88, s3;
	s6 =	simm.s32 @!p1 $0x1082;
	[sflag:s4] =	ssyncset.s32 $0xFFFFF086  }
0x25: {  	[simem:s6], [sflag:s4] =	dma.local [hbm:s3], $0xF7A  }
0x26: {  	[smem:$0x3F9B] =	sst s1;
	(tag) =	ssettag s2;
	_ =	strace s9  }
0x27: {  	s1 =	sld [smem:$0x3FAB]  }
0x28: {  	s2 =	sld [smem:$0x3FAC]  }
0x29: {  	s4 =	sld [smem:$0x3FAE]  }
0x2a: {  	p0 =	seq.s32 s5, $0x0;
	s5 =	sld [smem:$0x3FAF]  }
0x2b: {  	s6 =	sld [smem:$0x3FB0]  }
0x2c: {  	s7 =	sld [smem:$0x3FB1]  }
0x2d: {  	s3 =	simm.s32 $0x108;
	s8 =	sld [smem:$0x3FB2]  }
0x2e: {  	s3 =	simm.s32 @!p0 $0x1082;
	s9 =	sld [smem:$0x3FB3]  }
0x2f: {  	lr =	sadd.s32 s0, s3;
	s0 =	sld [smem:$0x3FAA]  }
0x30: {  	s3 =	sld [smem:$0x3FAD]  }
0x31: {  	[smem:$0x3FB6] =	sst s10  }
0x32: {  	s10 =	sld [smem:$0x3FB4];
	_ =	sdelay $0x3  }
0x33: {  	p0 =	seq.s32 s10, $0x1;
	s10 =	sld [smem:$0x3FB6];
	_ =	sdelay $0x3  }
0x34: {  	[smem:$0x3FB6] =	sst s10  }
0x35: {  	s10 =	sld [smem:$0x3FB5];
	_ =	sdelay $0x3  }
0x36: {  	p1 =	seq.s32 s10, $0x1;
	s10 =	sld [smem:$0x3FB6];
	_ =	sdelay $0x3  }
0x37: {  	[smem:$0x3FB6] =	sst s10  }
0x38: {  	s10 =	sld [smem:$0x3FB7]  }
0x39: {  	_ = 	snop;
	(pc) =	sbr.ind lr, $3  }
0x3a: {  	_ = 	snop  }
0x3b: {  	_ = 	snop  }
0x3c: {  	p2 =	seq.s32 s10, $0x1;
	s10 =	sld [smem:$0x3FB6]  }
0x3d: {  	_ =	shalt  }
0x3e: {  	_ =	shalt  }
0x3f: {  	_ =	shalt  }
0x40: {  	_ =	shalt  }
0x41: {  	_ =	shalt  }
0x42: {  	_ =	shalt  }
0x43: {  	_ =	shalt  }
0x44: {  	_ =	shalt  }
0x45: {  	_ =	shalt  }
0x46: {  	_ =	shalt  }
0x47: {  	_ =	shalt  }
0x48: {  	_ =	shalt  }
0x49: {  	_ =	shalt  }
0x4a: {  	_ =	shalt  }
0x4b: {  	_ =	shalt  }
0x4c: {  	_ =	shalt  }
0x4d: {  	_ =	shalt  }
0x4e: {  	_ =	shalt  }
0x4f: {  	_ =	shalt  }
0x50: {  	_ =	shalt  }
0x51: {  	_ =	shalt  }
0x52: {  	_ =	shalt  }
0x53: {  	_ =	shalt  }
0x54: {  	_ =	shalt  }
0x55: {  	_ =	shalt  }
0x56: {  	_ =	shalt  }
0x57: {  	_ =	shalt  }
0x58: {  	_ =	shalt  }
0x59: {  	_ =	shalt  }
0x5a: {  	_ =	shalt  }
0x5b: {  	_ =	shalt  }
0x5c: {  	_ =	shalt  }
0x5d: {  	_ =	shalt  }
0x5e: {  	_ =	shalt  }
0x5f: {  	_ =	shalt  }
0x60: {  	_ =	shalt  }
0x61: {  	_ =	shalt  }
0x62: {  	_ =	shalt  }
0x63: {  	_ =	shalt  }
0x64: {  	_ =	shalt  }
0x65: {  	_ =	shalt  }
0x66: {  	_ =	shalt  }
0x67: {  	_ =	shalt  }
0x68: {  	_ =	shalt  }
0x69: {  	_ =	shalt  }
0x6a: {  	_ =	shalt  }
0x6b: {  	_ =	shalt  }
0x6c: {  	_ =	shalt  }
0x6d: {  	_ =	shalt  }
0x6e: {  	_ =	shalt  }
0x6f: {  	_ =	shalt  }
0x70: {  	_ =	shalt  }
0x71: {  	_ =	shalt  }
0x72: {  	_ =	shalt  }
0x73: {  	_ =	shalt  }
0x74: {  	_ =	shalt  }
0x75: {  	_ =	shalt  }
0x76: {  	_ =	shalt  }
0x77: {  	_ =	shalt  }
0x78: {  	_ =	shalt  }
0x79: {  	_ =	shalt  }
0x7a: {  	_ =	shalt  }
0x7b: {  	_ =	shalt  }
0x7c: {  	_ =	shalt  }
0x7d: {  	_ =	shalt  }
0x7e: {  	_ =	shalt  }
0x7f: {  	_ =	shalt  }
0x80: {  	_ =	shalt  }
0x81: {  	_ =	shalt  }
0x82: {  	_ =	shalt  }
0x83: {  	_ =	shalt  }
0x84: {  	_ =	shalt  }
0x85: {  	_ =	shalt  }
0x86: {  	_ =	shalt  }
0x87: {  	_ =	shalt  }
.Lfunc_end0:
.L_simem_size_0:
called_computation.1_lowered:
.L_overlay_start_0:
0x88: {  	s2 =	sld [smem:$0x3FD9]  }
0x89: {  	s3 =	sld [smem:$0x3FFE];
	_ =	sdelay $0x1  }
0x8a: {  	s1 =	srdreg.scid  }
0x8b: {  	s0 =	sand.u32 $0x1, s1  }
0x8c: {  	s16 =	sshll.u32 s0, $0xA;
	s2 =	sadd.s32 s3, s2  }
0x8d: {  	s2 =	sadd.s32 s2, s16  }
0x8e: {  	[smem:$0x3FC2] =	sst s2  }
0x8f: {  	_ = 	snop  }
0x90: {  	(tm) =	ssettm $0x1  }
0x91: {  	s17 =	sld [smem:$0x3FFB];
	_ =	sdelay $0x3  }
0x92: {  	_ =	strace s17  }
0x93: {  	s2 =	sld [smem:$0x3FFC];
	_ =	sdelay $0x3  }
0x94: {  	_ =	strace s2  }
0x95: {  	s2 =	sld [smem:$0x3FFD];
	_ =	sdelay $0x3  }
0x96: {  	_ =	strace s2  }
0x97: {  	_ =	strace $0x8FFFFFFF  }
0x98: {  	s18 =	sld [smem:$0x3FDB];
	_ =	sdelay $0x1  }
0x99: {  	s19 =	simm.s32 $_scs_section_size  }
0x9a: {  	s4 =	simm.s32 $_size__tile_overlayer_lowered;
	s5 =	simm.s32 $_tile_overlayer_lowered  }
0x9b: {  	s22 =	simm.s32 $0x1BFF;
	s21 =	sshll.u32 s5, $0x1;
	s2 =	sadd.s32 s19, s18  }
0x9c: {  	s6 =	simm.s32 $0x0;
	s20 =	sshll.u32 s4, $0x1;
	s4 =	sadd.s32 s21, s2  }
0x9d: {  	[timem:s6], [sflag:s22] =	dma.local [hbm:s4], s20  }
0x9e: {  	_ =	swait.ge [sflag:s22], s20  }
0x9f: {  	s3 =	ssub.s32 $0x0, s20;
	[sflag:s22] =	ssyncset.done $0x0  }
0xa0: {  	[sflag:s22] =	ssyncadd.s32 s3;
	_ =	sdelay $0x1  }
0xa1: {  	s23 =	simm.s32 $0x1B8B  }
0xa2: {  	_ =	swait.ge [sflag:s23], $0x1  }
0xa3: {  	[sflag:s23] =	ssyncset.done $0x0  }
0xa4: {  	s25 =	simm.s32 $0x1B8E;
	s24 =	sld [smem:$0x3FFE];
	[sflag:s23] =	ssyncadd.s32 $0xFFFFFFFF  }
0xa5: {  	s26 =	simm.s32 $execute0_lowered;
	[smem:$0x3FD2] =	sst s25  }
0xa6: {  	s4 =	sshll.u32 s26, $0x1;
	_ =	strace $0x80000049;
	[dreg:$0x1] =	wrdreg $0xFFFFFFFF  }
0xa7: {  	s28 =	simm.s32 $_size_execute0_lowered;
	s2 =	sadd.s32 s2, s4;
	[dreg:$0x0] =	wrdreg $0x0  }
0xa8: {  	s4 =	sshll.u32 s28, $0x1;
	[dreg:$0x2] =	wrdreg s2  }
0xa9: {  	[dreg:$0x3] =	wrdreg s4  }
0xaa: {  	[dreg:$0x4] =	wrdreg $0xC0  }
0xab: {  	_ =	task [dreg:s6], $0x5FFFF  }
0xac: {  	[dreg:$0x1] =	wrdreg $0xFFFFFFFF  }
0xad: {  	[dreg:$0x0] =	wrdreg $0x60  }
0xae: {  	[dreg:$0x2] =	wrdreg s24  }
0xaf: {  	[dreg:$0x3] =	wrdreg $0x90000  }
0xb0: {  	[dreg:$0x4] =	wrdreg $0x9  }
0xb1: {  	_ =	task.clear_ibuf [dreg:s6], $0x5FFFF;
	_ =	strace $0x90000049  }
0xb2: {  	s29 =	simm.s32 $0x9;
	_ =	strace $0x8000004B  }
0xb3: {  	_ =	swait.ge [sflag:s29], $0x1  }
0xb4: {  	[sflag:s29] =	ssyncadd.s32 $0xFFFFFFFF  }
0xb5: {  	_ =	strace $0x9000004B  }
0xb6: {  	_ =	sfence  }
0xb7: {  	s30 =	sld [smem:$0x0];
	_ =	sdelay $0x2  }
0xb8: {  	s31 =	sshll.u32 s1, $0xD;
	s1 =	sshrl.u32 s1, $0x2  }
0xb9: {  	s3 =	sand.u32 $0x4000, s31;
	s1 =	sadd.s32 s1, s30  }
0xba: {  	s0 =	sor.u32 s3, s0;
	s1 =	sshll.u32 s1, $0x11  }
0xbb: {  	s0 =	sor.u32 s1, s0  }
0xbc: {  	s0 =	sadd.s32 $0x8F2B, s0  }
0xbd: {  	[sflag:s0] =	ssyncadd.remote.s32 $0x1  }
0xbe: {  	_ =	sfence.sel $0xFFFF  }
0xbf: {  	[dreg:$0x0] =	wrdreg $0xFFFFFFFF;
	(pc) =	sbr.abs _section_cstart, $3  }
0xc0: {  	[dreg:$0x1] =	wrdreg $0xFFFFFFFF  }
0xc1: {  	_ =	task.clear_ibuf [dreg:s6], $0x2FFFF;
	_ =	strace $0x9FFFFFFF  }
0xc2: {  	(tm) =	ssettm $0x7FFFFFFF  }
0xc3: {  	_ =	shalt  }
tec
execute0_lowered:
.L_overlay_start_1:
0x0: {  	(tag) =	ssettag $0x1  }
0x1: {  	s0 =	rddreg [dreg:$0x0]  }
0x2: {  	s1 =	rddreg [dreg:$0x1];
	s3 =	simm.s32 $0x0  }
0x3: {  	s2 =	srdreg.scid;
	s10 =	stileid.u32;
	s7 =	simm.s32 $0x7  }
0x4: {  	s12 =	simm.s32 $0x100;
	[smem:$0x7FF] =	sst s3;
	s4 =	sadd.s32 $0x55A00, s0  }
0x5: {  	s22 =	sadd.s32 $0x60000, s0;
	_ =	strace $0x8000004A;
	[dreg:$0x3] =	wrdreg s4  }
0x6: {  	s13 =	simm.s32 $0x880;
	s23 =	sadd.s32 $0x3200, s0;
	[dreg:$0x4] =	wrdreg s22  }
0x7: {  	s14 =	simm.s32 $0x180;
	s15 =	simm.s32 $0x900;
	[dreg:$0x14] =	wrdreg s23  }
0x8: {  	s16 =	simm.s32 $0x200;
	s17 =	simm.s32 $0x980;
	[dreg:$0x5] =	wrdreg s12  }
0x9: {  	s18 =	simm.s32 $0x280;
	s19 =	simm.s32 $0xA00;
	[dreg:$0x6] =	wrdreg s13  }
0xa: {  	s20 =	simm.s32 $0x300;
	s21 =	simm.s32 $0xA80;
	[dreg:$0x7] =	wrdreg s14  }
0xb: {  	s28 =	simm.s32 $0xE00;
	s29 =	simm.s32 $0x700;
	[dreg:$0x8] =	wrdreg s15  }
0xc: {  	s30 =	simm.s32 $0xE80;
	s31 =	simm.s32 $0x780;
	[dreg:$0x9] =	wrdreg s16  }
0xd: {  	s2 =	sand.u32 $0x1, s2;
	s6 =	smul.u32 $0x14000, s10;
	[dreg:$0xa] =	wrdreg s17  }
0xe: {  	s8 =	smul.u32 $0x50000, s10;
	s11 =	sshll.u32 s10, $0x6;
	[dreg:$0xb] =	wrdreg s18  }
0xf: {  	s5 =	smul.u32 $0x140000, s2;
	s4 =	sadd.s32 $0x6A600, s0;
	[dreg:$0xc] =	wrdreg s19  }
0x10: {  	s24 =	ssub.s32 $0x2, s2;
	p0 =	seq.s32 s2, $0x0;
	[dreg:$0xd] =	wrdreg s20  }
0x11: {  	s2 =	sshll.u32 s2, $0x12;
	s12 =	simm.s32 $0x3;
	[dreg:$0xe] =	wrdreg s21  }
0x12: {  	s22 =	simm.s32 $0x380;
	s13 =	simm.s32 $0x800;
	s23 =	simm.s32 $0xB00  }
0x13: {  	s14 =	simm.s32 $0x80;
	s15 =	simm.s32 $0x1000;
	s16 =	simm.s32 $0x1  }
0x14: {  	s17 =	simm.s32 $0x5000;
	s18 =	simm.s32 $0x2;
	s19 =	simm.s32 $0xC00  }
0x15: {  	s20 =	simm.s32 $0x500;
	s21 =	simm.s32 $0xC80;
	s25 =	sshrl.u32 s24, $0x1  }
0x16: {  	s7 =	simm.s32 @!p0 $0x5;
	s9 =	sshrl.u32 s8, $0x2;
	[dreg:$0xf] =	wrdreg s22  }
0x17: {  	[dreg:$0x10] =	wrdreg s23;
	s22 =	simm.s32 $0x580;
	s23 =	simm.s32 $0xD00  }
0x18: {  	s5 =	sadd.s32 s6, s5;
	s26 =	sshll.u32 s10, s7;
	s9 =	sadd.s32 s9, s1  }
0x19: {  	s7 =	sor.u32 $0x1C03, s11;
	s10 =	simm.s32 $0x8;
	s5 =	sshrl.u32 s5, $0x3  }
0x1a: {  	s10 =	simm.s32 @!p0 $0x2;
	s6 =	sshll.u32 s26, $0x7;
	s11 =	sshrl.u32 s9, $0x3  }
0x1b: {  	s26 =	simm.s32 $0x480;
	s0 =	sadd.s32 s5, s0;
	[dreg:$0x15] =	wrdreg s10  }
0x1c: {  	s5 =	ssub.s32 s24, s25;
	s8 =	sor.u32 s6, s2;
	[dreg:$0x13] =	wrdreg s26  }
0x1d: {  	s24 =	simm.s32 $0x400;
	s25 =	simm.s32 $0xB80;
	[dreg:$0x18] =	wrdreg s11  }
0x1e: {  	s26 =	simm.s32 $0x680;
	s2 =	simm.s32 $0xF80;
	[dreg:$0x11] =	wrdreg s24  }
0x1f: {  	s0 =	sadd.s32 $0x92600, s0;
	s5 =	smax.u32 s5, $0x1;
	[dreg:$0x12] =	wrdreg s25  }
0x20: {  	s24 =	simm.s32 $0x600;
	s25 =	simm.s32 $0xD80;
	[dreg:$0x16] =	wrdreg s0  }
0x21: {  	[dreg:$0x17] =	wrdreg s5;
	s0 =	simm.s32 $0xF00;
	s5 =	simm.s32 $0x0  }
.LBB2_1:
0x22: {  	s6 =	rddreg [dreg:$0x14]  }
0x23: {  	[spmem:s11], [sflag:s7] =	dma.local [hbm:s6], $0x2800  }
0x24: {  	_ =	swait.ge [sflag:s12], $0x2800  }
0x25: {  	[sflag:s12] =	ssyncset.done $0x0  }
0x26: {  	[sflag:s12] =	ssyncadd.s32 $0xFFFFD800  }
0x27: {  	[bflag:$0x0] =	sbarrier.arrive $0xFFFF  }
0x28: {  	s10 =	rddreg [dreg:$0x15]  }
0x29: {  	p1 =	sne.s32 s10, $0x1  }
.Ltmp0:
0x2a: {  	_ = 	snop;
	(pc) =	sbr.rel @!p1 .LBB2_2-.Ltmp0, $2  }
0x2b: {  	_ =	sdelay $0x2  }
0x2c: {  	p0 =	por $0x0, $0x0;
	s6 =	rddreg [dreg:$0x3];
	s9 =	sadd.s32 $0xFFFFFFFF, s10  }
0x2d: {  	s10 =	sshrl.u32 s8, $0x3  }
0x2e: {  	s6 =	sadd.s32 s6, s10  }
0x2f: {  	[tilespmem:s3], [sflag:$0x3] =	stream.linear.gather [hbm4b:s6+s3], $0x800, $0x38;
	[tilespmem:$0x1D000] =	vst v63  }
0x30: {  	_ =	swait.ge [sflag:s12], $0x800  }
0x31: {  	s11 =	rddreg [dreg:$0x4];
	[sflag:s12] =	ssyncset.done $0x0  }
0x32: {  	[sflag:s12] =	ssyncadd.s32 $0xFFFFF800;
	s6 =	sadd.s32 s11, s10  }
0x33: {  	[tilespmem:s13], [sflag:$0x3] =	stream.linear.gather [hbm4b:s6+s3], $0x800, $0x38;
	[tilespmem:$0x1D000] =	vst v63  }
0x34: {  	_ =	swait.ge [sflag:s12], $0x800  }
0x35: {  	[sflag:s12] =	ssyncset.done $0x0  }
0x36: {  	[sflag:s12] =	ssyncadd.s32 $0xFFFFF800  }
0x37: {  	[tilespmem:s15], [sflag:$0x1] =	stream.indirect.gather [hbm4b:s4+s14], $0x80, s3, s14, $0xb8;
	[tilespmem:$0x1D000] =	vst v63  }
0x38: {  	_ =	swait.ge [sflag:s16], $0x4000  }
0x39: {  	[sflag:s16] =	ssyncset.done $0x0  }
0x3a: {  	[sflag:s16] =	ssyncadd.s32 $0xFFFFC000  }
0x3b: {  	[tilespmem:s17], [sflag:$0x2] =	stream.indirect.gather [hbm4b:s4+s14], $0x80, s14, s14, $0xb8;
	[tilespmem:$0x1D000] =	vst v63  }
0x3c: {  	_ = 	snop  }
0x3d: {  	[spmem:s1] =	stream.indirect.scatter.add.f32 [tilespmem:s15], [sflag:$0x3], $0x80, s13, s14, $0xb8;
	[tilespmem:$0x1D000] =	vst v63  }
0x3e: {  	_ =	swait.ge [sflag:s12], $0x4000  }
0x3f: {  	[sflag:s12] =	ssyncset.done $0x0  }
0x40: {  	[sflag:s12] =	ssyncadd.s32 $0xFFFFC000  }
0x41: {  	_ =	swait.ge [sflag:s18], $0x4000  }
0x42: {  	[sflag:s18] =	ssyncset.done $0x0  }
0x43: {  	s10 =	rddreg [dreg:$0x5];
	[sflag:s18] =	ssyncadd.s32 $0xFFFFC000  }
0x44: {  	[tilespmem:s15], [sflag:$0x1] =	stream.indirect.gather [hbm4b:s4+s14], $0x80, s10, s14, $0xb8;
	[tilespmem:$0x1D000] =	vst v63  }
0x45: {  	s11 =	rddreg [dreg:$0x6]  }
0x46: {  	[spmem:s1] =	stream.indirect.scatter.add.f32 [tilespmem:s17], [sflag:$0x3], $0x80, s11, s14, $0xb8;
	[tilespmem:$0x1D000] =	vst v63  }
0x47: {  	_ =	swait.ge [sflag:s12], $0x4000  }
0x48: {  	[sflag:s12] =	ssyncset.done $0x0  }
0x49: {  	[sflag:s12] =	ssyncadd.s32 $0xFFFFC000  }
0x4a: {  	_ =	swait.ge [sflag:s16], $0x4000  }
0x4b: {  	[sflag:s16] =	ssyncset.done $0x0  }
0x4c: {  	s10 =	rddreg [dreg:$0x7];
	[sflag:s16] =	ssyncadd.s32 $0xFFFFC000  }
0x4d: {  	[tilespmem:s17], [sflag:$0x2] =	stream.indirect.gather [hbm4b:s4+s14], $0x80, s10, s14, $0xb8;
	[tilespmem:$0x1D000] =	vst v63  }
0x4e: {  	s11 =	rddreg [dreg:$0x8]  }
0x4f: {  	[spmem:s1] =	stream.indirect.scatter.add.f32 [tilespmem:s15], [sflag:$0x3], $0x80, s11, s14, $0xb8;
	[tilespmem:$0x1D000] =	vst v63  }
0x50: {  	_ =	swait.ge [sflag:s12], $0x4000  }
0x51: {  	[sflag:s12] =	ssyncset.done $0x0  }
0x52: {  	[sflag:s12] =	ssyncadd.s32 $0xFFFFC000  }
0x53: {  	_ =	swait.ge [sflag:s18], $0x4000  }
0x54: {  	[sflag:s18] =	ssyncset.done $0x0  }
0x55: {  	s10 =	rddreg [dreg:$0x9];
	[sflag:s18] =	ssyncadd.s32 $0xFFFFC000  }
0x56: {  	[tilespmem:s15], [sflag:$0x1] =	stream.indirect.gather [hbm4b:s4+s14], $0x80, s10, s14, $0xb8;
	[tilespmem:$0x1D000] =	vst v63  }
0x57: {  	s11 =	rddreg [dreg:$0xa]  }
0x58: {  	[spmem:s1] =	stream.indirect.scatter.add.f32 [tilespmem:s17], [sflag:$0x3], $0x80, s11, s14, $0xb8;
	[tilespmem:$0x1D000] =	vst v63  }
0x59: {  	_ =	swait.ge [sflag:s12], $0x4000  }
0x5a: {  	[sflag:s12] =	ssyncset.done $0x0  }
0x5b: {  	[sflag:s12] =	ssyncadd.s32 $0xFFFFC000  }
0x5c: {  	_ =	swait.ge [sflag:s16], $0x4000  }
0x5d: {  	[sflag:s16] =	ssyncset.done $0x0  }
0x5e: {  	s10 =	rddreg [dreg:$0xb];
	[sflag:s16] =	ssyncadd.s32 $0xFFFFC000  }
0x5f: {  	[tilespmem:s17], [sflag:$0x2] =	stream.indirect.gather [hbm4b:s4+s14], $0x80, s10, s14, $0xb8;
	[tilespmem:$0x1D000] =	vst v63  }
0x60: {  	s11 =	rddreg [dreg:$0xc]  }
0x61: {  	[spmem:s1] =	stream.indirect.scatter.add.f32 [tilespmem:s15], [sflag:$0x3], $0x80, s11, s14, $0xb8;
	[tilespmem:$0x1D000] =	vst v63  }
0x62: {  	_ =	swait.ge [sflag:s12], $0x4000  }
0x63: {  	[sflag:s12] =	ssyncset.done $0x0  }
0x64: {  	[sflag:s12] =	ssyncadd.s32 $0xFFFFC000  }
0x65: {  	_ =	swait.ge [sflag:s18], $0x4000  }
0x66: {  	[sflag:s18] =	ssyncset.done $0x0  }
0x67: {  	s10 =	rddreg [dreg:$0xd];
	[sflag:s18] =	ssyncadd.s32 $0xFFFFC000  }
0x68: {  	[tilespmem:s15], [sflag:$0x1] =	stream.indirect.gather [hbm4b:s4+s14], $0x80, s10, s14, $0xb8;
	[tilespmem:$0x1D000] =	vst v63  }
0x69: {  	s11 =	rddreg [dreg:$0xe]  }
0x6a: {  	[spmem:s1] =	stream.indirect.scatter.add.f32 [tilespmem:s17], [sflag:$0x3], $0x80, s11, s14, $0xb8;
	[tilespmem:$0x1D000] =	vst v63  }
0x6b: {  	_ =	swait.ge [sflag:s12], $0x4000  }
0x6c: {  	[sflag:s12] =	ssyncset.done $0x0  }
0x6d: {  	[sflag:s12] =	ssyncadd.s32 $0xFFFFC000  }
0x6e: {  	_ =	swait.ge [sflag:s16], $0x4000  }
0x6f: {  	[sflag:s16] =	ssyncset.done $0x0  }
0x70: {  	s10 =	rddreg [dreg:$0xf];
	[sflag:s16] =	ssyncadd.s32 $0xFFFFC000  }
0x71: {  	[tilespmem:s17], [sflag:$0x2] =	stream.indirect.gather [hbm4b:s4+s14], $0x80, s10, s14, $0xb8;
	[tilespmem:$0x1D000] =	vst v63  }
0x72: {  	s11 =	rddreg [dreg:$0x10]  }
0x73: {  	[spmem:s1] =	stream.indirect.scatter.add.f32 [tilespmem:s15], [sflag:$0x3], $0x80, s11, s14, $0xb8;
	[tilespmem:$0x1D000] =	vst v63  }
0x74: {  	_ =	swait.ge [sflag:s12], $0x4000  }
0x75: {  	[sflag:s12] =	ssyncset.done $0x0  }
0x76: {  	[sflag:s12] =	ssyncadd.s32 $0xFFFFC000  }
0x77: {  	_ =	swait.ge [sflag:s18], $0x4000  }
0x78: {  	[sflag:s18] =	ssyncset.done $0x0  }
0x79: {  	s10 =	rddreg [dreg:$0x11];
	[sflag:s18] =	ssyncadd.s32 $0xFFFFC000  }
0x7a: {  	[tilespmem:s15], [sflag:$0x1] =	stream.indirect.gather [hbm4b:s4+s14], $0x80, s10, s14, $0xb8;
	[tilespmem:$0x1D000] =	vst v63  }
0x7b: {  	s11 =	rddreg [dreg:$0x12]  }
0x7c: {  	[spmem:s1] =	stream.indirect.scatter.add.f32 [tilespmem:s17], [sflag:$0x3], $0x80, s11, s14, $0xb8;
	[tilespmem:$0x1D000] =	vst v63  }
0x7d: {  	_ =	swait.ge [sflag:s12], $0x4000  }
0x7e: {  	[sflag:s12] =	ssyncset.done $0x0  }
0x7f: {  	[sflag:s12] =	ssyncadd.s32 $0xFFFFC000  }
0x80: {  	_ =	swait.ge [sflag:s16], $0x4000  }
0x81: {  	[sflag:s16] =	ssyncset.done $0x0  }
0x82: {  	s11 =	rddreg [dreg:$0x13];
	[sflag:s16] =	ssyncadd.s32 $0xFFFFC000  }
0x83: {  	[tilespmem:s17], [sflag:$0x2] =	stream.indirect.gather [hbm4b:s4+s14], $0x80, s11, s14, $0xb8;
	[tilespmem:$0x1D000] =	vst v63  }
0x84: {  	_ = 	snop  }
0x85: {  	[spmem:s1] =	stream.indirect.scatter.add.f32 [tilespmem:s15], [sflag:$0x3], $0x80, s19, s14, $0xb8;
	[tilespmem:$0x1D000] =	vst v63  }
0x86: {  	_ =	swait.ge [sflag:s12], $0x4000  }
0x87: {  	[sflag:s12] =	ssyncset.done $0x0  }
0x88: {  	[sflag:s12] =	ssyncadd.s32 $0xFFFFC000  }
0x89: {  	_ =	swait.ge [sflag:s18], $0x4000  }
0x8a: {  	[sflag:s18] =	ssyncset.done $0x0  }
0x8b: {  	[sflag:s18] =	ssyncadd.s32 $0xFFFFC000  }
0x8c: {  	[tilespmem:s15], [sflag:$0x1] =	stream.indirect.gather [hbm4b:s4+s14], $0x80, s20, s14, $0xb8;
	[tilespmem:$0x1D000] =	vst v63  }
0x8d: {  	_ = 	snop  }
0x8e: {  	[spmem:s1] =	stream.indirect.scatter.add.f32 [tilespmem:s17], [sflag:$0x3], $0x80, s21, s14, $0xb8;
	[tilespmem:$0x1D000] =	vst v63  }
0x8f: {  	_ =	swait.ge [sflag:s12], $0x4000  }
0x90: {  	[sflag:s12] =	ssyncset.done $0x0  }
0x91: {  	[sflag:s12] =	ssyncadd.s32 $0xFFFFC000  }
0x92: {  	_ =	swait.ge [sflag:s16], $0x4000  }
0x93: {  	[sflag:s16] =	ssyncset.done $0x0  }
0x94: {  	[sflag:s16] =	ssyncadd.s32 $0xFFFFC000  }
0x95: {  	[tilespmem:s17], [sflag:$0x2] =	stream.indirect.gather [hbm4b:s4+s14], $0x80, s22, s14, $0xb8;
	[tilespmem:$0x1D000] =	vst v63  }
0x96: {  	_ = 	snop  }
0x97: {  	[spmem:s1] =	stream.indirect.scatter.add.f32 [tilespmem:s15], [sflag:$0x3], $0x80, s23, s14, $0xb8;
	[tilespmem:$0x1D000] =	vst v63  }
0x98: {  	_ =	swait.ge [sflag:s12], $0x4000  }
0x99: {  	[sflag:s12] =	ssyncset.done $0x0  }
0x9a: {  	[sflag:s12] =	ssyncadd.s32 $0xFFFFC000  }
0x9b: {  	_ =	swait.ge [sflag:s18], $0x4000  }
0x9c: {  	[sflag:s18] =	ssyncset.done $0x0  }
0x9d: {  	[sflag:s18] =	ssyncadd.s32 $0xFFFFC000  }
0x9e: {  	[tilespmem:s15], [sflag:$0x1] =	stream.indirect.gather [hbm4b:s4+s14], $0x80, s24, s14, $0xb8;
	[tilespmem:$0x1D000] =	vst v63  }
0x9f: {  	_ = 	snop  }
0xa0: {  	[spmem:s1] =	stream.indirect.scatter.add.f32 [tilespmem:s17], [sflag:$0x3], $0x80, s25, s14, $0xb8;
	[tilespmem:$0x1D000] =	vst v63  }
0xa1: {  	_ =	swait.ge [sflag:s12], $0x4000  }
0xa2: {  	[sflag:s12] =	ssyncset.done $0x0  }
0xa3: {  	[sflag:s12] =	ssyncadd.s32 $0xFFFFC000  }
0xa4: {  	_ =	swait.ge [sflag:s16], $0x4000  }
0xa5: {  	[sflag:s16] =	ssyncset.done $0x0  }
0xa6: {  	[sflag:s16] =	ssyncadd.s32 $0xFFFFC000  }
0xa7: {  	[tilespmem:s17], [sflag:$0x2] =	stream.indirect.gather [hbm4b:s4+s14], $0x80, s26, s14, $0xb8;
	[tilespmem:$0x1D000] =	vst v63  }
0xa8: {  	_ = 	snop  }
0xa9: {  	[spmem:s1] =	stream.indirect.scatter.add.f32 [tilespmem:s15], [sflag:$0x3], $0x80, s28, s14, $0xb8;
	[tilespmem:$0x1D000] =	vst v63  }
0xaa: {  	_ =	swait.ge [sflag:s12], $0x4000  }
0xab: {  	[sflag:s12] =	ssyncset.done $0x0  }
0xac: {  	[sflag:s12] =	ssyncadd.s32 $0xFFFFC000  }
0xad: {  	_ =	swait.ge [sflag:s18], $0x4000  }
0xae: {  	[sflag:s18] =	ssyncset.done $0x0  }
0xaf: {  	[sflag:s18] =	ssyncadd.s32 $0xFFFFC000  }
0xb0: {  	[tilespmem:s15], [sflag:$0x1] =	stream.indirect.gather [hbm4b:s4+s14], $0x80, s29, s14, $0xb8;
	[tilespmem:$0x1D000] =	vst v63  }
0xb1: {  	_ = 	snop  }
0xb2: {  	[spmem:s1] =	stream.indirect.scatter.add.f32 [tilespmem:s17], [sflag:$0x3], $0x80, s30, s14, $0xb8;
	[tilespmem:$0x1D000] =	vst v63  }
0xb3: {  	_ =	swait.ge [sflag:s12], $0x4000  }
0xb4: {  	[sflag:s12] =	ssyncset.done $0x0  }
0xb5: {  	[sflag:s12] =	ssyncadd.s32 $0xFFFFC000  }
0xb6: {  	_ =	swait.ge [sflag:s16], $0x4000  }
0xb7: {  	[sflag:s16] =	ssyncset.done $0x0  }
0xb8: {  	[sflag:s16] =	ssyncadd.s32 $0xFFFFC000  }
0xb9: {  	[tilespmem:s17], [sflag:$0x2] =	stream.indirect.gather [hbm4b:s4+s14], $0x80, s31, s14, $0xb8;
	[tilespmem:$0x1D000] =	vst v63  }
0xba: {  	_ = 	snop  }
0xbb: {  	[spmem:s1] =	stream.indirect.scatter.add.f32 [tilespmem:s15], [sflag:$0x3], $0x80, s0, s14, $0xb8;
	[tilespmem:$0x1D000] =	vst v63  }
0xbc: {  	_ =	swait.ge [sflag:s12], $0x4000  }
0xbd: {  	[sflag:s12] =	ssyncset.done $0x0  }
0xbe: {  	[sflag:s12] =	ssyncadd.s32 $0xFFFFC000  }
0xbf: {  	p1 =	sne.s32 s9, $0x1;
	_ =	swait.ge [sflag:s18], $0x4000  }
.Ltmp1:
0xc0: {  	[sflag:s18] =	ssyncset.done $0x0;
	(pc) =	sbr.rel @!p1 .LBB2_4-.Ltmp1, $4  }
0xc1: {  	[sflag:s18] =	ssyncadd.s32 $0xFFFFC000  }
0xc2: {  	[spmem:s1] =	stream.indirect.scatter.add.f32 [tilespmem:s17], [sflag:$0x3], $0x80, s2, s14, $0xb8;
	[tilespmem:$0x1D000] =	vst v63  }
0xc3: {  	s9 =	sadd.s32 $0xFFFFFFFF, s9;
	p0 =	por $0x1, $0x1;
	_ =	swait.ge [sflag:s12], $0x4000  }
0xc4: {  	s10 =	smov.u32 s8;
	s6 =	rddreg [dreg:$0x3];
	[sflag:s12] =	ssyncset.done $0x0  }
.LBB2_5:
0xc5: {  	s10 =	sadd.s32 $0x800, s10  }
0xc6: {  	s11 =	sshrl.u32 s10, $0x3  }
0xc7: {  	[sflag:s12] =	ssyncadd.s32 $0xFFFFC000;
	s6 =	sadd.s32 s6, s11  }
0xc8: {  	[tilespmem:s3], [sflag:$0x3] =	stream.linear.gather [hbm4b:s6+s3], $0x800, $0x38;
	[tilespmem:$0x1D000] =	vst v63  }
0xc9: {  	_ =	swait.ge [sflag:s12], $0x800  }
0xca: {  	s6 =	rddreg [dreg:$0x4];
	[sflag:s12] =	ssyncset.done $0x0  }
0xcb: {  	[sflag:s12] =	ssyncadd.s32 $0xFFFFF800;
	s6 =	sadd.s32 s6, s11  }
0xcc: {  	[tilespmem:s13], [sflag:$0x3] =	stream.linear.gather [hbm4b:s6+s3], $0x800, $0x38;
	[tilespmem:$0x1D000] =	vst v63  }
0xcd: {  	_ =	swait.ge [sflag:s12], $0x800  }
0xce: {  	[sflag:s12] =	ssyncset.done $0x0  }
0xcf: {  	[sflag:s12] =	ssyncadd.s32 $0xFFFFF800  }
0xd0: {  	[tilespmem:s15], [sflag:$0x1] =	stream.indirect.gather [hbm4b:s4+s14], $0x80, s3, s14, $0xb8;
	[tilespmem:$0x1D000] =	vst v63  }
0xd1: {  	_ =	swait.ge [sflag:s16], $0x4000  }
0xd2: {  	[sflag:s16] =	ssyncset.done $0x0  }
0xd3: {  	[sflag:s16] =	ssyncadd.s32 $0xFFFFC000  }
0xd4: {  	[tilespmem:s17], [sflag:$0x2] =	stream.indirect.gather [hbm4b:s4+s14], $0x80, s14, s14, $0xb8;
	[tilespmem:$0x1D000] =	vst v63  }
0xd5: {  	_ = 	snop  }
0xd6: {  	[spmem:s1] =	stream.indirect.scatter.add.f32 [tilespmem:s15], [sflag:$0x3], $0x80, s13, s14, $0xb8;
	[tilespmem:$0x1D000] =	vst v63  }
0xd7: {  	_ =	swait.ge [sflag:s12], $0x4000  }
0xd8: {  	[sflag:s12] =	ssyncset.done $0x0  }
0xd9: {  	[sflag:s12] =	ssyncadd.s32 $0xFFFFC000  }
0xda: {  	_ =	swait.ge [sflag:s18], $0x4000  }
0xdb: {  	[sflag:s18] =	ssyncset.done $0x0  }
0xdc: {  	s6 =	rddreg [dreg:$0x5];
	[sflag:s18] =	ssyncadd.s32 $0xFFFFC000  }
0xdd: {  	[tilespmem:s15], [sflag:$0x1] =	stream.indirect.gather [hbm4b:s4+s14], $0x80, s6, s14, $0xb8;
	[tilespmem:$0x1D000] =	vst v63  }
0xde: {  	s11 =	rddreg [dreg:$0x6]  }
0xdf: {  	[spmem:s1] =	stream.indirect.scatter.add.f32 [tilespmem:s17], [sflag:$0x3], $0x80, s11, s14, $0xb8;
	[tilespmem:$0x1D000] =	vst v63  }
0xe0: {  	_ =	swait.ge [sflag:s12], $0x4000  }
0xe1: {  	[sflag:s12] =	ssyncset.done $0x0  }
0xe2: {  	[sflag:s12] =	ssyncadd.s32 $0xFFFFC000  }
0xe3: {  	_ =	swait.ge [sflag:s16], $0x4000  }
0xe4: {  	[sflag:s16] =	ssyncset.done $0x0  }
0xe5: {  	s6 =	rddreg [dreg:$0x7];
	[sflag:s16] =	ssyncadd.s32 $0xFFFFC000  }
0xe6: {  	[tilespmem:s17], [sflag:$0x2] =	stream.indirect.gather [hbm4b:s4+s14], $0x80, s6, s14, $0xb8;
	[tilespmem:$0x1D000] =	vst v63  }
0xe7: {  	s11 =	rddreg [dreg:$0x8]  }
0xe8: {  	[spmem:s1] =	stream.indirect.scatter.add.f32 [tilespmem:s15], [sflag:$0x3], $0x80, s11, s14, $0xb8;
	[tilespmem:$0x1D000] =	vst v63  }
0xe9: {  	_ =	swait.ge [sflag:s12], $0x4000  }
0xea: {  	[sflag:s12] =	ssyncset.done $0x0  }
0xeb: {  	[sflag:s12] =	ssyncadd.s32 $0xFFFFC000  }
0xec: {  	_ =	swait.ge [sflag:s18], $0x4000  }
0xed: {  	[sflag:s18] =	ssyncset.done $0x0  }
0xee: {  	s6 =	rddreg [dreg:$0x9];
	[sflag:s18] =	ssyncadd.s32 $0xFFFFC000  }
0xef: {  	[tilespmem:s15], [sflag:$0x1] =	stream.indirect.gather [hbm4b:s4+s14], $0x80, s6, s14, $0xb8;
	[tilespmem:$0x1D000] =	vst v63  }
0xf0: {  	s11 =	rddreg [dreg:$0xa]  }
0xf1: {  	[spmem:s1] =	stream.indirect.scatter.add.f32 [tilespmem:s17], [sflag:$0x3], $0x80, s11, s14, $0xb8;
	[tilespmem:$0x1D000] =	vst v63  }
0xf2: {  	_ =	swait.ge [sflag:s12], $0x4000  }
0xf3: {  	[sflag:s12] =	ssyncset.done $0x0  }
0xf4: {  	[sflag:s12] =	ssyncadd.s32 $0xFFFFC000  }
0xf5: {  	_ =	swait.ge [sflag:s16], $0x4000  }
0xf6: {  	[sflag:s16] =	ssyncset.done $0x0  }
0xf7: {  	s6 =	rddreg [dreg:$0xb];
	[sflag:s16] =	ssyncadd.s32 $0xFFFFC000  }
0xf8: {  	[tilespmem:s17], [sflag:$0x2] =	stream.indirect.gather [hbm4b:s4+s14], $0x80, s6, s14, $0xb8;
	[tilespmem:$0x1D000] =	vst v63  }
0xf9: {  	s11 =	rddreg [dreg:$0xc]  }
0xfa: {  	[spmem:s1] =	stream.indirect.scatter.add.f32 [tilespmem:s15], [sflag:$0x3], $0x80, s11, s14, $0xb8;
	[tilespmem:$0x1D000] =	vst v63  }
0xfb: {  	_ =	swait.ge [sflag:s12], $0x4000  }
0xfc: {  	[sflag:s12] =	ssyncset.done $0x0  }
0xfd: {  	[sflag:s12] =	ssyncadd.s32 $0xFFFFC000  }
0xfe: {  	_ =	swait.ge [sflag:s18], $0x4000  }
0xff: {  	[sflag:s18] =	ssyncset.done $0x0  }
0x100: {  	s6 =	rddreg [dreg:$0xd];
	[sflag:s18] =	ssyncadd.s32 $0xFFFFC000  }
0x101: {  	[tilespmem:s15], [sflag:$0x1] =	stream.indirect.gather [hbm4b:s4+s14], $0x80, s6, s14, $0xb8;
	[tilespmem:$0x1D000] =	vst v63  }
0x102: {  	s11 =	rddreg [dreg:$0xe]  }
0x103: {  	[spmem:s1] =	stream.indirect.scatter.add.f32 [tilespmem:s17], [sflag:$0x3], $0x80, s11, s14, $0xb8;
	[tilespmem:$0x1D000] =	vst v63  }
0x104: {  	_ =	swait.ge [sflag:s12], $0x4000  }
0x105: {  	[sflag:s12] =	ssyncset.done $0x0  }
0x106: {  	[sflag:s12] =	ssyncadd.s32 $0xFFFFC000  }
0x107: {  	_ =	swait.ge [sflag:s16], $0x4000  }
0x108: {  	[sflag:s16] =	ssyncset.done $0x0  }
0x109: {  	s6 =	rddreg [dreg:$0xf];
	[sflag:s16] =	ssyncadd.s32 $0xFFFFC000  }
0x10a: {  	[tilespmem:s17], [sflag:$0x2] =	stream.indirect.gather [hbm4b:s4+s14], $0x80, s6, s14, $0xb8;
	[tilespmem:$0x1D000] =	vst v63  }
0x10b: {  	s11 =	rddreg [dreg:$0x10]  }
0x10c: {  	[spmem:s1] =	stream.indirect.scatter.add.f32 [tilespmem:s15], [sflag:$0x3], $0x80, s11, s14, $0xb8;
	[tilespmem:$0x1D000] =	vst v63  }
0x10d: {  	_ =	swait.ge [sflag:s12], $0x4000  }
0x10e: {  	[sflag:s12] =	ssyncset.done $0x0  }
0x10f: {  	[sflag:s12] =	ssyncadd.s32 $0xFFFFC000  }
0x110: {  	_ =	swait.ge [sflag:s18], $0x4000  }
0x111: {  	[sflag:s18] =	ssyncset.done $0x0  }
0x112: {  	s6 =	rddreg [dreg:$0x11];
	[sflag:s18] =	ssyncadd.s32 $0xFFFFC000  }
0x113: {  	[tilespmem:s15], [sflag:$0x1] =	stream.indirect.gather [hbm4b:s4+s14], $0x80, s6, s14, $0xb8;
	[tilespmem:$0x1D000] =	vst v63  }
0x114: {  	s11 =	rddreg [dreg:$0x12]  }
0x115: {  	[spmem:s1] =	stream.indirect.scatter.add.f32 [tilespmem:s17], [sflag:$0x3], $0x80, s11, s14, $0xb8;
	[tilespmem:$0x1D000] =	vst v63  }
0x116: {  	_ =	swait.ge [sflag:s12], $0x4000  }
0x117: {  	[sflag:s12] =	ssyncset.done $0x0  }
0x118: {  	[sflag:s12] =	ssyncadd.s32 $0xFFFFC000  }
0x119: {  	_ =	swait.ge [sflag:s16], $0x4000  }
0x11a: {  	[sflag:s16] =	ssyncset.done $0x0  }
0x11b: {  	s11 =	rddreg [dreg:$0x13];
	[sflag:s16] =	ssyncadd.s32 $0xFFFFC000  }
0x11c: {  	[tilespmem:s17], [sflag:$0x2] =	stream.indirect.gather [hbm4b:s4+s14], $0x80, s11, s14, $0xb8;
	[tilespmem:$0x1D000] =	vst v63  }
0x11d: {  	_ = 	snop  }
0x11e: {  	[spmem:s1] =	stream.indirect.scatter.add.f32 [tilespmem:s15], [sflag:$0x3], $0x80, s19, s14, $0xb8;
	[tilespmem:$0x1D000] =	vst v63  }
0x11f: {  	_ =	swait.ge [sflag:s12], $0x4000  }
0x120: {  	[sflag:s12] =	ssyncset.done $0x0  }
0x121: {  	[sflag:s12] =	ssyncadd.s32 $0xFFFFC000  }
0x122: {  	_ =	swait.ge [sflag:s18], $0x4000  }
0x123: {  	[sflag:s18] =	ssyncset.done $0x0  }
0x124: {  	[sflag:s18] =	ssyncadd.s32 $0xFFFFC000  }
0x125: {  	[tilespmem:s15], [sflag:$0x1] =	stream.indirect.gather [hbm4b:s4+s14], $0x80, s20, s14, $0xb8;
	[tilespmem:$0x1D000] =	vst v63  }
0x126: {  	_ = 	snop  }
0x127: {  	[spmem:s1] =	stream.indirect.scatter.add.f32 [tilespmem:s17], [sflag:$0x3], $0x80, s21, s14, $0xb8;
	[tilespmem:$0x1D000] =	vst v63  }
0x128: {  	_ =	swait.ge [sflag:s12], $0x4000  }
0x129: {  	[sflag:s12] =	ssyncset.done $0x0  }
0x12a: {  	[sflag:s12] =	ssyncadd.s32 $0xFFFFC000  }
0x12b: {  	_ =	swait.ge [sflag:s16], $0x4000  }
0x12c: {  	[sflag:s16] =	ssyncset.done $0x0  }
0x12d: {  	[sflag:s16] =	ssyncadd.s32 $0xFFFFC000  }
0x12e: {  	[tilespmem:s17], [sflag:$0x2] =	stream.indirect.gather [hbm4b:s4+s14], $0x80, s22, s14, $0xb8;
	[tilespmem:$0x1D000] =	vst v63  }
0x12f: {  	_ = 	snop  }
0x130: {  	[spmem:s1] =	stream.indirect.scatter.add.f32 [tilespmem:s15], [sflag:$0x3], $0x80, s23, s14, $0xb8;
	[tilespmem:$0x1D000] =	vst v63  }
0x131: {  	_ =	swait.ge [sflag:s12], $0x4000  }
0x132: {  	[sflag:s12] =	ssyncset.done $0x0  }
0x133: {  	[sflag:s12] =	ssyncadd.s32 $0xFFFFC000  }
0x134: {  	_ =	swait.ge [sflag:s18], $0x4000  }
0x135: {  	[sflag:s18] =	ssyncset.done $0x0  }
0x136: {  	[sflag:s18] =	ssyncadd.s32 $0xFFFFC000  }
0x137: {  	[tilespmem:s15], [sflag:$0x1] =	stream.indirect.gather [hbm4b:s4+s14], $0x80, s24, s14, $0xb8;
	[tilespmem:$0x1D000] =	vst v63  }
0x138: {  	_ = 	snop  }
0x139: {  	[spmem:s1] =	stream.indirect.scatter.add.f32 [tilespmem:s17], [sflag:$0x3], $0x80, s25, s14, $0xb8;
	[tilespmem:$0x1D000] =	vst v63  }
0x13a: {  	_ =	swait.ge [sflag:s12], $0x4000  }
0x13b: {  	[sflag:s12] =	ssyncset.done $0x0  }
0x13c: {  	[sflag:s12] =	ssyncadd.s32 $0xFFFFC000  }
0x13d: {  	_ =	swait.ge [sflag:s16], $0x4000  }
0x13e: {  	[sflag:s16] =	ssyncset.done $0x0  }
0x13f: {  	[sflag:s16] =	ssyncadd.s32 $0xFFFFC000  }
0x140: {  	[tilespmem:s17], [sflag:$0x2] =	stream.indirect.gather [hbm4b:s4+s14], $0x80, s26, s14, $0xb8;
	[tilespmem:$0x1D000] =	vst v63  }
0x141: {  	_ = 	snop  }
0x142: {  	[spmem:s1] =	stream.indirect.scatter.add.f32 [tilespmem:s15], [sflag:$0x3], $0x80, s28, s14, $0xb8;
	[tilespmem:$0x1D000] =	vst v63  }
0x143: {  	_ =	swait.ge [sflag:s12], $0x4000  }
0x144: {  	[sflag:s12] =	ssyncset.done $0x0  }
0x145: {  	[sflag:s12] =	ssyncadd.s32 $0xFFFFC000  }
0x146: {  	_ =	swait.ge [sflag:s18], $0x4000  }
0x147: {  	[sflag:s18] =	ssyncset.done $0x0  }
0x148: {  	[sflag:s18] =	ssyncadd.s32 $0xFFFFC000  }
0x149: {  	[tilespmem:s15], [sflag:$0x1] =	stream.indirect.gather [hbm4b:s4+s14], $0x80, s29, s14, $0xb8;
	[tilespmem:$0x1D000] =	vst v63  }
0x14a: {  	_ = 	snop  }
0x14b: {  	[spmem:s1] =	stream.indirect.scatter.add.f32 [tilespmem:s17], [sflag:$0x3], $0x80, s30, s14, $0xb8;
	[tilespmem:$0x1D000] =	vst v63  }
0x14c: {  	_ =	swait.ge [sflag:s12], $0x4000  }
0x14d: {  	[sflag:s12] =	ssyncset.done $0x0  }
0x14e: {  	[sflag:s12] =	ssyncadd.s32 $0xFFFFC000  }
0x14f: {  	_ =	swait.ge [sflag:s16], $0x4000  }
0x150: {  	[sflag:s16] =	ssyncset.done $0x0  }
0x151: {  	[sflag:s16] =	ssyncadd.s32 $0xFFFFC000  }
0x152: {  	[tilespmem:s17], [sflag:$0x2] =	stream.indirect.gather [hbm4b:s4+s14], $0x80, s31, s14, $0xb8;
	[tilespmem:$0x1D000] =	vst v63  }
0x153: {  	_ = 	snop  }
0x154: {  	[spmem:s1] =	stream.indirect.scatter.add.f32 [tilespmem:s15], [sflag:$0x3], $0x80, s0, s14, $0xb8;
	[tilespmem:$0x1D000] =	vst v63  }
0x155: {  	_ =	swait.ge [sflag:s12], $0x4000  }
0x156: {  	[sflag:s12] =	ssyncset.done $0x0  }
0x157: {  	[sflag:s12] =	ssyncadd.s32 $0xFFFFC000  }
0x158: {  	p1 =	sne.s32 s9, $0x1;
	_ =	swait.ge [sflag:s18], $0x4000  }
.Ltmp2:
0x159: {  	[sflag:s18] =	ssyncset.done $0x0;
	(pc) =	sbr.rel @p1 .LBB2_5-.Ltmp2, $4  }
0x15a: {  	[sflag:s18] =	ssyncadd.s32 $0xFFFFC000  }
0x15b: {  	[spmem:s1] =	stream.indirect.scatter.add.f32 [tilespmem:s17], [sflag:$0x3], $0x80, s2, s14, $0xb8;
	[tilespmem:$0x1D000] =	vst v63  }
0x15c: {  	_ =	swait.ge [sflag:s12], $0x4000  }
0x15d: {  	s9 =	sadd.s32 $0xFFFFFFFF, s9;
	s6 =	rddreg [dreg:$0x3];
	[sflag:s12] =	ssyncset.done $0x0  }
0x15e: {  	s11 =	rddreg [dreg:$0x18]  }
.LBB2_7:
0x15f: {  	s9 =	sadd.s32 @p0 $0x800, s10;
	s10 =	smov.u32 s8  }
0x160: {  	s10 =	smov.u32 @p0 s9  }
0x161: {  	s9 =	sshrl.u32 s10, $0x3  }
0x162: {  	[sflag:s12] =	ssyncadd.s32 @p0 $0xFFFFC000;
	s6 =	sadd.s32 s6, s9  }
0x163: {  	[tilespmem:s3], [sflag:$0x3] =	stream.linear.gather [hbm4b:s6+s3], $0x800, $0x38;
	[tilespmem:$0x1D000] =	vst v63  }
0x164: {  	_ =	swait.ge [sflag:s12], $0x800  }
0x165: {  	s10 =	rddreg [dreg:$0x4];
	[sflag:s12] =	ssyncset.done $0x0  }
0x166: {  	[sflag:s12] =	ssyncadd.s32 $0xFFFFF800;
	s6 =	sadd.s32 s10, s9  }
0x167: {  	[tilespmem:s13], [sflag:$0x3] =	stream.linear.gather [hbm4b:s6+s3], $0x800, $0x38;
	[tilespmem:$0x1D000] =	vst v63  }
0x168: {  	_ =	swait.ge [sflag:s12], $0x800  }
0x169: {  	[sflag:s12] =	ssyncset.done $0x0  }
0x16a: {  	[sflag:s12] =	ssyncadd.s32 $0xFFFFF800  }
0x16b: {  	[tilespmem:s15], [sflag:$0x1] =	stream.indirect.gather [hbm4b:s4+s14], $0x80, s3, s14, $0xb8;
	[tilespmem:$0x1D000] =	vst v63  }
0x16c: {  	_ =	swait.ge [sflag:s16], $0x4000  }
0x16d: {  	[sflag:s16] =	ssyncset.done $0x0  }
0x16e: {  	[sflag:s16] =	ssyncadd.s32 $0xFFFFC000  }
0x16f: {  	[tilespmem:s17], [sflag:$0x2] =	stream.indirect.gather [hbm4b:s4+s14], $0x80, s14, s14, $0xb8;
	[tilespmem:$0x1D000] =	vst v63  }
0x170: {  	_ = 	snop  }
0x171: {  	[spmem:s1] =	stream.indirect.scatter.add.f32 [tilespmem:s15], [sflag:$0x3], $0x80, s13, s14, $0xb8;
	[tilespmem:$0x1D000] =	vst v63  }
0x172: {  	_ =	swait.ge [sflag:s12], $0x4000  }
0x173: {  	[sflag:s12] =	ssyncset.done $0x0  }
0x174: {  	[sflag:s12] =	ssyncadd.s32 $0xFFFFC000  }
0x175: {  	_ =	swait.ge [sflag:s18], $0x4000  }
0x176: {  	[sflag:s18] =	ssyncset.done $0x0  }
0x177: {  	s9 =	rddreg [dreg:$0x5];
	[sflag:s18] =	ssyncadd.s32 $0xFFFFC000  }
0x178: {  	[tilespmem:s15], [sflag:$0x1] =	stream.indirect.gather [hbm4b:s4+s14], $0x80, s9, s14, $0xb8;
	[tilespmem:$0x1D000] =	vst v63  }
0x179: {  	s10 =	rddreg [dreg:$0x6]  }
0x17a: {  	[spmem:s1] =	stream.indirect.scatter.add.f32 [tilespmem:s17], [sflag:$0x3], $0x80, s10, s14, $0xb8;
	[tilespmem:$0x1D000] =	vst v63  }
0x17b: {  	_ =	swait.ge [sflag:s12], $0x4000  }
0x17c: {  	[sflag:s12] =	ssyncset.done $0x0  }
0x17d: {  	[sflag:s12] =	ssyncadd.s32 $0xFFFFC000  }
0x17e: {  	_ =	swait.ge [sflag:s16], $0x4000  }
0x17f: {  	[sflag:s16] =	ssyncset.done $0x0  }
0x180: {  	s9 =	rddreg [dreg:$0x7];
	[sflag:s16] =	ssyncadd.s32 $0xFFFFC000  }
0x181: {  	[tilespmem:s17], [sflag:$0x2] =	stream.indirect.gather [hbm4b:s4+s14], $0x80, s9, s14, $0xb8;
	[tilespmem:$0x1D000] =	vst v63  }
0x182: {  	s10 =	rddreg [dreg:$0x8]  }
0x183: {  	[spmem:s1] =	stream.indirect.scatter.add.f32 [tilespmem:s15], [sflag:$0x3], $0x80, s10, s14, $0xb8;
	[tilespmem:$0x1D000] =	vst v63  }
0x184: {  	_ =	swait.ge [sflag:s12], $0x4000  }
0x185: {  	[sflag:s12] =	ssyncset.done $0x0  }
0x186: {  	[sflag:s12] =	ssyncadd.s32 $0xFFFFC000  }
0x187: {  	_ =	swait.ge [sflag:s18], $0x4000  }
0x188: {  	[sflag:s18] =	ssyncset.done $0x0  }
0x189: {  	s9 =	rddreg [dreg:$0x9];
	[sflag:s18] =	ssyncadd.s32 $0xFFFFC000  }
0x18a: {  	[tilespmem:s15], [sflag:$0x1] =	stream.indirect.gather [hbm4b:s4+s14], $0x80, s9, s14, $0xb8;
	[tilespmem:$0x1D000] =	vst v63  }
0x18b: {  	s10 =	rddreg [dreg:$0xa]  }
0x18c: {  	[spmem:s1] =	stream.indirect.scatter.add.f32 [tilespmem:s17], [sflag:$0x3], $0x80, s10, s14, $0xb8;
	[tilespmem:$0x1D000] =	vst v63  }
0x18d: {  	_ =	swait.ge [sflag:s12], $0x4000  }
0x18e: {  	[sflag:s12] =	ssyncset.done $0x0  }
0x18f: {  	[sflag:s12] =	ssyncadd.s32 $0xFFFFC000  }
0x190: {  	_ =	swait.ge [sflag:s16], $0x4000  }
0x191: {  	[sflag:s16] =	ssyncset.done $0x0  }
0x192: {  	s9 =	rddreg [dreg:$0xb];
	[sflag:s16] =	ssyncadd.s32 $0xFFFFC000  }
0x193: {  	[tilespmem:s17], [sflag:$0x2] =	stream.indirect.gather [hbm4b:s4+s14], $0x80, s9, s14, $0xb8;
	[tilespmem:$0x1D000] =	vst v63  }
0x194: {  	s10 =	rddreg [dreg:$0xc]  }
0x195: {  	[spmem:s1] =	stream.indirect.scatter.add.f32 [tilespmem:s15], [sflag:$0x3], $0x80, s10, s14, $0xb8;
	[tilespmem:$0x1D000] =	vst v63  }
0x196: {  	_ =	swait.ge [sflag:s12], $0x4000  }
0x197: {  	[sflag:s12] =	ssyncset.done $0x0  }
0x198: {  	[sflag:s12] =	ssyncadd.s32 $0xFFFFC000  }
0x199: {  	_ =	swait.ge [sflag:s18], $0x4000  }
0x19a: {  	[sflag:s18] =	ssyncset.done $0x0  }
0x19b: {  	s9 =	rddreg [dreg:$0xd];
	[sflag:s18] =	ssyncadd.s32 $0xFFFFC000  }
0x19c: {  	[tilespmem:s15], [sflag:$0x1] =	stream.indirect.gather [hbm4b:s4+s14], $0x80, s9, s14, $0xb8;
	[tilespmem:$0x1D000] =	vst v63  }
0x19d: {  	s10 =	rddreg [dreg:$0xe]  }
0x19e: {  	[spmem:s1] =	stream.indirect.scatter.add.f32 [tilespmem:s17], [sflag:$0x3], $0x80, s10, s14, $0xb8;
	[tilespmem:$0x1D000] =	vst v63  }
0x19f: {  	_ =	swait.ge [sflag:s12], $0x4000  }
0x1a0: {  	[sflag:s12] =	ssyncset.done $0x0  }
0x1a1: {  	[sflag:s12] =	ssyncadd.s32 $0xFFFFC000  }
0x1a2: {  	_ =	swait.ge [sflag:s16], $0x4000  }
0x1a3: {  	[sflag:s16] =	ssyncset.done $0x0  }
0x1a4: {  	s9 =	rddreg [dreg:$0xf];
	[sflag:s16] =	ssyncadd.s32 $0xFFFFC000  }
0x1a5: {  	[tilespmem:s17], [sflag:$0x2] =	stream.indirect.gather [hbm4b:s4+s14], $0x80, s9, s14, $0xb8;
	[tilespmem:$0x1D000] =	vst v63  }
0x1a6: {  	s10 =	rddreg [dreg:$0x10]  }
0x1a7: {  	[spmem:s1] =	stream.indirect.scatter.add.f32 [tilespmem:s15], [sflag:$0x3], $0x80, s10, s14, $0xb8;
	[tilespmem:$0x1D000] =	vst v63  }
0x1a8: {  	_ =	swait.ge [sflag:s12], $0x4000  }
0x1a9: {  	[sflag:s12] =	ssyncset.done $0x0  }
0x1aa: {  	[sflag:s12] =	ssyncadd.s32 $0xFFFFC000  }
0x1ab: {  	_ =	swait.ge [sflag:s18], $0x4000  }
0x1ac: {  	[sflag:s18] =	ssyncset.done $0x0  }
0x1ad: {  	s9 =	rddreg [dreg:$0x11];
	[sflag:s18] =	ssyncadd.s32 $0xFFFFC000  }
0x1ae: {  	[tilespmem:s15], [sflag:$0x1] =	stream.indirect.gather [hbm4b:s4+s14], $0x80, s9, s14, $0xb8;
	[tilespmem:$0x1D000] =	vst v63  }
0x1af: {  	s10 =	rddreg [dreg:$0x12]  }
0x1b0: {  	[spmem:s1] =	stream.indirect.scatter.add.f32 [tilespmem:s17], [sflag:$0x3], $0x80, s10, s14, $0xb8;
	[tilespmem:$0x1D000] =	vst v63  }
0x1b1: {  	_ =	swait.ge [sflag:s12], $0x4000  }
0x1b2: {  	[sflag:s12] =	ssyncset.done $0x0  }
0x1b3: {  	[sflag:s12] =	ssyncadd.s32 $0xFFFFC000  }
0x1b4: {  	_ =	swait.ge [sflag:s16], $0x4000  }
0x1b5: {  	[sflag:s16] =	ssyncset.done $0x0  }
0x1b6: {  	s10 =	rddreg [dreg:$0x13];
	[sflag:s16] =	ssyncadd.s32 $0xFFFFC000  }
0x1b7: {  	[tilespmem:s17], [sflag:$0x2] =	stream.indirect.gather [hbm4b:s4+s14], $0x80, s10, s14, $0xb8;
	[tilespmem:$0x1D000] =	vst v63  }
0x1b8: {  	_ = 	snop  }
0x1b9: {  	[spmem:s1] =	stream.indirect.scatter.add.f32 [tilespmem:s15], [sflag:$0x3], $0x80, s19, s14, $0xb8;
	[tilespmem:$0x1D000] =	vst v63  }
0x1ba: {  	_ =	swait.ge [sflag:s12], $0x4000  }
0x1bb: {  	[sflag:s12] =	ssyncset.done $0x0  }
0x1bc: {  	[sflag:s12] =	ssyncadd.s32 $0xFFFFC000  }
0x1bd: {  	_ =	swait.ge [sflag:s18], $0x4000  }
0x1be: {  	[sflag:s18] =	ssyncset.done $0x0  }
0x1bf: {  	[sflag:s18] =	ssyncadd.s32 $0xFFFFC000  }
0x1c0: {  	[tilespmem:s15], [sflag:$0x1] =	stream.indirect.gather [hbm4b:s4+s14], $0x80, s20, s14, $0xb8;
	[tilespmem:$0x1D000] =	vst v63  }
0x1c1: {  	_ = 	snop  }
0x1c2: {  	[spmem:s1] =	stream.indirect.scatter.add.f32 [tilespmem:s17], [sflag:$0x3], $0x80, s21, s14, $0xb8;
	[tilespmem:$0x1D000] =	vst v63  }
0x1c3: {  	_ =	swait.ge [sflag:s12], $0x4000  }
0x1c4: {  	[sflag:s12] =	ssyncset.done $0x0  }
0x1c5: {  	[sflag:s12] =	ssyncadd.s32 $0xFFFFC000  }
0x1c6: {  	_ =	swait.ge [sflag:s16], $0x4000  }
0x1c7: {  	[sflag:s16] =	ssyncset.done $0x0  }
0x1c8: {  	[sflag:s16] =	ssyncadd.s32 $0xFFFFC000  }
0x1c9: {  	[tilespmem:s17], [sflag:$0x2] =	stream.indirect.gather [hbm4b:s4+s14], $0x80, s22, s14, $0xb8;
	[tilespmem:$0x1D000] =	vst v63  }
0x1ca: {  	_ = 	snop  }
0x1cb: {  	[spmem:s1] =	stream.indirect.scatter.add.f32 [tilespmem:s15], [sflag:$0x3], $0x80, s23, s14, $0xb8;
	[tilespmem:$0x1D000] =	vst v63  }
0x1cc: {  	_ =	swait.ge [sflag:s12], $0x4000  }
0x1cd: {  	[sflag:s12] =	ssyncset.done $0x0  }
0x1ce: {  	[sflag:s12] =	ssyncadd.s32 $0xFFFFC000  }
0x1cf: {  	_ =	swait.ge [sflag:s18], $0x4000  }
0x1d0: {  	[sflag:s18] =	ssyncset.done $0x0  }
0x1d1: {  	[sflag:s18] =	ssyncadd.s32 $0xFFFFC000  }
0x1d2: {  	[tilespmem:s15], [sflag:$0x1] =	stream.indirect.gather [hbm4b:s4+s14], $0x80, s24, s14, $0xb8;
	[tilespmem:$0x1D000] =	vst v63  }
0x1d3: {  	_ = 	snop  }
0x1d4: {  	[spmem:s1] =	stream.indirect.scatter.add.f32 [tilespmem:s17], [sflag:$0x3], $0x80, s25, s14, $0xb8;
	[tilespmem:$0x1D000] =	vst v63  }
0x1d5: {  	_ =	swait.ge [sflag:s12], $0x4000  }
0x1d6: {  	[sflag:s12] =	ssyncset.done $0x0  }
0x1d7: {  	[sflag:s12] =	ssyncadd.s32 $0xFFFFC000  }
0x1d8: {  	_ =	swait.ge [sflag:s16], $0x4000  }
0x1d9: {  	[sflag:s16] =	ssyncset.done $0x0  }
0x1da: {  	[sflag:s16] =	ssyncadd.s32 $0xFFFFC000  }
0x1db: {  	[tilespmem:s17], [sflag:$0x2] =	stream.indirect.gather [hbm4b:s4+s14], $0x80, s26, s14, $0xb8;
	[tilespmem:$0x1D000] =	vst v63  }
0x1dc: {  	_ = 	snop  }
0x1dd: {  	[spmem:s1] =	stream.indirect.scatter.add.f32 [tilespmem:s15], [sflag:$0x3], $0x80, s28, s14, $0xb8;
	[tilespmem:$0x1D000] =	vst v63  }
0x1de: {  	_ =	swait.ge [sflag:s12], $0x4000  }
0x1df: {  	[sflag:s12] =	ssyncset.done $0x0  }
0x1e0: {  	[sflag:s12] =	ssyncadd.s32 $0xFFFFC000  }
0x1e1: {  	_ =	swait.ge [sflag:s18], $0x4000  }
0x1e2: {  	[sflag:s18] =	ssyncset.done $0x0  }
0x1e3: {  	[sflag:s18] =	ssyncadd.s32 $0xFFFFC000  }
0x1e4: {  	[tilespmem:s15], [sflag:$0x1] =	stream.indirect.gather [hbm4b:s4+s14], $0x80, s29, s14, $0xb8;
	[tilespmem:$0x1D000] =	vst v63  }
0x1e5: {  	_ = 	snop  }
0x1e6: {  	[spmem:s1] =	stream.indirect.scatter.add.f32 [tilespmem:s17], [sflag:$0x3], $0x80, s30, s14, $0xb8;
	[tilespmem:$0x1D000] =	vst v63  }
0x1e7: {  	_ =	swait.ge [sflag:s12], $0x4000  }
0x1e8: {  	[sflag:s12] =	ssyncset.done $0x0  }
0x1e9: {  	[sflag:s12] =	ssyncadd.s32 $0xFFFFC000  }
0x1ea: {  	_ =	swait.ge [sflag:s16], $0x4000  }
0x1eb: {  	[sflag:s16] =	ssyncset.done $0x0  }
0x1ec: {  	[sflag:s16] =	ssyncadd.s32 $0xFFFFC000  }
0x1ed: {  	[tilespmem:s17], [sflag:$0x2] =	stream.indirect.gather [hbm4b:s4+s14], $0x80, s31, s14, $0xb8;
	[tilespmem:$0x1D000] =	vst v63  }
0x1ee: {  	_ = 	snop  }
0x1ef: {  	[spmem:s1] =	stream.indirect.scatter.add.f32 [tilespmem:s15], [sflag:$0x3], $0x80, s0, s14, $0xb8;
	[tilespmem:$0x1D000] =	vst v63  }
0x1f0: {  	_ =	swait.ge [sflag:s12], $0x4000  }
0x1f1: {  	[sflag:s12] =	ssyncset.done $0x0  }
0x1f2: {  	[sflag:s12] =	ssyncadd.s32 $0xFFFFC000  }
0x1f3: {  	_ =	swait.ge [sflag:s18], $0x4000  }
0x1f4: {  	[sflag:s18] =	ssyncset.done $0x0  }
0x1f5: {  	[sflag:s18] =	ssyncadd.s32 $0xFFFFC000  }
0x1f6: {  	[spmem:s1] =	stream.indirect.scatter.add.f32 [tilespmem:s17], [sflag:$0x3], $0x80, s2, s14, $0xb8;
	[tilespmem:$0x1D000] =	vst v63  }
0x1f7: {  	_ =	swait.ge [sflag:s12], $0x4000  }
0x1f8: {  	[sflag:s12] =	ssyncset.done $0x0  }
0x1f9: {  	[sflag:s12] =	ssyncadd.s32 $0xFFFFC000  }
0x1fa: {  	[bflag:$0x0] =	sbarrier.arrive $0xFFFF  }
0x1fb: {  	s9 =	rddreg [dreg:$0x16]  }
0x1fc: {  	[hbm:s9], [sflag:s7] =	dma.local [spmem:s11], $0x2800  }
0x1fd: {  	_ =	swait.ge [sflag:s12], $0x2800  }
0x1fe: {  	s5 =	sadd.s32 $0x1, s5;
	s10 =	rddreg [dreg:$0x17]  }
0x1ff: {  	p0 =	sne.s32 s5, s10  }
.Ltmp3:
0x200: {  	_ = 	snop;
	(pc) =	sbr.rel @p0 .LBB2_1-.Ltmp3, $4  }
.Ltmp4:
0x201: {  	_ = 	snop;
	(pc) =	sbr.rel @!p0 .LBB2_8-.Ltmp4, $4  }
0x202: {  	_ = 	snop  }
0x203: {  	[sflag:s12] =	ssyncset.done $0x0  }
0x204: {  	[sflag:s12] =	ssyncadd.s32 $0xFFFFD800  }
0x205: {  	_ = 	snop  }
.LBB2_2:
.Ltmp5:
0x206: {  	(pc) =	sbr.rel .LBB2_7-.Ltmp5, $2  }
0x207: {  	_ =	sdelay $0x2  }
0x208: {  	s10 =	smov.u32 s8  }
.LBB2_4:
.Ltmp6:
0x209: {  	(pc) =	sbr.rel .LBB2_7-.Ltmp6, $2  }
0x20a: {  	_ =	sdelay $0x2  }
0x20b: {  	s10 =	smov.u32 s8;
	s11 =	rddreg [dreg:$0x18]  }
.LBB2_8:
0x20c: {  	_ =	sfence.sel $0x180000  }
0x20d: {  	[bflag:$0x0] =	sbarrier.arrive $0xFFFF  }
0x20e: {  	_ =	strace $0x9000004A  }
0x20f: {  	s0 =	stileid.u32;
	[bflag:$0x2] =	sbarrier.arrive $0xFFFF  }
0x210: {  	p0 =	sne.s32 s0, $0x0;
	s0 =	rddreg [dreg:$0x2]  }
0x211: {  	s0 =	sadd.s32 @!p0 $0x100000, s0  }
0x212: {  	[sflag:s0] =	ssyncadd.tile.s32 @!p0 $0x1;
	_ =	shalt  }
.Lfunc_end2:
_tile_overlayer_lowered:
.L_overlay_start_2:
0x213: {  	(tag) =	ssettag $0x2  }
0x214: {  	s0 =	rddreg [dreg:$0x0];
	s2 =	stileid.u32  }
0x215: {  	s1 =	rddreg [dreg:$0x1];
	p0 =	sne.s32 s2, $0x0  }
0x216: {  	s3 =	rddreg [dreg:$0x2];
	[bflag:$0x3] =	sbarrier.arrive $0xFFFF;
	s2 =	simm.s32 @!p0 $0x1C03  }
0x217: {  	[timem:s3], [sflag:s2] =	dma.local @!p0 [hbm:s0], s1  }
0x218: {  	s0 =	simm.s32 @!p0 $0x3  }
0x219: {  	_ =	swait.ge @!p0 [sflag:s0], s1  }
0x21a: {  	s1 =	ssub.s32 @!p0 $0x0, s1;
	[sflag:s0] =	ssyncset.done @!p0 $0x0  }
0x21b: {  	[sflag:s0] =	ssyncadd.s32 @!p0 s1  }
0x21c: {  	[bflag:$0x3] =	sbarrier.arrive $0xFFFF  }
0x21d: {  	_ =	shalt  }

// kernel: kernel.14.cloned.1.call-start
scs
__scs_entry_jumppad:
0x0: {  	(pc) =	sbr.rel $0x88, $3  }
0x1: {  	(tag) =	ssettag $0x0;
	lr =	simm.s32 $0x1  }
0x2: {  	[smem:$0x3F9B] =	sst lr;
	_ =	strace $0xD0000000  }
0x3: {  	_ = 	snop  }
0x4: {  	_ = 	snop  }
0x5: {  	_ = 	snop  }
0x6: {  	_ = 	snop  }
0x7: {  	_ = 	snop  }
__scs_overlays_trampoline_lowered:
0x8: {  	[smem:$0x3FAA] =	sst s0  }
0x9: {  	[smem:$0x3FAB] =	sst s1  }
0xa: {  	[smem:$0x3FAC] =	sst s2  }
0xb: {  	[smem:$0x3FAD] =	sst s3  }
0xc: {  	[smem:$0x3FAE] =	sst s4  }
0xd: {  	[smem:$0x3FAF] =	sst s5  }
0xe: {  	[smem:$0x3FB0] =	sst s6  }
0xf: {  	[smem:$0x3FB1] =	sst s7  }
0x10: {  	[smem:$0x3FB2] =	sst s8  }
0x11: {  	[smem:$0x3FB3] =	sst s9;
	s0 =	simm.s32 @!p0 $0x0  }
0x12: {  	s1 =	sld [smem:$0x3F99];
	s0 =	simm.s32 @p0 $0x1  }
0x13: {  	[smem:$0x3FB4] =	sst s0;
	s0 =	simm.s32 @!p1 $0x0  }
0x14: {  	s2 =	sld [smem:$0x3F98];
	s0 =	simm.s32 @p1 $0x1  }
0x15: {  	[smem:$0x3FB5] =	sst s0;
	s0 =	simm.s32 @!p2 $0x0  }
0x16: {  	s3 =	sld [smem:$0x3FDB];
	s0 =	simm.s32 @p2 $0x1  }
0x17: {  	s4 =	simm.s32 $0x1BF5;
	[smem:$0x3FB7] =	sst s0  }
0x18: {  	s0 =	sld [smem:$0x3F9A];
	_ =	swait.ge [sflag:s4], $0x0  }
0x19: {  	s7 =	sld [smem:$0x3F9B]  }
0x1a: {  	s8 =	sadd.s32 $0xFFFFE003, lr  }
0x1b: {  	s9 =	sadd.s32 $0xFFFFFEF7, lr;
	s5 =	simm.s32 $0xFFFFFFFF;
	p2 =	slt.u32 s8, $0xFFFFF086  }
0x1c: {  	p1 =	slt.u32 s9, $0xF7A;
	s5 =	simm.s32 @!p2 $0x0  }
0x1d: {  	s5 =	simm.s32 @p1 $0x1;
	p0 =	seq.s32 s7, s2  }
0x1e: {  	s7 =	smul.u32 @!p0 $0xF7A, s2;
	p2 =	seq.s32 @!p0 s5, $0x0  }
0x1f: {  	s9 =	smul.u32 $0xF7A, s1;
	s8 =	simm.s32 @!p0 $0x1BF5;
	p2 =	por !p2, p0  }
0x20: {  	[sflag:s8] =	ssyncset.s32 @!p0 $0xFFFFF086;
	s6 =	sadd.s32 @!p0 s3, s7;
	s7 =	simm.s32 @!p0 $0x108  }
0x21: {  	s3 =	sadd.s32 s3, s9;
	s6 =	sadd.s32 @!p0 $0x88, s6;
	s7 =	simm.s32 @p2 $0x1082  }
0x22: {  	[simem:s7], [sflag:s8] =	dma.local @!p0 [hbm:s6], $0xF7A  }
0x23: {  	s9 =	sor.u32 $0xD0000000, s2;
	s6 =	simm.s32 $0x108;
	_ =	swait.ge @!p0 [sflag:s8], $0x0  }
0x24: {  	s3 =	sadd.s32 $0x88, s3;
	s6 =	simm.s32 @!p1 $0x1082;
	[sflag:s4] =	ssyncset.s32 $0xFFFFF086  }
0x25: {  	[simem:s6], [sflag:s4] =	dma.local [hbm:s3], $0xF7A  }
0x26: {  	[smem:$0x3F9B] =	sst s1;
	(tag) =	ssettag s2;
	_ =	strace s9  }
0x27: {  	s1 =	sld [smem:$0x3FAB]  }
0x28: {  	s2 =	sld [smem:$0x3FAC]  }
0x29: {  	s4 =	sld [smem:$0x3FAE]  }
0x2a: {  	p0 =	seq.s32 s5, $0x0;
	s5 =	sld [smem:$0x3FAF]  }
0x2b: {  	s6 =	sld [smem:$0x3FB0]  }
0x2c: {  	s7 =	sld [smem:$0x3FB1]  }
0x2d: {  	s3 =	simm.s32 $0x108;
	s8 =	sld [smem:$0x3FB2]  }
0x2e: {  	s3 =	simm.s32 @!p0 $0x1082;
	s9 =	sld [smem:$0x3FB3]  }
0x2f: {  	lr =	sadd.s32 s0, s3;
	s0 =	sld [smem:$0x3FAA]  }
0x30: {  	s3 =	sld [smem:$0x3FAD]  }
0x31: {  	[smem:$0x3FB6] =	sst s10  }
0x32: {  	s10 =	sld [smem:$0x3FB4];
	_ =	sdelay $0x3  }
0x33: {  	p0 =	seq.s32 s10, $0x1;
	s10 =	sld [smem:$0x3FB6];
	_ =	sdelay $0x3  }
0x34: {  	[smem:$0x3FB6] =	sst s10  }
0x35: {  	s10 =	sld [smem:$0x3FB5];
	_ =	sdelay $0x3  }
0x36: {  	p1 =	seq.s32 s10, $0x1;
	s10 =	sld [smem:$0x3FB6];
	_ =	sdelay $0x3  }
0x37: {  	[smem:$0x3FB6] =	sst s10  }
0x38: {  	s10 =	sld [smem:$0x3FB7]  }
0x39: {  	_ = 	snop;
	(pc) =	sbr.ind lr, $3  }
0x3a: {  	_ = 	snop  }
0x3b: {  	_ = 	snop  }
0x3c: {  	p2 =	seq.s32 s10, $0x1;
	s10 =	sld [smem:$0x3FB6]  }
0x3d: {  	_ =	shalt  }
0x3e: {  	_ =	shalt  }
0x3f: {  	_ =	shalt  }
0x40: {  	_ =	shalt  }
0x41: {  	_ =	shalt  }
0x42: {  	_ =	shalt  }
0x43: {  	_ =	shalt  }
0x44: {  	_ =	shalt  }
0x45: {  	_ =	shalt  }
0x46: {  	_ =	shalt  }
0x47: {  	_ =	shalt  }
0x48: {  	_ =	shalt  }
0x49: {  	_ =	shalt  }
0x4a: {  	_ =	shalt  }
0x4b: {  	_ =	shalt  }
0x4c: {  	_ =	shalt  }
0x4d: {  	_ =	shalt  }
0x4e: {  	_ =	shalt  }
0x4f: {  	_ =	shalt  }
0x50: {  	_ =	shalt  }
0x51: {  	_ =	shalt  }
0x52: {  	_ =	shalt  }
0x53: {  	_ =	shalt  }
0x54: {  	_ =	shalt  }
0x55: {  	_ =	shalt  }
0x56: {  	_ =	shalt  }
0x57: {  	_ =	shalt  }
0x58: {  	_ =	shalt  }
0x59: {  	_ =	shalt  }
0x5a: {  	_ =	shalt  }
0x5b: {  	_ =	shalt  }
0x5c: {  	_ =	shalt  }
0x5d: {  	_ =	shalt  }
0x5e: {  	_ =	shalt  }
0x5f: {  	_ =	shalt  }
0x60: {  	_ =	shalt  }
0x61: {  	_ =	shalt  }
0x62: {  	_ =	shalt  }
0x63: {  	_ =	shalt  }
0x64: {  	_ =	shalt  }
0x65: {  	_ =	shalt  }
0x66: {  	_ =	shalt  }
0x67: {  	_ =	shalt  }
0x68: {  	_ =	shalt  }
0x69: {  	_ =	shalt  }
0x6a: {  	_ =	shalt  }
0x6b: {  	_ =	shalt  }
0x6c: {  	_ =	shalt  }
0x6d: {  	_ =	shalt  }
0x6e: {  	_ =	shalt  }
0x6f: {  	_ =	shalt  }
0x70: {  	_ =	shalt  }
0x71: {  	_ =	shalt  }
0x72: {  	_ =	shalt  }
0x73: {  	_ =	shalt  }
0x74: {  	_ =	shalt  }
0x75: {  	_ =	shalt  }
0x76: {  	_ =	shalt  }
0x77: {  	_ =	shalt  }
0x78: {  	_ =	shalt  }
0x79: {  	_ =	shalt  }
0x7a: {  	_ =	shalt  }
0x7b: {  	_ =	shalt  }
0x7c: {  	_ =	shalt  }
0x7d: {  	_ =	shalt  }
0x7e: {  	_ =	shalt  }
0x7f: {  	_ =	shalt  }
0x80: {  	_ =	shalt  }
0x81: {  	_ =	shalt  }
0x82: {  	_ =	shalt  }
0x83: {  	_ =	shalt  }
0x84: {  	_ =	shalt  }
0x85: {  	_ =	shalt  }
0x86: {  	_ =	shalt  }
0x87: {  	_ =	shalt  }
.Lfunc_end0:
.L_simem_size_0:
called_computation.2_lowered:
.L_overlay_start_0:
0x88: {  	s2 =	sld [smem:$0x3FD9]  }
0x89: {  	s3 =	sld [smem:$0x3FFE];
	_ =	sdelay $0x1  }
0x8a: {  	s1 =	srdreg.scid  }
0x8b: {  	s0 =	sand.u32 $0x1, s1  }
0x8c: {  	s16 =	sshll.u32 s0, $0xA;
	s2 =	sadd.s32 s3, s2  }
0x8d: {  	s2 =	sadd.s32 s2, s16  }
0x8e: {  	[smem:$0x3FC2] =	sst s2  }
0x8f: {  	_ = 	snop  }
0x90: {  	(tm) =	ssettm $0x1  }
0x91: {  	s17 =	sld [smem:$0x3FFB];
	_ =	sdelay $0x3  }
0x92: {  	_ =	strace s17  }
0x93: {  	s2 =	sld [smem:$0x3FFC];
	_ =	sdelay $0x3  }
0x94: {  	_ =	strace s2  }
0x95: {  	s2 =	sld [smem:$0x3FFD];
	_ =	sdelay $0x3  }
0x96: {  	_ =	strace s2  }
0x97: {  	_ =	strace $0x8FFFFFFF  }
0x98: {  	s18 =	sld [smem:$0x3FDB];
	_ =	sdelay $0x1  }
0x99: {  	s19 =	simm.s32 $_scs_section_size  }
0x9a: {  	s4 =	simm.s32 $_size__tile_overlayer_lowered;
	s5 =	simm.s32 $_tile_overlayer_lowered  }
0x9b: {  	s22 =	simm.s32 $0x1BFF;
	s21 =	sshll.u32 s5, $0x1;
	s2 =	sadd.s32 s19, s18  }
0x9c: {  	s6 =	simm.s32 $0x0;
	s20 =	sshll.u32 s4, $0x1;
	s4 =	sadd.s32 s21, s2  }
0x9d: {  	[timem:s6], [sflag:s22] =	dma.local [hbm:s4], s20  }
0x9e: {  	_ =	swait.ge [sflag:s22], s20  }
0x9f: {  	s3 =	ssub.s32 $0x0, s20;
	[sflag:s22] =	ssyncset.done $0x0  }
0xa0: {  	[sflag:s22] =	ssyncadd.s32 s3;
	_ =	sdelay $0x1  }
0xa1: {  	s23 =	simm.s32 $0x1B8B  }
0xa2: {  	_ =	swait.ge [sflag:s23], $0x1  }
0xa3: {  	[sflag:s23] =	ssyncset.done $0x0  }
0xa4: {  	s25 =	simm.s32 $0x1B8E;
	s24 =	sld [smem:$0x3FFE];
	[sflag:s23] =	ssyncadd.s32 $0xFFFFFFFF  }
0xa5: {  	s26 =	simm.s32 $execute0_lowered;
	[smem:$0x3FD2] =	sst s25  }
0xa6: {  	s4 =	sshll.u32 s26, $0x1;
	_ =	strace $0x8000004C;
	[dreg:$0x1] =	wrdreg $0xFFFFFFFF  }
0xa7: {  	s28 =	simm.s32 $_size_execute0_lowered;
	s2 =	sadd.s32 s2, s4;
	[dreg:$0x0] =	wrdreg $0x0  }
0xa8: {  	s4 =	sshll.u32 s28, $0x1;
	[dreg:$0x2] =	wrdreg s2  }
0xa9: {  	[dreg:$0x3] =	wrdreg s4  }
0xaa: {  	[dreg:$0x4] =	wrdreg $0xC0  }
0xab: {  	_ =	task [dreg:s6], $0x5FFFF  }
0xac: {  	[dreg:$0x1] =	wrdreg $0xFFFFFFFF  }
0xad: {  	[dreg:$0x0] =	wrdreg $0x60  }
0xae: {  	[dreg:$0x2] =	wrdreg s24  }
0xaf: {  	[dreg:$0x3] =	wrdreg $0x90000  }
0xb0: {  	[dreg:$0x4] =	wrdreg $0x9  }
0xb1: {  	_ =	task.clear_ibuf [dreg:s6], $0x5FFFF;
	_ =	strace $0x9000004C  }
0xb2: {  	s29 =	simm.s32 $0x9;
	_ =	strace $0x8000004E  }
0xb3: {  	_ =	swait.ge [sflag:s29], $0x1  }
0xb4: {  	[sflag:s29] =	ssyncadd.s32 $0xFFFFFFFF  }
0xb5: {  	_ =	strace $0x9000004E  }
0xb6: {  	_ =	sfence  }
0xb7: {  	s30 =	sld [smem:$0x0];
	_ =	sdelay $0x2  }
0xb8: {  	s31 =	sshll.u32 s1, $0xD;
	s1 =	sshrl.u32 s1, $0x2  }
0xb9: {  	s3 =	sand.u32 $0x4000, s31;
	s1 =	sadd.s32 s1, s30  }
0xba: {  	s0 =	sor.u32 s3, s0;
	s1 =	sshll.u32 s1, $0x11  }
0xbb: {  	s0 =	sor.u32 s1, s0  }
0xbc: {  	s0 =	sadd.s32 $0x8F2B, s0  }
0xbd: {  	[sflag:s0] =	ssyncadd.remote.s32 $0x1  }
0xbe: {  	_ =	sfence.sel $0xFFFF  }
0xbf: {  	[dreg:$0x0] =	wrdreg $0xFFFFFFFF;
	(pc) =	sbr.abs _section_cstart, $3  }
0xc0: {  	[dreg:$0x1] =	wrdreg $0xFFFFFFFF  }
0xc1: {  	_ =	task.clear_ibuf [dreg:s6], $0x2FFFF;
	_ =	strace $0x9FFFFFFF  }
0xc2: {  	(tm) =	ssettm $0x7FFFFFFF  }
0xc3: {  	_ =	shalt  }
tec
execute0_lowered:
.L_overlay_start_1:
0x0: {  	(tag) =	ssettag $0x1  }
0x1: {  	s0 =	rddreg [dreg:$0x0]  }
0x2: {  	s1 =	rddreg [dreg:$0x1];
	s3 =	simm.s32 $0x0  }
0x3: {  	s2 =	srdreg.scid;
	s10 =	stileid.u32;
	s7 =	simm.s32 $0x7  }
0x4: {  	s12 =	simm.s32 $0x100;
	[smem:$0x7FF] =	sst s3;
	s4 =	sadd.s32 $0x55A00, s0  }
0x5: {  	s22 =	sadd.s32 $0x60000, s0;
	_ =	strace $0x8000004D;
	[dreg:$0x3] =	wrdreg s4  }
0x6: {  	s13 =	simm.s32 $0x880;
	s23 =	sadd.s32 $0x3200, s0;
	[dreg:$0x4] =	wrdreg s22  }
0x7: {  	s14 =	simm.s32 $0x180;
	s15 =	simm.s32 $0x900;
	[dreg:$0x14] =	wrdreg s23  }
0x8: {  	s16 =	simm.s32 $0x200;
	s17 =	simm.s32 $0x980;
	[dreg:$0x5] =	wrdreg s12  }
0x9: {  	s18 =	simm.s32 $0x280;
	s19 =	simm.s32 $0xA00;
	[dreg:$0x6] =	wrdreg s13  }
0xa: {  	s20 =	simm.s32 $0x300;
	s21 =	simm.s32 $0xA80;
	[dreg:$0x7] =	wrdreg s14  }
0xb: {  	s28 =	simm.s32 $0xE00;
	s29 =	simm.s32 $0x700;
	[dreg:$0x8] =	wrdreg s15  }
0xc: {  	s30 =	simm.s32 $0xE80;
	s31 =	simm.s32 $0x780;
	[dreg:$0x9] =	wrdreg s16  }
0xd: {  	s2 =	sand.u32 $0x1, s2;
	s6 =	smul.u32 $0x14000, s10;
	[dreg:$0xa] =	wrdreg s17  }
0xe: {  	s8 =	smul.u32 $0x50000, s10;
	s11 =	sshll.u32 s10, $0x6;
	[dreg:$0xb] =	wrdreg s18  }
0xf: {  	s5 =	smul.u32 $0x140000, s2;
	s4 =	sadd.s32 $0x6A600, s0;
	[dreg:$0xc] =	wrdreg s19  }
0x10: {  	s24 =	ssub.s32 $0x2, s2;
	p0 =	seq.s32 s2, $0x0;
	[dreg:$0xd] =	wrdreg s20  }
0x11: {  	s2 =	sshll.u32 s2, $0x12;
	s12 =	simm.s32 $0x3;
	[dreg:$0xe] =	wrdreg s21  }
0x12: {  	s22 =	simm.s32 $0x380;
	s13 =	simm.s32 $0x800;
	s23 =	simm.s32 $0xB00  }
0x13: {  	s14 =	simm.s32 $0x80;
	s15 =	simm.s32 $0x1000;
	s16 =	simm.s32 $0x1  }
0x14: {  	s17 =	simm.s32 $0x5000;
	s18 =	simm.s32 $0x2;
	s19 =	simm.s32 $0xC00  }
0x15: {  	s20 =	simm.s32 $0x500;
	s21 =	simm.s32 $0xC80;
	s25 =	sshrl.u32 s24, $0x1  }
0x16: {  	s7 =	simm.s32 @!p0 $0x5;
	s9 =	sshrl.u32 s8, $0x2;
	[dreg:$0xf] =	wrdreg s22  }
0x17: {  	[dreg:$0x10] =	wrdreg s23;
	s22 =	simm.s32 $0x580;
	s23 =	simm.s32 $0xD00  }
0x18: {  	s5 =	sadd.s32 s6, s5;
	s26 =	sshll.u32 s10, s7;
	s9 =	sadd.s32 s9, s1  }
0x19: {  	s7 =	sor.u32 $0x1C03, s11;
	s10 =	simm.s32 $0x8;
	s5 =	sshrl.u32 s5, $0x3  }
0x1a: {  	s10 =	simm.s32 @!p0 $0x2;
	s6 =	sshll.u32 s26, $0x7;
	s11 =	sshrl.u32 s9, $0x3  }
0x1b: {  	s26 =	simm.s32 $0x480;
	s0 =	sadd.s32 s5, s0;
	[dreg:$0x15] =	wrdreg s10  }
0x1c: {  	s5 =	ssub.s32 s24, s25;
	s8 =	sor.u32 s6, s2;
	[dreg:$0x13] =	wrdreg s26  }
0x1d: {  	s24 =	simm.s32 $0x400;
	s25 =	simm.s32 $0xB80;
	[dreg:$0x18] =	wrdreg s11  }
0x1e: {  	s26 =	simm.s32 $0x680;
	s2 =	simm.s32 $0xF80;
	[dreg:$0x11] =	wrdreg s24  }
0x1f: {  	s0 =	sadd.s32 $0x92600, s0;
	s5 =	smax.u32 s5, $0x1;
	[dreg:$0x12] =	wrdreg s25  }
0x20: {  	s24 =	simm.s32 $0x600;
	s25 =	simm.s32 $0xD80;
	[dreg:$0x16] =	wrdreg s0  }
0x21: {  	[dreg:$0x17] =	wrdreg s5;
	s0 =	simm.s32 $0xF00;
	s5 =	simm.s32 $0x0  }
.LBB2_1:
0x22: {  	s6 =	rddreg [dreg:$0x14]  }
0x23: {  	[spmem:s11], [sflag:s7] =	dma.local [hbm:s6], $0x2800  }
0x24: {  	_ =	swait.ge [sflag:s12], $0x2800  }
0x25: {  	[sflag:s12] =	ssyncset.done $0x0  }
0x26: {  	[sflag:s12] =	ssyncadd.s32 $0xFFFFD800  }
0x27: {  	[bflag:$0x0] =	sbarrier.arrive $0xFFFF  }
0x28: {  	s10 =	rddreg [dreg:$0x15]  }
0x29: {  	p1 =	sne.s32 s10, $0x1  }
.Ltmp0:
0x2a: {  	_ = 	snop;
	(pc) =	sbr.rel @!p1 .LBB2_2-.Ltmp0, $2  }
0x2b: {  	_ =	sdelay $0x2  }
0x2c: {  	p0 =	por $0x0, $0x0;
	s6 =	rddreg [dreg:$0x3];
	s9 =	sadd.s32 $0xFFFFFFFF, s10  }
0x2d: {  	s10 =	sshrl.u32 s8, $0x3  }
0x2e: {  	s6 =	sadd.s32 s6, s10  }
0x2f: {  	[tilespmem:s3], [sflag:$0x3] =	stream.linear.gather [hbm4b:s6+s3], $0x800, $0x38;
	[tilespmem:$0x1D000] =	vst v63  }
0x30: {  	_ =	swait.ge [sflag:s12], $0x800  }
0x31: {  	s11 =	rddreg [dreg:$0x4];
	[sflag:s12] =	ssyncset.done $0x0  }
0x32: {  	[sflag:s12] =	ssyncadd.s32 $0xFFFFF800;
	s6 =	sadd.s32 s11, s10  }
0x33: {  	[tilespmem:s13], [sflag:$0x3] =	stream.linear.gather [hbm4b:s6+s3], $0x800, $0x38;
	[tilespmem:$0x1D000] =	vst v63  }
0x34: {  	_ =	swait.ge [sflag:s12], $0x800  }
0x35: {  	[sflag:s12] =	ssyncset.done $0x0  }
0x36: {  	[sflag:s12] =	ssyncadd.s32 $0xFFFFF800  }
0x37: {  	[tilespmem:s15], [sflag:$0x1] =	stream.indirect.gather [hbm4b:s4+s14], $0x80, s3, s14, $0xb8;
	[tilespmem:$0x1D000] =	vst v63  }
0x38: {  	_ =	swait.ge [sflag:s16], $0x4000  }
0x39: {  	[sflag:s16] =	ssyncset.done $0x0  }
0x3a: {  	[sflag:s16] =	ssyncadd.s32 $0xFFFFC000  }
0x3b: {  	[tilespmem:s17], [sflag:$0x2] =	stream.indirect.gather [hbm4b:s4+s14], $0x80, s14, s14, $0xb8;
	[tilespmem:$0x1D000] =	vst v63  }
0x3c: {  	_ = 	snop  }
0x3d: {  	[spmem:s1] =	stream.indirect.scatter.add.f32 [tilespmem:s15], [sflag:$0x3], $0x80, s13, s14, $0xb8;
	[tilespmem:$0x1D000] =	vst v63  }
0x3e: {  	_ =	swait.ge [sflag:s12], $0x4000  }
0x3f: {  	[sflag:s12] =	ssyncset.done $0x0  }
0x40: {  	[sflag:s12] =	ssyncadd.s32 $0xFFFFC000  }
0x41: {  	_ =	swait.ge [sflag:s18], $0x4000  }
0x42: {  	[sflag:s18] =	ssyncset.done $0x0  }
0x43: {  	s10 =	rddreg [dreg:$0x5];
	[sflag:s18] =	ssyncadd.s32 $0xFFFFC000  }
0x44: {  	[tilespmem:s15], [sflag:$0x1] =	stream.indirect.gather [hbm4b:s4+s14], $0x80, s10, s14, $0xb8;
	[tilespmem:$0x1D000] =	vst v63  }
0x45: {  	s11 =	rddreg [dreg:$0x6]  }
0x46: {  	[spmem:s1] =	stream.indirect.scatter.add.f32 [tilespmem:s17], [sflag:$0x3], $0x80, s11, s14, $0xb8;
	[tilespmem:$0x1D000] =	vst v63  }
0x47: {  	_ =	swait.ge [sflag:s12], $0x4000  }
0x48: {  	[sflag:s12] =	ssyncset.done $0x0  }
0x49: {  	[sflag:s12] =	ssyncadd.s32 $0xFFFFC000  }
0x4a: {  	_ =	swait.ge [sflag:s16], $0x4000  }
0x4b: {  	[sflag:s16] =	ssyncset.done $0x0  }
0x4c: {  	s10 =	rddreg [dreg:$0x7];
	[sflag:s16] =	ssyncadd.s32 $0xFFFFC000  }
0x4d: {  	[tilespmem:s17], [sflag:$0x2] =	stream.indirect.gather [hbm4b:s4+s14], $0x80, s10, s14, $0xb8;
	[tilespmem:$0x1D000] =	vst v63  }
0x4e: {  	s11 =	rddreg [dreg:$0x8]  }
0x4f: {  	[spmem:s1] =	stream.indirect.scatter.add.f32 [tilespmem:s15], [sflag:$0x3], $0x80, s11, s14, $0xb8;
	[tilespmem:$0x1D000] =	vst v63  }
0x50: {  	_ =	swait.ge [sflag:s12], $0x4000  }
0x51: {  	[sflag:s12] =	ssyncset.done $0x0  }
0x52: {  	[sflag:s12] =	ssyncadd.s32 $0xFFFFC000  }
0x53: {  	_ =	swait.ge [sflag:s18], $0x4000  }
0x54: {  	[sflag:s18] =	ssyncset.done $0x0  }
0x55: {  	s10 =	rddreg [dreg:$0x9];
	[sflag:s18] =	ssyncadd.s32 $0xFFFFC000  }
0x56: {  	[tilespmem:s15], [sflag:$0x1] =	stream.indirect.gather [hbm4b:s4+s14], $0x80, s10, s14, $0xb8;
	[tilespmem:$0x1D000] =	vst v63  }
0x57: {  	s11 =	rddreg [dreg:$0xa]  }
0x58: {  	[spmem:s1] =	stream.indirect.scatter.add.f32 [tilespmem:s17], [sflag:$0x3], $0x80, s11, s14, $0xb8;
	[tilespmem:$0x1D000] =	vst v63  }
0x59: {  	_ =	swait.ge [sflag:s12], $0x4000  }
0x5a: {  	[sflag:s12] =	ssyncset.done $0x0  }
0x5b: {  	[sflag:s12] =	ssyncadd.s32 $0xFFFFC000  }
0x5c: {  	_ =	swait.ge [sflag:s16], $0x4000  }
0x5d: {  	[sflag:s16] =	ssyncset.done $0x0  }
0x5e: {  	s10 =	rddreg [dreg:$0xb];
	[sflag:s16] =	ssyncadd.s32 $0xFFFFC000  }
0x5f: {  	[tilespmem:s17], [sflag:$0x2] =	stream.indirect.gather [hbm4b:s4+s14], $0x80, s10, s14, $0xb8;
	[tilespmem:$0x1D000] =	vst v63  }
0x60: {  	s11 =	rddreg [dreg:$0xc]  }
0x61: {  	[spmem:s1] =	stream.indirect.scatter.add.f32 [tilespmem:s15], [sflag:$0x3], $0x80, s11, s14, $0xb8;
	[tilespmem:$0x1D000] =	vst v63  }
0x62: {  	_ =	swait.ge [sflag:s12], $0x4000  }
0x63: {  	[sflag:s12] =	ssyncset.done $0x0  }
0x64: {  	[sflag:s12] =	ssyncadd.s32 $0xFFFFC000  }
0x65: {  	_ =	swait.ge [sflag:s18], $0x4000  }
0x66: {  	[sflag:s18] =	ssyncset.done $0x0  }
0x67: {  	s10 =	rddreg [dreg:$0xd];
	[sflag:s18] =	ssyncadd.s32 $0xFFFFC000  }
0x68: {  	[tilespmem:s15], [sflag:$0x1] =	stream.indirect.gather [hbm4b:s4+s14], $0x80, s10, s14, $0xb8;
	[tilespmem:$0x1D000] =	vst v63  }
0x69: {  	s11 =	rddreg [dreg:$0xe]  }
0x6a: {  	[spmem:s1] =	stream.indirect.scatter.add.f32 [tilespmem:s17], [sflag:$0x3], $0x80, s11, s14, $0xb8;
	[tilespmem:$0x1D000] =	vst v63  }
0x6b: {  	_ =	swait.ge [sflag:s12], $0x4000  }
0x6c: {  	[sflag:s12] =	ssyncset.done $0x0  }
0x6d: {  	[sflag:s12] =	ssyncadd.s32 $0xFFFFC000  }
0x6e: {  	_ =	swait.ge [sflag:s16], $0x4000  }
0x6f: {  	[sflag:s16] =	ssyncset.done $0x0  }
0x70: {  	s10 =	rddreg [dreg:$0xf];
	[sflag:s16] =	ssyncadd.s32 $0xFFFFC000  }
0x71: {  	[tilespmem:s17], [sflag:$0x2] =	stream.indirect.gather [hbm4b:s4+s14], $0x80, s10, s14, $0xb8;
	[tilespmem:$0x1D000] =	vst v63  }
0x72: {  	s11 =	rddreg [dreg:$0x10]  }
0x73: {  	[spmem:s1] =	stream.indirect.scatter.add.f32 [tilespmem:s15], [sflag:$0x3], $0x80, s11, s14, $0xb8;
	[tilespmem:$0x1D000] =	vst v63  }
0x74: {  	_ =	swait.ge [sflag:s12], $0x4000  }
0x75: {  	[sflag:s12] =	ssyncset.done $0x0  }
0x76: {  	[sflag:s12] =	ssyncadd.s32 $0xFFFFC000  }
0x77: {  	_ =	swait.ge [sflag:s18], $0x4000  }
0x78: {  	[sflag:s18] =	ssyncset.done $0x0  }
0x79: {  	s10 =	rddreg [dreg:$0x11];
	[sflag:s18] =	ssyncadd.s32 $0xFFFFC000  }
0x7a: {  	[tilespmem:s15], [sflag:$0x1] =	stream.indirect.gather [hbm4b:s4+s14], $0x80, s10, s14, $0xb8;
	[tilespmem:$0x1D000] =	vst v63  }
0x7b: {  	s11 =	rddreg [dreg:$0x12]  }
0x7c: {  	[spmem:s1] =	stream.indirect.scatter.add.f32 [tilespmem:s17], [sflag:$0x3], $0x80, s11, s14, $0xb8;
	[tilespmem:$0x1D000] =	vst v63  }
0x7d: {  	_ =	swait.ge [sflag:s12], $0x4000  }
0x7e: {  	[sflag:s12] =	ssyncset.done $0x0  }
0x7f: {  	[sflag:s12] =	ssyncadd.s32 $0xFFFFC000  }
0x80: {  	_ =	swait.ge [sflag:s16], $0x4000  }
0x81: {  	[sflag:s16] =	ssyncset.done $0x0  }
0x82: {  	s11 =	rddreg [dreg:$0x13];
	[sflag:s16] =	ssyncadd.s32 $0xFFFFC000  }
0x83: {  	[tilespmem:s17], [sflag:$0x2] =	stream.indirect.gather [hbm4b:s4+s14], $0x80, s11, s14, $0xb8;
	[tilespmem:$0x1D000] =	vst v63  }
0x84: {  	_ = 	snop  }
0x85: {  	[spmem:s1] =	stream.indirect.scatter.add.f32 [tilespmem:s15], [sflag:$0x3], $0x80, s19, s14, $0xb8;
	[tilespmem:$0x1D000] =	vst v63  }
0x86: {  	_ =	swait.ge [sflag:s12], $0x4000  }
0x87: {  	[sflag:s12] =	ssyncset.done $0x0  }
0x88: {  	[sflag:s12] =	ssyncadd.s32 $0xFFFFC000  }
0x89: {  	_ =	swait.ge [sflag:s18], $0x4000  }
0x8a: {  	[sflag:s18] =	ssyncset.done $0x0  }
0x8b: {  	[sflag:s18] =	ssyncadd.s32 $0xFFFFC000  }
0x8c: {  	[tilespmem:s15], [sflag:$0x1] =	stream.indirect.gather [hbm4b:s4+s14], $0x80, s20, s14, $0xb8;
	[tilespmem:$0x1D000] =	vst v63  }
0x8d: {  	_ = 	snop  }
0x8e: {  	[spmem:s1] =	stream.indirect.scatter.add.f32 [tilespmem:s17], [sflag:$0x3], $0x80, s21, s14, $0xb8;
	[tilespmem:$0x1D000] =	vst v63  }
0x8f: {  	_ =	swait.ge [sflag:s12], $0x4000  }
0x90: {  	[sflag:s12] =	ssyncset.done $0x0  }
0x91: {  	[sflag:s12] =	ssyncadd.s32 $0xFFFFC000  }
0x92: {  	_ =	swait.ge [sflag:s16], $0x4000  }
0x93: {  	[sflag:s16] =	ssyncset.done $0x0  }
0x94: {  	[sflag:s16] =	ssyncadd.s32 $0xFFFFC000  }
0x95: {  	[tilespmem:s17], [sflag:$0x2] =	stream.indirect.gather [hbm4b:s4+s14], $0x80, s22, s14, $0xb8;
	[tilespmem:$0x1D000] =	vst v63  }
0x96: {  	_ = 	snop  }
0x97: {  	[spmem:s1] =	stream.indirect.scatter.add.f32 [tilespmem:s15], [sflag:$0x3], $0x80, s23, s14, $0xb8;
	[tilespmem:$0x1D000] =	vst v63  }
0x98: {  	_ =	swait.ge [sflag:s12], $0x4000  }
0x99: {  	[sflag:s12] =	ssyncset.done $0x0  }
0x9a: {  	[sflag:s12] =	ssyncadd.s32 $0xFFFFC000  }
0x9b: {  	_ =	swait.ge [sflag:s18], $0x4000  }
0x9c: {  	[sflag:s18] =	ssyncset.done $0x0  }
0x9d: {  	[sflag:s18] =	ssyncadd.s32 $0xFFFFC000  }
0x9e: {  	[tilespmem:s15], [sflag:$0x1] =	stream.indirect.gather [hbm4b:s4+s14], $0x80, s24, s14, $0xb8;
	[tilespmem:$0x1D000] =	vst v63  }
0x9f: {  	_ = 	snop  }
0xa0: {  	[spmem:s1] =	stream.indirect.scatter.add.f32 [tilespmem:s17], [sflag:$0x3], $0x80, s25, s14, $0xb8;
	[tilespmem:$0x1D000] =	vst v63  }
0xa1: {  	_ =	swait.ge [sflag:s12], $0x4000  }
0xa2: {  	[sflag:s12] =	ssyncset.done $0x0  }
0xa3: {  	[sflag:s12] =	ssyncadd.s32 $0xFFFFC000  }
0xa4: {  	_ =	swait.ge [sflag:s16], $0x4000  }
0xa5: {  	[sflag:s16] =	ssyncset.done $0x0  }
0xa6: {  	[sflag:s16] =	ssyncadd.s32 $0xFFFFC000  }
0xa7: {  	[tilespmem:s17], [sflag:$0x2] =	stream.indirect.gather [hbm4b:s4+s14], $0x80, s26, s14, $0xb8;
	[tilespmem:$0x1D000] =	vst v63  }
0xa8: {  	_ = 	snop  }
0xa9: {  	[spmem:s1] =	stream.indirect.scatter.add.f32 [tilespmem:s15], [sflag:$0x3], $0x80, s28, s14, $0xb8;
	[tilespmem:$0x1D000] =	vst v63  }
0xaa: {  	_ =	swait.ge [sflag:s12], $0x4000  }
0xab: {  	[sflag:s12] =	ssyncset.done $0x0  }
0xac: {  	[sflag:s12] =	ssyncadd.s32 $0xFFFFC000  }
0xad: {  	_ =	swait.ge [sflag:s18], $0x4000  }
0xae: {  	[sflag:s18] =	ssyncset.done $0x0  }
0xaf: {  	[sflag:s18] =	ssyncadd.s32 $0xFFFFC000  }
0xb0: {  	[tilespmem:s15], [sflag:$0x1] =	stream.indirect.gather [hbm4b:s4+s14], $0x80, s29, s14, $0xb8;
	[tilespmem:$0x1D000] =	vst v63  }
0xb1: {  	_ = 	snop  }
0xb2: {  	[spmem:s1] =	stream.indirect.scatter.add.f32 [tilespmem:s17], [sflag:$0x3], $0x80, s30, s14, $0xb8;
	[tilespmem:$0x1D000] =	vst v63  }
0xb3: {  	_ =	swait.ge [sflag:s12], $0x4000  }
0xb4: {  	[sflag:s12] =	ssyncset.done $0x0  }
0xb5: {  	[sflag:s12] =	ssyncadd.s32 $0xFFFFC000  }
0xb6: {  	_ =	swait.ge [sflag:s16], $0x4000  }
0xb7: {  	[sflag:s16] =	ssyncset.done $0x0  }
0xb8: {  	[sflag:s16] =	ssyncadd.s32 $0xFFFFC000  }
0xb9: {  	[tilespmem:s17], [sflag:$0x2] =	stream.indirect.gather [hbm4b:s4+s14], $0x80, s31, s14, $0xb8;
	[tilespmem:$0x1D000] =	vst v63  }
0xba: {  	_ = 	snop  }
0xbb: {  	[spmem:s1] =	stream.indirect.scatter.add.f32 [tilespmem:s15], [sflag:$0x3], $0x80, s0, s14, $0xb8;
	[tilespmem:$0x1D000] =	vst v63  }
0xbc: {  	_ =	swait.ge [sflag:s12], $0x4000  }
0xbd: {  	[sflag:s12] =	ssyncset.done $0x0  }
0xbe: {  	[sflag:s12] =	ssyncadd.s32 $0xFFFFC000  }
0xbf: {  	p1 =	sne.s32 s9, $0x1;
	_ =	swait.ge [sflag:s18], $0x4000  }
.Ltmp1:
0xc0: {  	[sflag:s18] =	ssyncset.done $0x0;
	(pc) =	sbr.rel @!p1 .LBB2_4-.Ltmp1, $4  }
0xc1: {  	[sflag:s18] =	ssyncadd.s32 $0xFFFFC000  }
0xc2: {  	[spmem:s1] =	stream.indirect.scatter.add.f32 [tilespmem:s17], [sflag:$0x3], $0x80, s2, s14, $0xb8;
	[tilespmem:$0x1D000] =	vst v63  }
0xc3: {  	s9 =	sadd.s32 $0xFFFFFFFF, s9;
	p0 =	por $0x1, $0x1;
	_ =	swait.ge [sflag:s12], $0x4000  }
0xc4: {  	s10 =	smov.u32 s8;
	s6 =	rddreg [dreg:$0x3];
	[sflag:s12] =	ssyncset.done $0x0  }
.LBB2_5:
0xc5: {  	s10 =	sadd.s32 $0x800, s10  }
0xc6: {  	s11 =	sshrl.u32 s10, $0x3  }
0xc7: {  	[sflag:s12] =	ssyncadd.s32 $0xFFFFC000;
	s6 =	sadd.s32 s6, s11  }
0xc8: {  	[tilespmem:s3], [sflag:$0x3] =	stream.linear.gather [hbm4b:s6+s3], $0x800, $0x38;
	[tilespmem:$0x1D000] =	vst v63  }
0xc9: {  	_ =	swait.ge [sflag:s12], $0x800  }
0xca: {  	s6 =	rddreg [dreg:$0x4];
	[sflag:s12] =	ssyncset.done $0x0  }
0xcb: {  	[sflag:s12] =	ssyncadd.s32 $0xFFFFF800;
	s6 =	sadd.s32 s6, s11  }
0xcc: {  	[tilespmem:s13], [sflag:$0x3] =	stream.linear.gather [hbm4b:s6+s3], $0x800, $0x38;
	[tilespmem:$0x1D000] =	vst v63  }
0xcd: {  	_ =	swait.ge [sflag:s12], $0x800  }
0xce: {  	[sflag:s12] =	ssyncset.done $0x0  }
0xcf: {  	[sflag:s12] =	ssyncadd.s32 $0xFFFFF800  }
0xd0: {  	[tilespmem:s15], [sflag:$0x1] =	stream.indirect.gather [hbm4b:s4+s14], $0x80, s3, s14, $0xb8;
	[tilespmem:$0x1D000] =	vst v63  }
0xd1: {  	_ =	swait.ge [sflag:s16], $0x4000  }
0xd2: {  	[sflag:s16] =	ssyncset.done $0x0  }
0xd3: {  	[sflag:s16] =	ssyncadd.s32 $0xFFFFC000  }
0xd4: {  	[tilespmem:s17], [sflag:$0x2] =	stream.indirect.gather [hbm4b:s4+s14], $0x80, s14, s14, $0xb8;
	[tilespmem:$0x1D000] =	vst v63  }
0xd5: {  	_ = 	snop  }
0xd6: {  	[spmem:s1] =	stream.indirect.scatter.add.f32 [tilespmem:s15], [sflag:$0x3], $0x80, s13, s14, $0xb8;
	[tilespmem:$0x1D000] =	vst v63  }
0xd7: {  	_ =	swait.ge [sflag:s12], $0x4000  }
0xd8: {  	[sflag:s12] =	ssyncset.done $0x0  }
0xd9: {  	[sflag:s12] =	ssyncadd.s32 $0xFFFFC000  }
0xda: {  	_ =	swait.ge [sflag:s18], $0x4000  }
0xdb: {  	[sflag:s18] =	ssyncset.done $0x0  }
0xdc: {  	s6 =	rddreg [dreg:$0x5];
	[sflag:s18] =	ssyncadd.s32 $0xFFFFC000  }
0xdd: {  	[tilespmem:s15], [sflag:$0x1] =	stream.indirect.gather [hbm4b:s4+s14], $0x80, s6, s14, $0xb8;
	[tilespmem:$0x1D000] =	vst v63  }
0xde: {  	s11 =	rddreg [dreg:$0x6]  }
0xdf: {  	[spmem:s1] =	stream.indirect.scatter.add.f32 [tilespmem:s17], [sflag:$0x3], $0x80, s11, s14, $0xb8;
	[tilespmem:$0x1D000] =	vst v63  }
0xe0: {  	_ =	swait.ge [sflag:s12], $0x4000  }
0xe1: {  	[sflag:s12] =	ssyncset.done $0x0  }
0xe2: {  	[sflag:s12] =	ssyncadd.s32 $0xFFFFC000  }
0xe3: {  	_ =	swait.ge [sflag:s16], $0x4000  }
0xe4: {  	[sflag:s16] =	ssyncset.done $0x0  }
0xe5: {  	s6 =	rddreg [dreg:$0x7];
	[sflag:s16] =	ssyncadd.s32 $0xFFFFC000  }
0xe6: {  	[tilespmem:s17], [sflag:$0x2] =	stream.indirect.gather [hbm4b:s4+s14], $0x80, s6, s14, $0xb8;
	[tilespmem:$0x1D000] =	vst v63  }
0xe7: {  	s11 =	rddreg [dreg:$0x8]  }
0xe8: {  	[spmem:s1] =	stream.indirect.scatter.add.f32 [tilespmem:s15], [sflag:$0x3], $0x80, s11, s14, $0xb8;
	[tilespmem:$0x1D000] =	vst v63  }
0xe9: {  	_ =	swait.ge [sflag:s12], $0x4000  }
0xea: {  	[sflag:s12] =	ssyncset.done $0x0  }
0xeb: {  	[sflag:s12] =	ssyncadd.s32 $0xFFFFC000  }
0xec: {  	_ =	swait.ge [sflag:s18], $0x4000  }
0xed: {  	[sflag:s18] =	ssyncset.done $0x0  }
0xee: {  	s6 =	rddreg [dreg:$0x9];
	[sflag:s18] =	ssyncadd.s32 $0xFFFFC000  }
0xef: {  	[tilespmem:s15], [sflag:$0x1] =	stream.indirect.gather [hbm4b:s4+s14], $0x80, s6, s14, $0xb8;
	[tilespmem:$0x1D000] =	vst v63  }
0xf0: {  	s11 =	rddreg [dreg:$0xa]  }
0xf1: {  	[spmem:s1] =	stream.indirect.scatter.add.f32 [tilespmem:s17], [sflag:$0x3], $0x80, s11, s14, $0xb8;
	[tilespmem:$0x1D000] =	vst v63  }
0xf2: {  	_ =	swait.ge [sflag:s12], $0x4000  }
0xf3: {  	[sflag:s12] =	ssyncset.done $0x0  }
0xf4: {  	[sflag:s12] =	ssyncadd.s32 $0xFFFFC000  }
0xf5: {  	_ =	swait.ge [sflag:s16], $0x4000  }
0xf6: {  	[sflag:s16] =	ssyncset.done $0x0  }
0xf7: {  	s6 =	rddreg [dreg:$0xb];
	[sflag:s16] =	ssyncadd.s32 $0xFFFFC000  }
0xf8: {  	[tilespmem:s17], [sflag:$0x2] =	stream.indirect.gather [hbm4b:s4+s14], $0x80, s6, s14, $0xb8;
	[tilespmem:$0x1D000] =	vst v63  }
0xf9: {  	s11 =	rddreg [dreg:$0xc]  }
0xfa: {  	[spmem:s1] =	stream.indirect.scatter.add.f32 [tilespmem:s15], [sflag:$0x3], $0x80, s11, s14, $0xb8;
	[tilespmem:$0x1D000] =	vst v63  }
0xfb: {  	_ =	swait.ge [sflag:s12], $0x4000  }
0xfc: {  	[sflag:s12] =	ssyncset.done $0x0  }
0xfd: {  	[sflag:s12] =	ssyncadd.s32 $0xFFFFC000  }
0xfe: {  	_ =	swait.ge [sflag:s18], $0x4000  }
0xff: {  	[sflag:s18] =	ssyncset.done $0x0  }
0x100: {  	s6 =	rddreg [dreg:$0xd];
	[sflag:s18] =	ssyncadd.s32 $0xFFFFC000  }
0x101: {  	[tilespmem:s15], [sflag:$0x1] =	stream.indirect.gather [hbm4b:s4+s14], $0x80, s6, s14, $0xb8;
	[tilespmem:$0x1D000] =	vst v63  }
0x102: {  	s11 =	rddreg [dreg:$0xe]  }
0x103: {  	[spmem:s1] =	stream.indirect.scatter.add.f32 [tilespmem:s17], [sflag:$0x3], $0x80, s11, s14, $0xb8;
	[tilespmem:$0x1D000] =	vst v63  }
0x104: {  	_ =	swait.ge [sflag:s12], $0x4000  }
0x105: {  	[sflag:s12] =	ssyncset.done $0x0  }
0x106: {  	[sflag:s12] =	ssyncadd.s32 $0xFFFFC000  }
0x107: {  	_ =	swait.ge [sflag:s16], $0x4000  }
0x108: {  	[sflag:s16] =	ssyncset.done $0x0  }
0x109: {  	s6 =	rddreg [dreg:$0xf];
	[sflag:s16] =	ssyncadd.s32 $0xFFFFC000  }
0x10a: {  	[tilespmem:s17], [sflag:$0x2] =	stream.indirect.gather [hbm4b:s4+s14], $0x80, s6, s14, $0xb8;
	[tilespmem:$0x1D000] =	vst v63  }
0x10b: {  	s11 =	rddreg [dreg:$0x10]  }
0x10c: {  	[spmem:s1] =	stream.indirect.scatter.add.f32 [tilespmem:s15], [sflag:$0x3], $0x80, s11, s14, $0xb8;
	[tilespmem:$0x1D000] =	vst v63  }
0x10d: {  	_ =	swait.ge [sflag:s12], $0x4000  }
0x10e: {  	[sflag:s12] =	ssyncset.done $0x0  }
0x10f: {  	[sflag:s12] =	ssyncadd.s32 $0xFFFFC000  }
0x110: {  	_ =	swait.ge [sflag:s18], $0x4000  }
0x111: {  	[sflag:s18] =	ssyncset.done $0x0  }
0x112: {  	s6 =	rddreg [dreg:$0x11];
	[sflag:s18] =	ssyncadd.s32 $0xFFFFC000  }
0x113: {  	[tilespmem:s15], [sflag:$0x1] =	stream.indirect.gather [hbm4b:s4+s14], $0x80, s6, s14, $0xb8;
	[tilespmem:$0x1D000] =	vst v63  }
0x114: {  	s11 =	rddreg [dreg:$0x12]  }
0x115: {  	[spmem:s1] =	stream.indirect.scatter.add.f32 [tilespmem:s17], [sflag:$0x3], $0x80, s11, s14, $0xb8;
	[tilespmem:$0x1D000] =	vst v63  }
0x116: {  	_ =	swait.ge [sflag:s12], $0x4000  }
0x117: {  	[sflag:s12] =	ssyncset.done $0x0  }
0x118: {  	[sflag:s12] =	ssyncadd.s32 $0xFFFFC000  }
0x119: {  	_ =	swait.ge [sflag:s16], $0x4000  }
0x11a: {  	[sflag:s16] =	ssyncset.done $0x0  }
0x11b: {  	s11 =	rddreg [dreg:$0x13];
	[sflag:s16] =	ssyncadd.s32 $0xFFFFC000  }
0x11c: {  	[tilespmem:s17], [sflag:$0x2] =	stream.indirect.gather [hbm4b:s4+s14], $0x80, s11, s14, $0xb8;
	[tilespmem:$0x1D000] =	vst v63  }
0x11d: {  	_ = 	snop  }
0x11e: {  	[spmem:s1] =	stream.indirect.scatter.add.f32 [tilespmem:s15], [sflag:$0x3], $0x80, s19, s14, $0xb8;
	[tilespmem:$0x1D000] =	vst v63  }
0x11f: {  	_ =	swait.ge [sflag:s12], $0x4000  }
0x120: {  	[sflag:s12] =	ssyncset.done $0x0  }
0x121: {  	[sflag:s12] =	ssyncadd.s32 $0xFFFFC000  }
0x122: {  	_ =	swait.ge [sflag:s18], $0x4000  }
0x123: {  	[sflag:s18] =	ssyncset.done $0x0  }
0x124: {  	[sflag:s18] =	ssyncadd.s32 $0xFFFFC000  }
0x125: {  	[tilespmem:s15], [sflag:$0x1] =	stream.indirect.gather [hbm4b:s4+s14], $0x80, s20, s14, $0xb8;
	[tilespmem:$0x1D000] =	vst v63  }
0x126: {  	_ = 	snop  }
0x127: {  	[spmem:s1] =	stream.indirect.scatter.add.f32 [tilespmem:s17], [sflag:$0x3], $0x80, s21, s14, $0xb8;
	[tilespmem:$0x1D000] =	vst v63  }
0x128: {  	_ =	swait.ge [sflag:s12], $0x4000  }
0x129: {  	[sflag:s12] =	ssyncset.done $0x0  }
0x12a: {  	[sflag:s12] =	ssyncadd.s32 $0xFFFFC000  }
0x12b: {  	_ =	swait.ge [sflag:s16], $0x4000  }
0x12c: {  	[sflag:s16] =	ssyncset.done $0x0  }
0x12d: {  	[sflag:s16] =	ssyncadd.s32 $0xFFFFC000  }
0x12e: {  	[tilespmem:s17], [sflag:$0x2] =	stream.indirect.gather [hbm4b:s4+s14], $0x80, s22, s14, $0xb8;
	[tilespmem:$0x1D000] =	vst v63  }
0x12f: {  	_ = 	snop  }
0x130: {  	[spmem:s1] =	stream.indirect.scatter.add.f32 [tilespmem:s15], [sflag:$0x3], $0x80, s23, s14, $0xb8;
	[tilespmem:$0x1D000] =	vst v63  }
0x131: {  	_ =	swait.ge [sflag:s12], $0x4000  }
0x132: {  	[sflag:s12] =	ssyncset.done $0x0  }
0x133: {  	[sflag:s12] =	ssyncadd.s32 $0xFFFFC000  }
0x134: {  	_ =	swait.ge [sflag:s18], $0x4000  }
0x135: {  	[sflag:s18] =	ssyncset.done $0x0  }
0x136: {  	[sflag:s18] =	ssyncadd.s32 $0xFFFFC000  }
0x137: {  	[tilespmem:s15], [sflag:$0x1] =	stream.indirect.gather [hbm4b:s4+s14], $0x80, s24, s14, $0xb8;
	[tilespmem:$0x1D000] =	vst v63  }
0x138: {  	_ = 	snop  }
0x139: {  	[spmem:s1] =	stream.indirect.scatter.add.f32 [tilespmem:s17], [sflag:$0x3], $0x80, s25, s14, $0xb8;
	[tilespmem:$0x1D000] =	vst v63  }
0x13a: {  	_ =	swait.ge [sflag:s12], $0x4000  }
0x13b: {  	[sflag:s12] =	ssyncset.done $0x0  }
0x13c: {  	[sflag:s12] =	ssyncadd.s32 $0xFFFFC000  }
0x13d: {  	_ =	swait.ge [sflag:s16], $0x4000  }
0x13e: {  	[sflag:s16] =	ssyncset.done $0x0  }
0x13f: {  	[sflag:s16] =	ssyncadd.s32 $0xFFFFC000  }
0x140: {  	[tilespmem:s17], [sflag:$0x2] =	stream.indirect.gather [hbm4b:s4+s14], $0x80, s26, s14, $0xb8;
	[tilespmem:$0x1D000] =	vst v63  }
0x141: {  	_ = 	snop  }
0x142: {  	[spmem:s1] =	stream.indirect.scatter.add.f32 [tilespmem:s15], [sflag:$0x3], $0x80, s28, s14, $0xb8;
	[tilespmem:$0x1D000] =	vst v63  }
0x143: {  	_ =	swait.ge [sflag:s12], $0x4000  }
0x144: {  	[sflag:s12] =	ssyncset.done $0x0  }
0x145: {  	[sflag:s12] =	ssyncadd.s32 $0xFFFFC000  }
0x146: {  	_ =	swait.ge [sflag:s18], $0x4000  }
0x147: {  	[sflag:s18] =	ssyncset.done $0x0  }
0x148: {  	[sflag:s18] =	ssyncadd.s32 $0xFFFFC000  }
0x149: {  	[tilespmem:s15], [sflag:$0x1] =	stream.indirect.gather [hbm4b:s4+s14], $0x80, s29, s14, $0xb8;
	[tilespmem:$0x1D000] =	vst v63  }
0x14a: {  	_ = 	snop  }
0x14b: {  	[spmem:s1] =	stream.indirect.scatter.add.f32 [tilespmem:s17], [sflag:$0x3], $0x80, s30, s14, $0xb8;
	[tilespmem:$0x1D000] =	vst v63  }
0x14c: {  	_ =	swait.ge [sflag:s12], $0x4000  }
0x14d: {  	[sflag:s12] =	ssyncset.done $0x0  }
0x14e: {  	[sflag:s12] =	ssyncadd.s32 $0xFFFFC000  }
0x14f: {  	_ =	swait.ge [sflag:s16], $0x4000  }
0x150: {  	[sflag:s16] =	ssyncset.done $0x0  }
0x151: {  	[sflag:s16] =	ssyncadd.s32 $0xFFFFC000  }
0x152: {  	[tilespmem:s17], [sflag:$0x2] =	stream.indirect.gather [hbm4b:s4+s14], $0x80, s31, s14, $0xb8;
	[tilespmem:$0x1D000] =	vst v63  }
0x153: {  	_ = 	snop  }
0x154: {  	[spmem:s1] =	stream.indirect.scatter.add.f32 [tilespmem:s15], [sflag:$0x3], $0x80, s0, s14, $0xb8;
	[tilespmem:$0x1D000] =	vst v63  }
0x155: {  	_ =	swait.ge [sflag:s12], $0x4000  }
0x156: {  	[sflag:s12] =	ssyncset.done $0x0  }
0x157: {  	[sflag:s12] =	ssyncadd.s32 $0xFFFFC000  }
0x158: {  	p1 =	sne.s32 s9, $0x1;
	_ =	swait.ge [sflag:s18], $0x4000  }
.Ltmp2:
0x159: {  	[sflag:s18] =	ssyncset.done $0x0;
	(pc) =	sbr.rel @p1 .LBB2_5-.Ltmp2, $4  }
0x15a: {  	[sflag:s18] =	ssyncadd.s32 $0xFFFFC000  }
0x15b: {  	[spmem:s1] =	stream.indirect.scatter.add.f32 [tilespmem:s17], [sflag:$0x3], $0x80, s2, s14, $0xb8;
	[tilespmem:$0x1D000] =	vst v63  }
0x15c: {  	_ =	swait.ge [sflag:s12], $0x4000  }
0x15d: {  	s9 =	sadd.s32 $0xFFFFFFFF, s9;
	s6 =	rddreg [dreg:$0x3];
	[sflag:s12] =	ssyncset.done $0x0  }
0x15e: {  	s11 =	rddreg [dreg:$0x18]  }
.LBB2_7:
0x15f: {  	s9 =	sadd.s32 @p0 $0x800, s10;
	s10 =	smov.u32 s8  }
0x160: {  	s10 =	smov.u32 @p0 s9  }
0x161: {  	s9 =	sshrl.u32 s10, $0x3  }
0x162: {  	[sflag:s12] =	ssyncadd.s32 @p0 $0xFFFFC000;
	s6 =	sadd.s32 s6, s9  }
0x163: {  	[tilespmem:s3], [sflag:$0x3] =	stream.linear.gather [hbm4b:s6+s3], $0x800, $0x38;
	[tilespmem:$0x1D000] =	vst v63  }
0x164: {  	_ =	swait.ge [sflag:s12], $0x800  }
0x165: {  	s10 =	rddreg [dreg:$0x4];
	[sflag:s12] =	ssyncset.done $0x0  }
0x166: {  	[sflag:s12] =	ssyncadd.s32 $0xFFFFF800;
	s6 =	sadd.s32 s10, s9  }
0x167: {  	[tilespmem:s13], [sflag:$0x3] =	stream.linear.gather [hbm4b:s6+s3], $0x800, $0x38;
	[tilespmem:$0x1D000] =	vst v63  }
0x168: {  	_ =	swait.ge [sflag:s12], $0x800  }
0x169: {  	[sflag:s12] =	ssyncset.done $0x0  }
0x16a: {  	[sflag:s12] =	ssyncadd.s32 $0xFFFFF800  }
0x16b: {  	[tilespmem:s15], [sflag:$0x1] =	stream.indirect.gather [hbm4b:s4+s14], $0x80, s3, s14, $0xb8;
	[tilespmem:$0x1D000] =	vst v63  }
0x16c: {  	_ =	swait.ge [sflag:s16], $0x4000  }
0x16d: {  	[sflag:s16] =	ssyncset.done $0x0  }
0x16e: {  	[sflag:s16] =	ssyncadd.s32 $0xFFFFC000  }
0x16f: {  	[tilespmem:s17], [sflag:$0x2] =	stream.indirect.gather [hbm4b:s4+s14], $0x80, s14, s14, $0xb8;
	[tilespmem:$0x1D000] =	vst v63  }
0x170: {  	_ = 	snop  }
0x171: {  	[spmem:s1] =	stream.indirect.scatter.add.f32 [tilespmem:s15], [sflag:$0x3], $0x80, s13, s14, $0xb8;
	[tilespmem:$0x1D000] =	vst v63  }
0x172: {  	_ =	swait.ge [sflag:s12], $0x4000  }
0x173: {  	[sflag:s12] =	ssyncset.done $0x0  }
0x174: {  	[sflag:s12] =	ssyncadd.s32 $0xFFFFC000  }
0x175: {  	_ =	swait.ge [sflag:s18], $0x4000  }
0x176: {  	[sflag:s18] =	ssyncset.done $0x0  }
0x177: {  	s9 =	rddreg [dreg:$0x5];
	[sflag:s18] =	ssyncadd.s32 $0xFFFFC000  }
0x178: {  	[tilespmem:s15], [sflag:$0x1] =	stream.indirect.gather [hbm4b:s4+s14], $0x80, s9, s14, $0xb8;
	[tilespmem:$0x1D000] =	vst v63  }
0x179: {  	s10 =	rddreg [dreg:$0x6]  }
0x17a: {  	[spmem:s1] =	stream.indirect.scatter.add.f32 [tilespmem:s17], [sflag:$0x3], $0x80, s10, s14, $0xb8;
	[tilespmem:$0x1D000] =	vst v63  }
0x17b: {  	_ =	swait.ge [sflag:s12], $0x4000  }
0x17c: {  	[sflag:s12] =	ssyncset.done $0x0  }
0x17d: {  	[sflag:s12] =	ssyncadd.s32 $0xFFFFC000  }
0x17e: {  	_ =	swait.ge [sflag:s16], $0x4000  }
0x17f: {  	[sflag:s16] =	ssyncset.done $0x0  }
0x180: {  	s9 =	rddreg [dreg:$0x7];
	[sflag:s16] =	ssyncadd.s32 $0xFFFFC000  }
0x181: {  	[tilespmem:s17], [sflag:$0x2] =	stream.indirect.gather [hbm4b:s4+s14], $0x80, s9, s14, $0xb8;
	[tilespmem:$0x1D000] =	vst v63  }
0x182: {  	s10 =	rddreg [dreg:$0x8]  }
0x183: {  	[spmem:s1] =	stream.indirect.scatter.add.f32 [tilespmem:s15], [sflag:$0x3], $0x80, s10, s14, $0xb8;
	[tilespmem:$0x1D000] =	vst v63  }
0x184: {  	_ =	swait.ge [sflag:s12], $0x4000  }
0x185: {  	[sflag:s12] =	ssyncset.done $0x0  }
0x186: {  	[sflag:s12] =	ssyncadd.s32 $0xFFFFC000  }
0x187: {  	_ =	swait.ge [sflag:s18], $0x4000  }
0x188: {  	[sflag:s18] =	ssyncset.done $0x0  }
0x189: {  	s9 =	rddreg [dreg:$0x9];
	[sflag:s18] =	ssyncadd.s32 $0xFFFFC000  }
0x18a: {  	[tilespmem:s15], [sflag:$0x1] =	stream.indirect.gather [hbm4b:s4+s14], $0x80, s9, s14, $0xb8;
	[tilespmem:$0x1D000] =	vst v63  }
0x18b: {  	s10 =	rddreg [dreg:$0xa]  }
0x18c: {  	[spmem:s1] =	stream.indirect.scatter.add.f32 [tilespmem:s17], [sflag:$0x3], $0x80, s10, s14, $0xb8;
	[tilespmem:$0x1D000] =	vst v63  }
0x18d: {  	_ =	swait.ge [sflag:s12], $0x4000  }
0x18e: {  	[sflag:s12] =	ssyncset.done $0x0  }
0x18f: {  	[sflag:s12] =	ssyncadd.s32 $0xFFFFC000  }
0x190: {  	_ =	swait.ge [sflag:s16], $0x4000  }
0x191: {  	[sflag:s16] =	ssyncset.done $0x0  }
0x192: {  	s9 =	rddreg [dreg:$0xb];
	[sflag:s16] =	ssyncadd.s32 $0xFFFFC000  }
0x193: {  	[tilespmem:s17], [sflag:$0x2] =	stream.indirect.gather [hbm4b:s4+s14], $0x80, s9, s14, $0xb8;
	[tilespmem:$0x1D000] =	vst v63  }
0x194: {  	s10 =	rddreg [dreg:$0xc]  }
0x195: {  	[spmem:s1] =	stream.indirect.scatter.add.f32 [tilespmem:s15], [sflag:$0x3], $0x80, s10, s14, $0xb8;
	[tilespmem:$0x1D000] =	vst v63  }
0x196: {  	_ =	swait.ge [sflag:s12], $0x4000  }
0x197: {  	[sflag:s12] =	ssyncset.done $0x0  }
0x198: {  	[sflag:s12] =	ssyncadd.s32 $0xFFFFC000  }
0x199: {  	_ =	swait.ge [sflag:s18], $0x4000  }
0x19a: {  	[sflag:s18] =	ssyncset.done $0x0  }
0x19b: {  	s9 =	rddreg [dreg:$0xd];
	[sflag:s18] =	ssyncadd.s32 $0xFFFFC000  }
0x19c: {  	[tilespmem:s15], [sflag:$0x1] =	stream.indirect.gather [hbm4b:s4+s14], $0x80, s9, s14, $0xb8;
	[tilespmem:$0x1D000] =	vst v63  }
0x19d: {  	s10 =	rddreg [dreg:$0xe]  }
0x19e: {  	[spmem:s1] =	stream.indirect.scatter.add.f32 [tilespmem:s17], [sflag:$0x3], $0x80, s10, s14, $0xb8;
	[tilespmem:$0x1D000] =	vst v63  }
0x19f: {  	_ =	swait.ge [sflag:s12], $0x4000  }
0x1a0: {  	[sflag:s12] =	ssyncset.done $0x0  }
0x1a1: {  	[sflag:s12] =	ssyncadd.s32 $0xFFFFC000  }
0x1a2: {  	_ =	swait.ge [sflag:s16], $0x4000  }
0x1a3: {  	[sflag:s16] =	ssyncset.done $0x0  }
0x1a4: {  	s9 =	rddreg [dreg:$0xf];
	[sflag:s16] =	ssyncadd.s32 $0xFFFFC000  }
0x1a5: {  	[tilespmem:s17], [sflag:$0x2] =	stream.indirect.gather [hbm4b:s4+s14], $0x80, s9, s14, $0xb8;
	[tilespmem:$0x1D000] =	vst v63  }
0x1a6: {  	s10 =	rddreg [dreg:$0x10]  }
0x1a7: {  	[spmem:s1] =	stream.indirect.scatter.add.f32 [tilespmem:s15], [sflag:$0x3], $0x80, s10, s14, $0xb8;
	[tilespmem:$0x1D000] =	vst v63  }
0x1a8: {  	_ =	swait.ge [sflag:s12], $0x4000  }
0x1a9: {  	[sflag:s12] =	ssyncset.done $0x0  }
0x1aa: {  	[sflag:s12] =	ssyncadd.s32 $0xFFFFC000  }
0x1ab: {  	_ =	swait.ge [sflag:s18], $0x4000  }
0x1ac: {  	[sflag:s18] =	ssyncset.done $0x0  }
0x1ad: {  	s9 =	rddreg [dreg:$0x11];
	[sflag:s18] =	ssyncadd.s32 $0xFFFFC000  }
0x1ae: {  	[tilespmem:s15], [sflag:$0x1] =	stream.indirect.gather [hbm4b:s4+s14], $0x80, s9, s14, $0xb8;
	[tilespmem:$0x1D000] =	vst v63  }
0x1af: {  	s10 =	rddreg [dreg:$0x12]  }
0x1b0: {  	[spmem:s1] =	stream.indirect.scatter.add.f32 [tilespmem:s17], [sflag:$0x3], $0x80, s10, s14, $0xb8;
	[tilespmem:$0x1D000] =	vst v63  }
0x1b1: {  	_ =	swait.ge [sflag:s12], $0x4000  }
0x1b2: {  	[sflag:s12] =	ssyncset.done $0x0  }
0x1b3: {  	[sflag:s12] =	ssyncadd.s32 $0xFFFFC000  }
0x1b4: {  	_ =	swait.ge [sflag:s16], $0x4000  }
0x1b5: {  	[sflag:s16] =	ssyncset.done $0x0  }
0x1b6: {  	s10 =	rddreg [dreg:$0x13];
	[sflag:s16] =	ssyncadd.s32 $0xFFFFC000  }
0x1b7: {  	[tilespmem:s17], [sflag:$0x2] =	stream.indirect.gather [hbm4b:s4+s14], $0x80, s10, s14, $0xb8;
	[tilespmem:$0x1D000] =	vst v63  }
0x1b8: {  	_ = 	snop  }
0x1b9: {  	[spmem:s1] =	stream.indirect.scatter.add.f32 [tilespmem:s15], [sflag:$0x3], $0x80, s19, s14, $0xb8;
	[tilespmem:$0x1D000] =	vst v63  }
0x1ba: {  	_ =	swait.ge [sflag:s12], $0x4000  }
0x1bb: {  	[sflag:s12] =	ssyncset.done $0x0  }
0x1bc: {  	[sflag:s12] =	ssyncadd.s32 $0xFFFFC000  }
0x1bd: {  	_ =	swait.ge [sflag:s18], $0x4000  }
0x1be: {  	[sflag:s18] =	ssyncset.done $0x0  }
0x1bf: {  	[sflag:s18] =	ssyncadd.s32 $0xFFFFC000  }
0x1c0: {  	[tilespmem:s15], [sflag:$0x1] =	stream.indirect.gather [hbm4b:s4+s14], $0x80, s20, s14, $0xb8;
	[tilespmem:$0x1D000] =	vst v63  }
0x1c1: {  	_ = 	snop  }
0x1c2: {  	[spmem:s1] =	stream.indirect.scatter.add.f32 [tilespmem:s17], [sflag:$0x3], $0x80, s21, s14, $0xb8;
	[tilespmem:$0x1D000] =	vst v63  }
0x1c3: {  	_ =	swait.ge [sflag:s12], $0x4000  }
0x1c4: {  	[sflag:s12] =	ssyncset.done $0x0  }
0x1c5: {  	[sflag:s12] =	ssyncadd.s32 $0xFFFFC000  }
0x1c6: {  	_ =	swait.ge [sflag:s16], $0x4000  }
0x1c7: {  	[sflag:s16] =	ssyncset.done $0x0  }
0x1c8: {  	[sflag:s16] =	ssyncadd.s32 $0xFFFFC000  }
0x1c9: {  	[tilespmem:s17], [sflag:$0x2] =	stream.indirect.gather [hbm4b:s4+s14], $0x80, s22, s14, $0xb8;
	[tilespmem:$0x1D000] =	vst v63  }
0x1ca: {  	_ = 	snop  }
0x1cb: {  	[spmem:s1] =	stream.indirect.scatter.add.f32 [tilespmem:s15], [sflag:$0x3], $0x80, s23, s14, $0xb8;
	[tilespmem:$0x1D000] =	vst v63  }
0x1cc: {  	_ =	swait.ge [sflag:s12], $0x4000  }
0x1cd: {  	[sflag:s12] =	ssyncset.done $0x0  }
0x1ce: {  	[sflag:s12] =	ssyncadd.s32 $0xFFFFC000  }
0x1cf: {  	_ =	swait.ge [sflag:s18], $0x4000  }
0x1d0: {  	[sflag:s18] =	ssyncset.done $0x0  }
0x1d1: {  	[sflag:s18] =	ssyncadd.s32 $0xFFFFC000  }
0x1d2: {  	[tilespmem:s15], [sflag:$0x1] =	stream.indirect.gather [hbm4b:s4+s14], $0x80, s24, s14, $0xb8;
	[tilespmem:$0x1D000] =	vst v63  }
0x1d3: {  	_ = 	snop  }
0x1d4: {  	[spmem:s1] =	stream.indirect.scatter.add.f32 [tilespmem:s17], [sflag:$0x3], $0x80, s25, s14, $0xb8;
	[tilespmem:$0x1D000] =	vst v63  }
0x1d5: {  	_ =	swait.ge [sflag:s12], $0x4000  }
0x1d6: {  	[sflag:s12] =	ssyncset.done $0x0  }
0x1d7: {  	[sflag:s12] =	ssyncadd.s32 $0xFFFFC000  }
0x1d8: {  	_ =	swait.ge [sflag:s16], $0x4000  }
0x1d9: {  	[sflag:s16] =	ssyncset.done $0x0  }
0x1da: {  	[sflag:s16] =	ssyncadd.s32 $0xFFFFC000  }
0x1db: {  	[tilespmem:s17], [sflag:$0x2] =	stream.indirect.gather [hbm4b:s4+s14], $0x80, s26, s14, $0xb8;
	[tilespmem:$0x1D000] =	vst v63  }
0x1dc: {  	_ = 	snop  }
0x1dd: {  	[spmem:s1] =	stream.indirect.scatter.add.f32 [tilespmem:s15], [sflag:$0x3], $0x80, s28, s14, $0xb8;
	[tilespmem:$0x1D000] =	vst v63  }
0x1de: {  	_ =	swait.ge [sflag:s12], $0x4000  }
0x1df: {  	[sflag:s12] =	ssyncset.done $0x0  }
0x1e0: {  	[sflag:s12] =	ssyncadd.s32 $0xFFFFC000  }
0x1e1: {  	_ =	swait.ge [sflag:s18], $0x4000  }
0x1e2: {  	[sflag:s18] =	ssyncset.done $0x0  }
0x1e3: {  	[sflag:s18] =	ssyncadd.s32 $0xFFFFC000  }
0x1e4: {  	[tilespmem:s15], [sflag:$0x1] =	stream.indirect.gather [hbm4b:s4+s14], $0x80, s29, s14, $0xb8;
	[tilespmem:$0x1D000] =	vst v63  }
0x1e5: {  	_ = 	snop  }
0x1e6: {  	[spmem:s1] =	stream.indirect.scatter.add.f32 [tilespmem:s17], [sflag:$0x3], $0x80, s30, s14, $0xb8;
	[tilespmem:$0x1D000] =	vst v63  }
0x1e7: {  	_ =	swait.ge [sflag:s12], $0x4000  }
0x1e8: {  	[sflag:s12] =	ssyncset.done $0x0  }
0x1e9: {  	[sflag:s12] =	ssyncadd.s32 $0xFFFFC000  }
0x1ea: {  	_ =	swait.ge [sflag:s16], $0x4000  }
0x1eb: {  	[sflag:s16] =	ssyncset.done $0x0  }
0x1ec: {  	[sflag:s16] =	ssyncadd.s32 $0xFFFFC000  }
0x1ed: {  	[tilespmem:s17], [sflag:$0x2] =	stream.indirect.gather [hbm4b:s4+s14], $0x80, s31, s14, $0xb8;
	[tilespmem:$0x1D000] =	vst v63  }
0x1ee: {  	_ = 	snop  }
0x1ef: {  	[spmem:s1] =	stream.indirect.scatter.add.f32 [tilespmem:s15], [sflag:$0x3], $0x80, s0, s14, $0xb8;
	[tilespmem:$0x1D000] =	vst v63  }
0x1f0: {  	_ =	swait.ge [sflag:s12], $0x4000  }
0x1f1: {  	[sflag:s12] =	ssyncset.done $0x0  }
0x1f2: {  	[sflag:s12] =	ssyncadd.s32 $0xFFFFC000  }
0x1f3: {  	_ =	swait.ge [sflag:s18], $0x4000  }
0x1f4: {  	[sflag:s18] =	ssyncset.done $0x0  }
0x1f5: {  	[sflag:s18] =	ssyncadd.s32 $0xFFFFC000  }
0x1f6: {  	[spmem:s1] =	stream.indirect.scatter.add.f32 [tilespmem:s17], [sflag:$0x3], $0x80, s2, s14, $0xb8;
	[tilespmem:$0x1D000] =	vst v63  }
0x1f7: {  	_ =	swait.ge [sflag:s12], $0x4000  }
0x1f8: {  	[sflag:s12] =	ssyncset.done $0x0  }
0x1f9: {  	[sflag:s12] =	ssyncadd.s32 $0xFFFFC000  }
0x1fa: {  	[bflag:$0x0] =	sbarrier.arrive $0xFFFF  }
0x1fb: {  	s9 =	rddreg [dreg:$0x16]  }
0x1fc: {  	[hbm:s9], [sflag:s7] =	dma.local [spmem:s11], $0x2800  }
0x1fd: {  	_ =	swait.ge [sflag:s12], $0x2800  }
0x1fe: {  	s5 =	sadd.s32 $0x1, s5;
	s10 =	rddreg [dreg:$0x17]  }
0x1ff: {  	p0 =	sne.s32 s5, s10  }
.Ltmp3:
0x200: {  	_ = 	snop;
	(pc) =	sbr.rel @p0 .LBB2_1-.Ltmp3, $4  }
.Ltmp4:
0x201: {  	_ = 	snop;
	(pc) =	sbr.rel @!p0 .LBB2_8-.Ltmp4, $4  }
0x202: {  	_ = 	snop  }
0x203: {  	[sflag:s12] =	ssyncset.done $0x0  }
0x204: {  	[sflag:s12] =	ssyncadd.s32 $0xFFFFD800  }
0x205: {  	_ = 	snop  }
.LBB2_2:
.Ltmp5:
0x206: {  	(pc) =	sbr.rel .LBB2_7-.Ltmp5, $2  }
0x207: {  	_ =	sdelay $0x2  }
0x208: {  	s10 =	smov.u32 s8  }
.LBB2_4:
.Ltmp6:
0x209: {  	(pc) =	sbr.rel .LBB2_7-.Ltmp6, $2  }
0x20a: {  	_ =	sdelay $0x2  }
0x20b: {  	s10 =	smov.u32 s8;
	s11 =	rddreg [dreg:$0x18]  }
.LBB2_8:
0x20c: {  	_ =	sfence.sel $0x180000  }
0x20d: {  	[bflag:$0x0] =	sbarrier.arrive $0xFFFF  }
0x20e: {  	_ =	strace $0x9000004D  }
0x20f: {  	s0 =	stileid.u32;
	[bflag:$0x2] =	sbarrier.arrive $0xFFFF  }
0x210: {  	p0 =	sne.s32 s0, $0x0;
	s0 =	rddreg [dreg:$0x2]  }
0x211: {  	s0 =	sadd.s32 @!p0 $0x100000, s0  }
0x212: {  	[sflag:s0] =	ssyncadd.tile.s32 @!p0 $0x1;
	_ =	shalt  }
.Lfunc_end2:
_tile_overlayer_lowered:
.L_overlay_start_2:
0x213: {  	(tag) =	ssettag $0x2  }
0x214: {  	s0 =	rddreg [dreg:$0x0];
	s2 =	stileid.u32  }
0x215: {  	s1 =	rddreg [dreg:$0x1];
	p0 =	sne.s32 s2, $0x0  }
0x216: {  	s3 =	rddreg [dreg:$0x2];
	[bflag:$0x3] =	sbarrier.arrive $0xFFFF;
	s2 =	simm.s32 @!p0 $0x1C03  }
0x217: {  	[timem:s3], [sflag:s2] =	dma.local @!p0 [hbm:s0], s1  }
0x218: {  	s0 =	simm.s32 @!p0 $0x3  }
0x219: {  	_ =	swait.ge @!p0 [sflag:s0], s1  }
0x21a: {  	s1 =	ssub.s32 @!p0 $0x0, s1;
	[sflag:s0] =	ssyncset.done @!p0 $0x0  }
0x21b: {  	[sflag:s0] =	ssyncadd.s32 @!p0 s1  }
0x21c: {  	[bflag:$0x3] =	sbarrier.arrive $0xFFFF  }
0x21d: {  	_ =	shalt  }

// kernel: kernel.8.cloned.1.call-start
scs
__scs_entry_jumppad:
0x0: {  	(pc) =	sbr.rel $0x88, $3  }
0x1: {  	(tag) =	ssettag $0x0;
	lr =	simm.s32 $0x1  }
0x2: {  	[smem:$0x3F9B] =	sst lr;
	_ =	strace $0xD0000000  }
0x3: {  	_ = 	snop  }
0x4: {  	_ = 	snop  }
0x5: {  	_ = 	snop  }
0x6: {  	_ = 	snop  }
0x7: {  	_ = 	snop  }
__scs_overlays_trampoline_lowered:
0x8: {  	[smem:$0x3FAA] =	sst s0  }
0x9: {  	[smem:$0x3FAB] =	sst s1  }
0xa: {  	[smem:$0x3FAC] =	sst s2  }
0xb: {  	[smem:$0x3FAD] =	sst s3  }
0xc: {  	[smem:$0x3FAE] =	sst s4  }
0xd: {  	[smem:$0x3FAF] =	sst s5  }
0xe: {  	[smem:$0x3FB0] =	sst s6  }
0xf: {  	[smem:$0x3FB1] =	sst s7  }
0x10: {  	[smem:$0x3FB2] =	sst s8  }
0x11: {  	[smem:$0x3FB3] =	sst s9;
	s0 =	simm.s32 @!p0 $0x0  }
0x12: {  	s1 =	sld [smem:$0x3F99];
	s0 =	simm.s32 @p0 $0x1  }
0x13: {  	[smem:$0x3FB4] =	sst s0;
	s0 =	simm.s32 @!p1 $0x0  }
0x14: {  	s2 =	sld [smem:$0x3F98];
	s0 =	simm.s32 @p1 $0x1  }
0x15: {  	[smem:$0x3FB5] =	sst s0;
	s0 =	simm.s32 @!p2 $0x0  }
0x16: {  	s3 =	sld [smem:$0x3FDB];
	s0 =	simm.s32 @p2 $0x1  }
0x17: {  	s4 =	simm.s32 $0x1BF5;
	[smem:$0x3FB7] =	sst s0  }
0x18: {  	s0 =	sld [smem:$0x3F9A];
	_ =	swait.ge [sflag:s4], $0x0  }
0x19: {  	s7 =	sld [smem:$0x3F9B]  }
0x1a: {  	s8 =	sadd.s32 $0xFFFFE003, lr  }
0x1b: {  	s9 =	sadd.s32 $0xFFFFFEF7, lr;
	s5 =	simm.s32 $0xFFFFFFFF;
	p2 =	slt.u32 s8, $0xFFFFF086  }
0x1c: {  	p1 =	slt.u32 s9, $0xF7A;
	s5 =	simm.s32 @!p2 $0x0  }
0x1d: {  	s5 =	simm.s32 @p1 $0x1;
	p0 =	seq.s32 s7, s2  }
0x1e: {  	s7 =	smul.u32 @!p0 $0xF7A, s2;
	p2 =	seq.s32 @!p0 s5, $0x0  }
0x1f: {  	s9 =	smul.u32 $0xF7A, s1;
	s8 =	simm.s32 @!p0 $0x1BF5;
	p2 =	por !p2, p0  }
0x20: {  	[sflag:s8] =	ssyncset.s32 @!p0 $0xFFFFF086;
	s6 =	sadd.s32 @!p0 s3, s7;
	s7 =	simm.s32 @!p0 $0x108  }
0x21: {  	s3 =	sadd.s32 s3, s9;
	s6 =	sadd.s32 @!p0 $0x88, s6;
	s7 =	simm.s32 @p2 $0x1082  }
0x22: {  	[simem:s7], [sflag:s8] =	dma.local @!p0 [hbm:s6], $0xF7A  }
0x23: {  	s9 =	sor.u32 $0xD0000000, s2;
	s6 =	simm.s32 $0x108;
	_ =	swait.ge @!p0 [sflag:s8], $0x0  }
0x24: {  	s3 =	sadd.s32 $0x88, s3;
	s6 =	simm.s32 @!p1 $0x1082;
	[sflag:s4] =	ssyncset.s32 $0xFFFFF086  }
0x25: {  	[simem:s6], [sflag:s4] =	dma.local [hbm:s3], $0xF7A  }
0x26: {  	[smem:$0x3F9B] =	sst s1;
	(tag) =	ssettag s2;
	_ =	strace s9  }
0x27: {  	s1 =	sld [smem:$0x3FAB]  }
0x28: {  	s2 =	sld [smem:$0x3FAC]  }
0x29: {  	s4 =	sld [smem:$0x3FAE]  }
0x2a: {  	p0 =	seq.s32 s5, $0x0;
	s5 =	sld [smem:$0x3FAF]  }
0x2b: {  	s6 =	sld [smem:$0x3FB0]  }
0x2c: {  	s7 =	sld [smem:$0x3FB1]  }
0x2d: {  	s3 =	simm.s32 $0x108;
	s8 =	sld [smem:$0x3FB2]  }
0x2e: {  	s3 =	simm.s32 @!p0 $0x1082;
	s9 =	sld [smem:$0x3FB3]  }
0x2f: {  	lr =	sadd.s32 s0, s3;
	s0 =	sld [smem:$0x3FAA]  }
0x30: {  	s3 =	sld [smem:$0x3FAD]  }
0x31: {  	[smem:$0x3FB6] =	sst s10  }
0x32: {  	s10 =	sld [smem:$0x3FB4];
	_ =	sdelay $0x3  }
0x33: {  	p0 =	seq.s32 s10, $0x1;
	s10 =	sld [smem:$0x3FB6];
	_ =	sdelay $0x3  }
0x34: {  	[smem:$0x3FB6] =	sst s10  }
0x35: {  	s10 =	sld [smem:$0x3FB5];
	_ =	sdelay $0x3  }
0x36: {  	p1 =	seq.s32 s10, $0x1;
	s10 =	sld [smem:$0x3FB6];
	_ =	sdelay $0x3  }
0x37: {  	[smem:$0x3FB6] =	sst s10  }
0x38: {  	s10 =	sld [smem:$0x3FB7]  }
0x39: {  	_ = 	snop;
	(pc) =	sbr.ind lr, $3  }
0x3a: {  	_ = 	snop  }
0x3b: {  	_ = 	snop  }
0x3c: {  	p2 =	seq.s32 s10, $0x1;
	s10 =	sld [smem:$0x3FB6]  }
0x3d: {  	_ =	shalt  }
0x3e: {  	_ =	shalt  }
0x3f: {  	_ =	shalt  }
0x40: {  	_ =	shalt  }
0x41: {  	_ =	shalt  }
0x42: {  	_ =	shalt  }
0x43: {  	_ =	shalt  }
0x44: {  	_ =	shalt  }
0x45: {  	_ =	shalt  }
0x46: {  	_ =	shalt  }
0x47: {  	_ =	shalt  }
0x48: {  	_ =	shalt  }
0x49: {  	_ =	shalt  }
0x4a: {  	_ =	shalt  }
0x4b: {  	_ =	shalt  }
0x4c: {  	_ =	shalt  }
0x4d: {  	_ =	shalt  }
0x4e: {  	_ =	shalt  }
0x4f: {  	_ =	shalt  }
0x50: {  	_ =	shalt  }
0x51: {  	_ =	shalt  }
0x52: {  	_ =	shalt  }
0x53: {  	_ =	shalt  }
0x54: {  	_ =	shalt  }
0x55: {  	_ =	shalt  }
0x56: {  	_ =	shalt  }
0x57: {  	_ =	shalt  }
0x58: {  	_ =	shalt  }
0x59: {  	_ =	shalt  }
0x5a: {  	_ =	shalt  }
0x5b: {  	_ =	shalt  }
0x5c: {  	_ =	shalt  }
0x5d: {  	_ =	shalt  }
0x5e: {  	_ =	shalt  }
0x5f: {  	_ =	shalt  }
0x60: {  	_ =	shalt  }
0x61: {  	_ =	shalt  }
0x62: {  	_ =	shalt  }
0x63: {  	_ =	shalt  }
0x64: {  	_ =	shalt  }
0x65: {  	_ =	shalt  }
0x66: {  	_ =	shalt  }
0x67: {  	_ =	shalt  }
0x68: {  	_ =	shalt  }
0x69: {  	_ =	shalt  }
0x6a: {  	_ =	shalt  }
0x6b: {  	_ =	shalt  }
0x6c: {  	_ =	shalt  }
0x6d: {  	_ =	shalt  }
0x6e: {  	_ =	shalt  }
0x6f: {  	_ =	shalt  }
0x70: {  	_ =	shalt  }
0x71: {  	_ =	shalt  }
0x72: {  	_ =	shalt  }
0x73: {  	_ =	shalt  }
0x74: {  	_ =	shalt  }
0x75: {  	_ =	shalt  }
0x76: {  	_ =	shalt  }
0x77: {  	_ =	shalt  }
0x78: {  	_ =	shalt  }
0x79: {  	_ =	shalt  }
0x7a: {  	_ =	shalt  }
0x7b: {  	_ =	shalt  }
0x7c: {  	_ =	shalt  }
0x7d: {  	_ =	shalt  }
0x7e: {  	_ =	shalt  }
0x7f: {  	_ =	shalt  }
0x80: {  	_ =	shalt  }
0x81: {  	_ =	shalt  }
0x82: {  	_ =	shalt  }
0x83: {  	_ =	shalt  }
0x84: {  	_ =	shalt  }
0x85: {  	_ =	shalt  }
0x86: {  	_ =	shalt  }
0x87: {  	_ =	shalt  }
.Lfunc_end0:
.L_simem_size_0:
called_computation_lowered:
.L_overlay_start_0:
0x88: {  	s2 =	sld [smem:$0x3FD9]  }
0x89: {  	s3 =	sld [smem:$0x3FFE];
	_ =	sdelay $0x1  }
0x8a: {  	s1 =	srdreg.scid  }
0x8b: {  	s0 =	sand.u32 $0x1, s1  }
0x8c: {  	s17 =	sshll.u32 s0, $0xA;
	s2 =	sadd.s32 s3, s2  }
0x8d: {  	s2 =	sadd.s32 s2, s17  }
0x8e: {  	[smem:$0x3FC2] =	sst s2  }
0x8f: {  	_ = 	snop  }
0x90: {  	s2 =	sld [smem:$0x3FD0];
	(tm) =	ssettm $0x1  }
0x91: {  	s18 =	sld [smem:$0x3FFB];
	_ =	sdelay $0x3  }
0x92: {  	_ =	strace s18  }
0x93: {  	s3 =	sld [smem:$0x3FFC];
	_ =	sdelay $0x3  }
0x94: {  	_ =	strace s3  }
0x95: {  	s3 =	sld [smem:$0x3FFD];
	_ =	sdelay $0x3  }
0x96: {  	_ =	strace s3  }
0x97: {  	_ =	strace $0x8FFFFFFF  }
0x98: {  	s19 =	sld [smem:$0x3FDB];
	_ =	sdelay $0x1  }
0x99: {  	s4 =	simm.s32 $_scs_section_size  }
0x9a: {  	s5 =	simm.s32 $_size__tile_overlayer_lowered;
	s6 =	simm.s32 $_tile_overlayer_lowered  }
0x9b: {  	s22 =	simm.s32 $0x1BFF;
	s21 =	sshll.u32 s6, $0x1;
	s3 =	sadd.s32 s4, s19  }
0x9c: {  	s7 =	simm.s32 $0x0;
	s20 =	sshll.u32 s5, $0x1;
	s5 =	sadd.s32 s21, s3  }
0x9d: {  	[timem:s7], [sflag:s22] =	dma.local [hbm:s5], s20  }
0x9e: {  	_ =	swait.ge [sflag:s22], s20  }
0x9f: {  	s4 =	ssub.s32 $0x0, s20;
	[sflag:s22] =	ssyncset.done $0x0  }
0xa0: {  	[sflag:s22] =	ssyncadd.s32 s4;
	_ =	sdelay $0x1  }
0xa1: {  	s23 =	simm.s32 $0x1B8B  }
0xa2: {  	_ =	swait.ge [sflag:s23], $0x1  }
0xa3: {  	[sflag:s23] =	ssyncset.done $0x0  }
0xa4: {  	s25 =	simm.s32 $0x1B8E;
	s24 =	sld [smem:$0x3FFE];
	[sflag:s23] =	ssyncadd.s32 $0xFFFFFFFF  }
0xa5: {  	s26 =	simm.s32 $execute0_lowered;
	[smem:$0x3FD2] =	sst s25  }
0xa6: {  	s5 =	sshll.u32 s26, $0x1;
	_ =	strace $0x80000046;
	[dreg:$0x1] =	wrdreg $0xFFFFFFFF  }
0xa7: {  	s28 =	simm.s32 $_size_execute0_lowered;
	s3 =	sadd.s32 s3, s5;
	[dreg:$0x0] =	wrdreg $0x0  }
0xa8: {  	s5 =	sshll.u32 s28, $0x1;
	[dreg:$0x2] =	wrdreg s3  }
0xa9: {  	[dreg:$0x3] =	wrdreg s5  }
0xaa: {  	[dreg:$0x4] =	wrdreg $0xC0  }
0xab: {  	_ =	task [dreg:s7], $0x5FFFF  }
0xac: {  	[dreg:$0x1] =	wrdreg $0xFFFFFFFF  }
0xad: {  	[dreg:$0x0] =	wrdreg $0x60  }
0xae: {  	[dreg:$0x2] =	wrdreg s2  }
0xaf: {  	[dreg:$0x3] =	wrdreg s24  }
0xb0: {  	[dreg:$0x4] =	wrdreg $0x90000  }
0xb1: {  	[dreg:$0x5] =	wrdreg $0x9  }
0xb2: {  	_ =	task.clear_ibuf [dreg:s7], $0x6FFFF;
	_ =	strace $0x90000046  }
0xb3: {  	s29 =	simm.s32 $0x9;
	_ =	strace $0x80000048  }
0xb4: {  	_ =	swait.ge [sflag:s29], $0x1  }
0xb5: {  	[sflag:s29] =	ssyncadd.s32 $0xFFFFFFFF  }
0xb6: {  	_ =	strace $0x90000048  }
0xb7: {  	_ =	sfence  }
0xb8: {  	s30 =	sld [smem:$0x0];
	_ =	sdelay $0x2  }
0xb9: {  	s31 =	sshll.u32 s1, $0xD;
	s1 =	sshrl.u32 s1, $0x2  }
0xba: {  	s3 =	sand.u32 $0x4000, s31;
	s1 =	sadd.s32 s1, s30  }
0xbb: {  	s0 =	sor.u32 s3, s0;
	s1 =	sshll.u32 s1, $0x11  }
0xbc: {  	s0 =	sor.u32 s1, s0  }
0xbd: {  	s0 =	sadd.s32 $0x8F2B, s0  }
0xbe: {  	[sflag:s0] =	ssyncadd.remote.s32 $0x1  }
0xbf: {  	_ =	sfence.sel $0xFFFF  }
0xc0: {  	[dreg:$0x0] =	wrdreg $0xFFFFFFFF;
	(pc) =	sbr.abs _section_cstart, $3  }
0xc1: {  	[dreg:$0x1] =	wrdreg $0xFFFFFFFF  }
0xc2: {  	_ =	task.clear_ibuf [dreg:s7], $0x2FFFF;
	_ =	strace $0x9FFFFFFF  }
0xc3: {  	(tm) =	ssettm $0x7FFFFFFF  }
tec
execute0_lowered:
.L_overlay_start_1:
0x0: {  	(tag) =	ssettag $0x1  }
0x1: {  	s7 =	rddreg [dreg:$0x0]  }
0x2: {  	s6 =	rddreg [dreg:$0x1];
	s2 =	srdreg.scid  }
0x3: {  	s1 =	rddreg [dreg:$0x2];
	s5 =	sand.u32 $0x1, s2  }
0x4: {  	s2 =	stileid.u32;
	s8 =	smul.u32 $0x140000, s5  }
0x5: {  	s0 =	rddreg [dreg:$0x3];
	s3 =	simm.s32 $0x0;
	s9 =	smul.u32 $0x14000, s2  }
0x6: {  	s13 =	simm.s32 $0x80;
	s14 =	simm.s32 $0x0;
	s10 =	smul.u32 $0x50000, s2  }
0x7: {  	[smem:$0x7FF] =	sst s3;
	s4 =	sadd.s32 $0x2A00, s6;
	s28 =	smul.u32 $0x50000, s5  }
0x8: {  	_ =	strace $0x80000047;
	s11 =	ssub.s32 $0x2, s5;
	s12 =	smul.u32 $0x5000, s2  }
0x9: {  	s5 =	sadd.s32 $0x3200, s6;
	s31 =	sshll.u32 s2, $0x6;
	s29 =	sshrl.u32 s11, $0x1  }
0xa: {  	s8 =	sadd.s32 s9, s8;
	s11 =	ssub.s32 s11, s29;
	s30 =	sshrl.u32 s10, $0x2  }
0xb: {  	s9 =	sadd.s32 s12, s28;
	s12 =	simm.s32 $0x5000;
	s8 =	sshrl.u32 s8, $0x3  }
0xc: {  	s10 =	sadd.s32 s30, s1;
	s9 =	sshrl.u32 s9, $0x3;
	s8 =	sadd.s32 s8, s6  }
0xd: {  	s6 =	sor.u32 $0x1C01, s31;
	s7 =	sadd.s32 s7, s9;
	s9 =	smax.u32 s11, $0x1  }
0xe: {  	s10 =	sshrl.u32 s10, $0x3;
	s11 =	simm.s32 $0x1;
	s8 =	sadd.s32 $0x5A00, s8  }
.LBB2_1:
0xf: {  	[spmem:s10], [sflag:s6] =	dma.local [hbm:s5], $0x2800  }
0x10: {  	_ =	swait.ge [sflag:s11], $0x2800  }
0x11: {  	[sflag:s11] =	ssyncset.done $0x0  }
0x12: {  	[sflag:s11] =	ssyncadd.s32 $0xFFFFD800  }
0x13: {  	[tilespmem:s12], [sflag:$0x1] =	stream.linear.gather [hbm4b:s4+s3], $0x4000, $0x38;
	[tilespmem:$0x1D000] =	vst v63  }
0x14: {  	_ =	swait.ge [sflag:s11], $0x4000  }
0x15: {  	[sflag:s11] =	ssyncset.done $0x0  }
0x16: {  	[sflag:s11] =	ssyncadd.s32 $0xFFFFC000  }
0x17: {  	[tilespmem:s3], [sflag:$0x1] =	stream.linear.gather [hbm4b:s7+s3], $0x5000, $0x38;
	[tilespmem:$0x1D000] =	vst v63  }
0x18: {  	_ =	swait.ge [sflag:s11], $0x5000  }
0x19: {  	[sflag:s11] =	ssyncset.done $0x0  }
0x1a: {  	[sflag:s11] =	ssyncadd.s32 $0xFFFFB000  }
0x1b: {  	s15 =	simm.s32 $0x0;
	[bflag:$0x0] =	sbarrier.arrive $0xFFFF  }
0x1c: {  	[spmem:s1] =	stream.indirect.scatter.add.f32 [tilespmem:s12], [sflag:$0x1], $0x80, s15, s13, $0xb8;
	[tilespmem:$0x1D000] =	vst v63  }
0x1d: {  	_ =	swait.ge [sflag:s11], $0x4000  }
0x1e: {  	s15 =	simm.s32 $0x200;
	[sflag:s11] =	ssyncset.done $0x0  }
.LBB2_2:
0x1f: {  	s16 =	sshra.s32 s15, $0x2;
	[sflag:s11] =	ssyncadd.s32 $0xFFFFC000;
	p0 =	sne.s32 s15, $0x13E00  }
0x20: {  	[spmem:s1] =	stream.indirect.scatter.add.f32 [tilespmem:s12], [sflag:$0x1], $0x80, s16, s13, $0xb8;
	[tilespmem:$0x1D000] =	vst v63  }
.Ltmp0:
0x21: {  	_ = 	snop;
	(pc) =	sbr.rel @p0 .LBB2_2-.Ltmp0, $4  }
0x22: {  	_ = 	snop  }
0x23: {  	s15 =	sadd.s32 $0x200, s15  }
0x24: {  	_ =	swait.ge [sflag:s11], $0x4000  }
0x25: {  	[sflag:s11] =	ssyncset.done $0x0  }
0x26: {  	s14 =	sadd.s32 $0x1, s14  }
0x27: {  	[sflag:s11] =	ssyncadd.s32 $0xFFFFC000;
	p0 =	sne.s32 s14, s9  }
.Ltmp1:
0x28: {  	[bflag:$0x0] =	sbarrier.arrive $0xFFFF;
	(pc) =	sbr.rel @p0 .LBB2_1-.Ltmp1, $4  }
0x29: {  	[hbm:s8], [sflag:s6] =	dma.local [spmem:s10], $0x2800  }
0x2a: {  	_ =	swait.ge [sflag:s11], $0x2800  }
0x2b: {  	[sflag:s11] =	ssyncset.done $0x0  }
0x2c: {  	[sflag:s11] =	ssyncadd.s32 $0xFFFFD800  }
0x2d: {  	_ =	sfence.sel $0x180000  }
0x2e: {  	[bflag:$0x0] =	sbarrier.arrive $0xFFFF  }
0x2f: {  	p0 =	sne.s32 s2, $0x0;
	_ =	strace $0x90000047  }
0x30: {  	s0 =	sadd.s32 @!p0 $0x100000, s0;
	[bflag:$0x2] =	sbarrier.arrive $0xFFFF  }
0x31: {  	[sflag:s0] =	ssyncadd.tile.s32 @!p0 $0x1;
	_ =	shalt  }
.Lfunc_end2:
_tile_overlayer_lowered:
.L_overlay_start_2:
0x32: {  	(tag) =	ssettag $0x2  }
0x33: {  	s0 =	rddreg [dreg:$0x0];
	s2 =	stileid.u32  }
0x34: {  	s1 =	rddreg [dreg:$0x1];
	p0 =	sne.s32 s2, $0x0  }
0x35: {  	s3 =	rddreg [dreg:$0x2];
	[bflag:$0x3] =	sbarrier.arrive $0xFFFF;
	s2 =	simm.s32 @!p0 $0x1C01  }
0x36: {  	[timem:s3], [sflag:s2] =	dma.local @!p0 [hbm:s0], s1  }
0x37: {  	s0 =	simm.s32 @!p0 $0x1  }
0x38: {  	_ =	swait.ge @!p0 [sflag:s0], s1  }
0x39: {  	s1 =	ssub.s32 @!p0 $0x0, s1;
	[sflag:s0] =	ssyncset.done @!p0 $0x0  }
0x3a: {  	[sflag:s0] =	ssyncadd.s32 @!p0 s1  }
0x3b: {  	[bflag:$0x3] =	sbarrier.arrive $0xFFFF  }
0x3c: {  	_ =	shalt  }

</sc_bundles>
